<compile_context>
chip_gen: v7x
topology: tpu7x:2x2x1
jax: 0.10.2.dev20260603
libtpu: 0.0.44.dev20260713+nightly
codegen_flags: <defaults>
</compile_context>

<pallas_src>
import functools

import jax
import jax.numpy as jnp
from jax import lax
from jax.experimental import pallas as pl
from jax.experimental.pallas import tpu as pltpu
from jax.experimental.pallas import tpu_sc as plsc

_D = 64
_C = 256
_NBUF = 2


def _sc_info():
    try:
        info = plsc.get_sparse_core_info()
        return info.num_cores, info.num_subcores
    except Exception:
        return 2, 16


@functools.lru_cache(maxsize=None)
def _build(N, S):
    NC, NS = _sc_info()
    NW = NC * NS
    assert N % _C == 0
    chunks_per_s = N // _C
    total_chunks = S * chunks_per_s
    assert total_chunks % (NW * _NBUF) == 0
    per_w = total_chunks // NW
    ngroups = per_w // _NBUF

    mesh = plsc.VectorSubcoreMesh(core_axis_name="c", subcore_axis_name="s")

    @functools.partial(
        pl.kernel,
        mesh=mesh,
        out_type=jax.ShapeDtypeStruct((S, _D, N), jnp.float32),
        scratch_types=[pltpu.VMEM((per_w * _C,), jnp.int32)]
        + [pltpu.VMEM((_C,), jnp.int32)] * _NBUF
        + [pltpu.VMEM((_C, 2 * _D), jnp.float32)] * _NBUF
        + [pltpu.VMEM((_D, _C), jnp.float32)] * _NBUF
        + [pltpu.SemaphoreType.DMA] * _NBUF
        + [pltpu.SemaphoreType.DMA] * _NBUF,
        compiler_params=pltpu.CompilerParams(
            use_tc_tiling_on_sc=True, needs_layout_passes=False
        ),
    )
    def gather_kernel(idx_hbm, table_hbm, out_hbm, idx_v, *scratch):
        ibig_v = scratch[:_NBUF]
        rows_v = scratch[_NBUF:2 * _NBUF]
        trans_v = scratch[2 * _NBUF:3 * _NBUF]
        gsems = scratch[3 * _NBUF:4 * _NBUF]
        ssems = scratch[4 * _NBUF:]
        wid = lax.axis_index("s") * NC + lax.axis_index("c")
        base_chunk = wid * per_w

        iota16 = lax.iota(jnp.int32, 16)
        row_vecs = [c16 * 16 + iota16 for c16 in range(16)]

        pltpu.sync_copy(idx_hbm.at[pl.ds(base_chunk * _C, per_w * _C)], idx_v)

        def start_gather(i, b):
            for c16 in range(_C // 16):
                iv = idx_v[pl.ds(i * _C + c16 * 16, 16)]
                ibig_v[b][pl.ds(c16 * 16, 16)] = iv >> 1
            pltpu.async_copy(table_hbm.at[ibig_v[b]], rows_v[b], gsems[b])

        def wait_gather(b):
            pltpu.make_async_copy(
                table_hbm.at[ibig_v[b]], rows_v[b], gsems[b]
            ).wait()

        def dst_of(i):
            g = base_chunk + i
            s = g // chunks_per_s
            b0 = (g % chunks_per_s) * _C
            return out_hbm.at[s, :, pl.ds(b0, _C)]

        def transpose(i, b):
            rows = rows_v[b]
            trans = trans_v[b]
            par64 = []
            for c16 in range(16):
                iv = idx_v[pl.ds(i * _C + c16 * 16, 16)]
                par64.append((iv & 1) << 6)

            def jq_body(jq, _):
                for dj in range(4):
                    j = jq * 4 + dj
                    col_j = (iota16 + j) & (_D - 1)
                    for c16 in range(16):
                        v = plsc.load_gather(
                            rows, [row_vecs[c16], col_j + par64[c16]]
                        )
                        plsc.store_scatter(trans, [col_j, row_vecs[c16]], v)
                return 0

            lax.fori_loop(0, _D // 4, jq_body, 0)

        for b in range(_NBUF):
            start_gather(b, b)

        def group_body(grp, _):
            for b in range(_NBUF):
                i = grp * _NBUF + b
                wait_gather(b)

                @pl.when(grp > 0)
                def _():
                    pltpu.make_async_copy(
                        trans_v[b], dst_of(i - _NBUF), ssems[b]
                    ).wait()

                transpose(i, b)
                pltpu.async_copy(trans_v[b], dst_of(i), ssems[b])

                @pl.when(grp < ngroups - 1)
                def _():
                    start_gather(i + _NBUF, b)

            return 0

        lax.fori_loop(0, ngroups, group_body, 0)

        for b in range(_NBUF):
            i = (ngroups - 1) * _NBUF + b
            pltpu.make_async_copy(trans_v[b], dst_of(i), ssems[b]).wait()

    return gather_kernel


def kernel(idxs, syn0):
    N, S = idxs.shape
    flat_t = jnp.transpose(idxs).reshape(-1).astype(jnp.int32)
    syn2 = syn0.reshape(syn0.shape[0] // 2, 2 * syn0.shape[1])
    out = _build(N, S)(flat_t, syn2)
    return out.transpose(2, 0, 1)

# --- scband reference (transcript-rebuilt; emitter-appended) ---
"""Pipeline reference for scband-wiki2-vec-77300821393559 (READ-ONLY COPY).

The authoritative reference and input builder live on the scoring server;
editing this copy changes nothing except your own understanding.
"""

import jax, jax.numpy as jnp
import numpy as np


def setup_inputs(seed: int = 0) -> dict:
    key = jax.random.key(seed)
    k_idx, k_tab = jax.random.split(key)
    idxs = jax.random.randint(k_idx, (16384, 50), 0, 1000000, dtype=jnp.int64)
    syn0 = jax.random.normal(k_tab, (1000000, 64), dtype=jnp.float32)
    return {"idxs": idxs, "syn0": syn0}


def reference(idxs, syn0):
    # Wiki2Vec.forward: syn0[idxs.reshape(-1)] then restore the leading index
    # shape (embedding dim appended). Pure gather / embedding lookup.
    flat = idxs.reshape(-1)
    gathered = jnp.take(syn0, flat, axis=0)
    return gathered.reshape(*idxs.shape, syn0.shape[1])

if __name__ == "__main__":
    import jax
    _d = setup_inputs()
    print(jax.jit(kernel)(*tuple(_d.values())))

</pallas_src>

<mosaic_0001>
#map = affine_map<(d0, d1) -> (0)>
#map1 = affine_map<(d0, d1) -> (0, 0)>
#map2 = affine_map<(d0, d1) -> (0, 0, 0)>
module attributes {stable_mosaic.version = 14 : i64} {
  func.func @gather_kernel(%arg0: i32, %arg1: i32, %arg2: memref<819200xi32, #tpu.memory_space<hbm>>, %arg3: memref<500000x128xf32, #tpu.memory_space<hbm>>, %arg4: memref<50x64x16384xf32, #tpu.memory_space<hbm>>, %arg5: memref<25600xi32, #tpu.memory_space<vmem>>, %arg6: memref<256xi32, #tpu.memory_space<vmem>>, %arg7: memref<256xi32, #tpu.memory_space<vmem>>, %arg8: memref<256x128xf32, #tpu.memory_space<vmem>>, %arg9: memref<256x128xf32, #tpu.memory_space<vmem>>, %arg10: memref<64x256xf32, #tpu.memory_space<vmem>>, %arg11: memref<64x256xf32, #tpu.memory_space<vmem>>, %arg12: memref<!tpu.dma_semaphore, #tpu.memory_space<semaphore_mem>>, %arg13: memref<!tpu.dma_semaphore, #tpu.memory_space<semaphore_mem>>, %arg14: memref<!tpu.dma_semaphore, #tpu.memory_space<semaphore_mem>>, %arg15: memref<!tpu.dma_semaphore, #tpu.memory_space<semaphore_mem>>) attributes {dimension_semantics = [#tpu.dimension_semantics<core_parallel>, #tpu.dimension_semantics<subcore_parallel>], iteration_bounds = array<i64: 2, 16>, scalar_prefetch = 0 : i64, scratch_operands = 11 : i64, tpu.core_type = #tpu.core_type<sc_vector_subcore>, window_params = [{transform_indices = #map}, {transform_indices = #map1}, {transform_indices = #map2}]} {
    %mul3A = arith.constant 2 : i32
    %mul3A_0 = arith.muli %arg1, %mul3A : i32
    %add3A = arith.addi %mul3A_0, %arg0 : i32
    %mul3A_1 = arith.constant 100 : i32
    %mul3A_2 = arith.muli %add3A, %mul3A_1 : i32
    %iota3A = tpu.iota {dimensions = array<i32: 0>} : vector<16xi32>
    %add3A_3 = arith.constant 0 : i32
    %add3A_4 = vector.broadcast %add3A_3 : i32 to vector<16xi32>
    %add3A_5 = arith.addi %add3A_4, %iota3A : vector<16xi32>
    %add3A_6 = arith.constant 16 : i32
    %add3A_7 = vector.broadcast %add3A_6 : i32 to vector<16xi32>
    %add3A_8 = arith.addi %add3A_7, %iota3A : vector<16xi32>
    %add3A_9 = arith.constant 32 : i32
    %add3A_10 = vector.broadcast %add3A_9 : i32 to vector<16xi32>
    %add3A_11 = arith.addi %add3A_10, %iota3A : vector<16xi32>
    %add3A_12 = arith.constant 48 : i32
    %add3A_13 = vector.broadcast %add3A_12 : i32 to vector<16xi32>
    %add3A_14 = arith.addi %add3A_13, %iota3A : vector<16xi32>
    %add3A_15 = arith.constant 64 : i32
    %add3A_16 = vector.broadcast %add3A_15 : i32 to vector<16xi32>
    %add3A_17 = arith.addi %add3A_16, %iota3A : vector<16xi32>
    %add3A_18 = arith.constant 80 : i32
    %add3A_19 = vector.broadcast %add3A_18 : i32 to vector<16xi32>
    %add3A_20 = arith.addi %add3A_19, %iota3A : vector<16xi32>
    %add3A_21 = arith.constant 96 : i32
    %add3A_22 = vector.broadcast %add3A_21 : i32 to vector<16xi32>
    %add3A_23 = arith.addi %add3A_22, %iota3A : vector<16xi32>
    %add3A_24 = arith.constant 112 : i32
    %add3A_25 = vector.broadcast %add3A_24 : i32 to vector<16xi32>
    %add3A_26 = arith.addi %add3A_25, %iota3A : vector<16xi32>
    %add3A_27 = arith.constant 128 : i32
    %add3A_28 = vector.broadcast %add3A_27 : i32 to vector<16xi32>
    %add3A_29 = arith.addi %add3A_28, %iota3A : vector<16xi32>
    %add3A_30 = arith.constant 144 : i32
    %add3A_31 = vector.broadcast %add3A_30 : i32 to vector<16xi32>
    %add3A_32 = arith.addi %add3A_31, %iota3A : vector<16xi32>
    %add3A_33 = arith.constant 160 : i32
    %add3A_34 = vector.broadcast %add3A_33 : i32 to vector<16xi32>
    %add3A_35 = arith.addi %add3A_34, %iota3A : vector<16xi32>
    %add3A_36 = arith.constant 176 : i32
    %add3A_37 = vector.broadcast %add3A_36 : i32 to vector<16xi32>
    %add3A_38 = arith.addi %add3A_37, %iota3A : vector<16xi32>
    %add3A_39 = arith.constant 192 : i32
    %add3A_40 = vector.broadcast %add3A_39 : i32 to vector<16xi32>
    %add3A_41 = arith.addi %add3A_40, %iota3A : vector<16xi32>
    %add3A_42 = arith.constant 208 : i32
    %add3A_43 = vector.broadcast %add3A_42 : i32 to vector<16xi32>
    %add3A_44 = arith.addi %add3A_43, %iota3A : vector<16xi32>
    %add3A_45 = arith.constant 224 : i32
    %add3A_46 = vector.broadcast %add3A_45 : i32 to vector<16xi32>
    %add3A_47 = arith.addi %add3A_46, %iota3A : vector<16xi32>
    %add3A_48 = arith.constant 240 : i32
    %add3A_49 = vector.broadcast %add3A_48 : i32 to vector<16xi32>
    %add3A_50 = arith.addi %add3A_49, %iota3A : vector<16xi32>
    %mul3A_51 = arith.constant 256 : i32
    %mul3A_52 = arith.muli %mul3A_2, %mul3A_51 : i32
    "tpu.region"() ({
      %run_scoped3A = tpu.sem_alloc : memref<!tpu.dma_semaphore, #tpu.memory_space<semaphore_mem>>
      %dma_start3A_374 = tpu.memref_slice %arg2[%mul3A_52] : memref<819200xi32, #tpu.memory_space<hbm>> -> memref<25600xi32, #tpu.memory_space<hbm>>
      %dma_start3A_375 = tpu.memref_slice %arg2[%mul3A_52] : memref<819200xi32, #tpu.memory_space<hbm>> -> memref<25600xi32, #tpu.memory_space<hbm>>
      tpu.enqueue_dma source(%dma_start3A_375 : memref<25600xi32, #tpu.memory_space<hbm>>) target(%arg5 : memref<25600xi32, #tpu.memory_space<vmem>>) target_semaphore(%run_scoped3A : memref<!tpu.dma_semaphore, #tpu.memory_space<semaphore_mem>>)
      %dma_wait3A_376 = tpu.memref_slice %arg2[%mul3A_52] : memref<819200xi32, #tpu.memory_space<hbm>> -> memref<25600xi32, #tpu.memory_space<hbm>>
      %dma_wait3A_377 = tpu.memref_slice %arg2[%mul3A_52] : memref<819200xi32, #tpu.memory_space<hbm>> -> memref<25600xi32, #tpu.memory_space<hbm>>
      tpu.wait_dma2 semaphore(%run_scoped3A : memref<!tpu.dma_semaphore, #tpu.memory_space<semaphore_mem>>) src(%dma_wait3A_377 : memref<25600xi32, #tpu.memory_space<hbm>>) dst(%arg5 : memref<25600xi32, #tpu.memory_space<vmem>>)
      tpu.yield
    }) : () -> ()
    %get3A = arith.constant 0 : index
    %get3A_53 = tpu.vector_load %arg5[%get3A] {strides = array<i32>} : memref<25600xi32, #tpu.memory_space<vmem>>, vector<16xi32>,
    %shift_right_arithmetic3A = arith.constant 1 : i32
    %shift_right_arithmetic3A_54 = vector.broadcast %shift_right_arithmetic3A : i32 to vector<16xi32>
    %shift_right_arithmetic3A_55 = arith.shrsi %get3A_53, %shift_right_arithmetic3A_54 : vector<16xi32>
    %swap3A = arith.constant 0 : index
    %swap3A_56 = tpu.vector_load %arg6[%swap3A] {strides = array<i32>} : memref<256xi32, #tpu.memory_space<vmem>>, vector<16xi32>,
    tpu.vector_store %arg6[%swap3A], %shift_right_arithmetic3A_55 {strides = array<i32>} : memref<256xi32, #tpu.memory_space<vmem>>, vector<16xi32>,
    %get3A_57 = arith.constant 16 : index
    %get3A_58 = tpu.vector_load %arg5[%get3A_57] {strides = array<i32>} : memref<25600xi32, #tpu.memory_space<vmem>>, vector<16xi32>,
    %shift_right_arithmetic3A_59 = arith.constant 1 : i32
    %shift_right_arithmetic3A_60 = vector.broadcast %shift_right_arithmetic3A_59 : i32 to vector<16xi32>
    %shift_right_arithmetic3A_61 = arith.shrsi %get3A_58, %shift_right_arithmetic3A_60 : vector<16xi32>
    %swap3A_62 = arith.constant 16 : index
    %swap3A_63 = tpu.vector_load %arg6[%swap3A_62] {strides = array<i32>} : memref<256xi32, #tpu.memory_space<vmem>>, vector<16xi32>,
    tpu.vector_store %arg6[%swap3A_62], %shift_right_arithmetic3A_61 {strides = array<i32>} : memref<256xi32, #tpu.memory_space<vmem>>, vector<16xi32>,
    %get3A_64 = arith.constant 32 : index
    %get3A_65 = tpu.vector_load %arg5[%get3A_64] {strides = array<i32>} : memref<25600xi32, #tpu.memory_space<vmem>>, vector<16xi32>,
    %shift_right_arithmetic3A_66 = arith.constant 1 : i32
    %shift_right_arithmetic3A_67 = vector.broadcast %shift_right_arithmetic3A_66 : i32 to vector<16xi32>
    %shift_right_arithmetic3A_68 = arith.shrsi %get3A_65, %shift_right_arithmetic3A_67 : vector<16xi32>
    %swap3A_69 = arith.constant 32 : index
    %swap3A_70 = tpu.vector_load %arg6[%swap3A_69] {strides = array<i32>} : memref<256xi32, #tpu.memory_space<vmem>>, vector<16xi32>,
    tpu.vector_store %arg6[%swap3A_69], %shift_right_arithmetic3A_68 {strides = array<i32>} : memref<256xi32, #tpu.memory_space<vmem>>, vector<16xi32>,
    %get3A_71 = arith.constant 48 : index
    %get3A_72 = tpu.vector_load %arg5[%get3A_71] {strides = array<i32>} : memref<25600xi32, #tpu.memory_space<vmem>>, vector<16xi32>,
    %shift_right_arithmetic3A_73 = arith.constant 1 : i32
    %shift_right_arithmetic3A_74 = vector.broadcast %shift_right_arithmetic3A_73 : i32 to vector<16xi32>
    %shift_right_arithmetic3A_75 = arith.shrsi %get3A_72, %shift_right_arithmetic3A_74 : vector<16xi32>
    %swap3A_76 = arith.constant 48 : index
    %swap3A_77 = tpu.vector_load %arg6[%swap3A_76] {strides = array<i32>} : memref<256xi32, #tpu.memory_space<vmem>>, vector<16xi32>,
    tpu.vector_store %arg6[%swap3A_76], %shift_right_arithmetic3A_75 {strides = array<i32>} : memref<256xi32, #tpu.memory_space<vmem>>, vector<16xi32>,
    %get3A_78 = arith.constant 64 : index
    %get3A_79 = tpu.vector_load %arg5[%get3A_78] {strides = array<i32>} : memref<25600xi32, #tpu.memory_space<vmem>>, vector<16xi32>,
    %shift_right_arithmetic3A_80 = arith.constant 1 : i32
    %shift_right_arithmetic3A_81 = vector.broadcast %shift_right_arithmetic3A_80 : i32 to vector<16xi32>
    %shift_right_arithmetic3A_82 = arith.shrsi %get3A_79, %shift_right_arithmetic3A_81 : vector<16xi32>
    %swap3A_83 = arith.constant 64 : index
    %swap3A_84 = tpu.vector_load %arg6[%swap3A_83] {strides = array<i32>} : memref<256xi32, #tpu.memory_space<vmem>>, vector<16xi32>,
    tpu.vector_store %arg6[%swap3A_83], %shift_right_arithmetic3A_82 {strides = array<i32>} : memref<256xi32, #tpu.memory_space<vmem>>, vector<16xi32>,
    %get3A_85 = arith.constant 80 : index
    %get3A_86 = tpu.vector_load %arg5[%get3A_85] {strides = array<i32>} : memref<25600xi32, #tpu.memory_space<vmem>>, vector<16xi32>,
    %shift_right_arithmetic3A_87 = arith.constant 1 : i32
    %shift_right_arithmetic3A_88 = vector.broadcast %shift_right_arithmetic3A_87 : i32 to vector<16xi32>
    %shift_right_arithmetic3A_89 = arith.shrsi %get3A_86, %shift_right_arithmetic3A_88 : vector<16xi32>
    %swap3A_90 = arith.constant 80 : index
    %swap3A_91 = tpu.vector_load %arg6[%swap3A_90] {strides = array<i32>} : memref<256xi32, #tpu.memory_space<vmem>>, vector<16xi32>,
    tpu.vector_store %arg6[%swap3A_90], %shift_right_arithmetic3A_89 {strides = array<i32>} : memref<256xi32, #tpu.memory_space<vmem>>, vector<16xi32>,
    %get3A_92 = arith.constant 96 : index
    %get3A_93 = tpu.vector_load %arg5[%get3A_92] {strides = array<i32>} : memref<25600xi32, #tpu.memory_space<vmem>>, vector<16xi32>,
    %shift_right_arithmetic3A_94 = arith.constant 1 : i32
    %shift_right_arithmetic3A_95 = vector.broadcast %shift_right_arithmetic3A_94 : i32 to vector<16xi32>
    %shift_right_arithmetic3A_96 = arith.shrsi %get3A_93, %shift_right_arithmetic3A_95 : vector<16xi32>
    %swap3A_97 = arith.constant 96 : index
    %swap3A_98 = tpu.vector_load %arg6[%swap3A_97] {strides = array<i32>} : memref<256xi32, #tpu.memory_space<vmem>>, vector<16xi32>,
    tpu.vector_store %arg6[%swap3A_97], %shift_right_arithmetic3A_96 {strides = array<i32>} : memref<256xi32, #tpu.memory_space<vmem>>, vector<16xi32>,
    %get3A_99 = arith.constant 112 : index
    %get3A_100 = tpu.vector_load %arg5[%get3A_99] {strides = array<i32>} : memref<25600xi32, #tpu.memory_space<vmem>>, vector<16xi32>,
    %shift_right_arithmetic3A_101 = arith.constant 1 : i32
    %shift_right_arithmetic3A_102 = vector.broadcast %shift_right_arithmetic3A_101 : i32 to vector<16xi32>
    %shift_right_arithmetic3A_103 = arith.shrsi %get3A_100, %shift_right_arithmetic3A_102 : vector<16xi32>
    %swap3A_104 = arith.constant 112 : index
    %swap3A_105 = tpu.vector_load %arg6[%swap3A_104] {strides = array<i32>} : memref<256xi32, #tpu.memory_space<vmem>>, vector<16xi32>,
    tpu.vector_store %arg6[%swap3A_104], %shift_right_arithmetic3A_103 {strides = array<i32>} : memref<256xi32, #tpu.memory_space<vmem>>, vector<16xi32>,
    %get3A_106 = arith.constant 128 : index
    %get3A_107 = tpu.vector_load %arg5[%get3A_106] {strides = array<i32>} : memref<25600xi32, #tpu.memory_space<vmem>>, vector<16xi32>,
    %shift_right_arithmetic3A_108 = arith.constant 1 : i32
    %shift_right_arithmetic3A_109 = vector.broadcast %shift_right_arithmetic3A_108 : i32 to vector<16xi32>
    %shift_right_arithmetic3A_110 = arith.shrsi %get3A_107, %shift_right_arithmetic3A_109 : vector<16xi32>
    %swap3A_111 = arith.constant 128 : index
    %swap3A_112 = tpu.vector_load %arg6[%swap3A_111] {strides = array<i32>} : memref<256xi32, #tpu.memory_space<vmem>>, vector<16xi32>,
    tpu.vector_store %arg6[%swap3A_111], %shift_right_arithmetic3A_110 {strides = array<i32>} : memref<256xi32, #tpu.memory_space<vmem>>, vector<16xi32>,
    %get3A_113 = arith.constant 144 : index
    %get3A_114 = tpu.vector_load %arg5[%get3A_113] {strides = array<i32>} : memref<25600xi32, #tpu.memory_space<vmem>>, vector<16xi32>,
    %shift_right_arithmetic3A_115 = arith.constant 1 : i32
    %shift_right_arithmetic3A_116 = vector.broadcast %shift_right_arithmetic3A_115 : i32 to vector<16xi32>
    %shift_right_arithmetic3A_117 = arith.shrsi %get3A_114, %shift_right_arithmetic3A_116 : vector<16xi32>
    %swap3A_118 = arith.constant 144 : index
    %swap3A_119 = tpu.vector_load %arg6[%swap3A_118] {strides = array<i32>} : memref<256xi32, #tpu.memory_space<vmem>>, vector<16xi32>,
    tpu.vector_store %arg6[%swap3A_118], %shift_right_arithmetic3A_117 {strides = array<i32>} : memref<256xi32, #tpu.memory_space<vmem>>, vector<16xi32>,
    %get3A_120 = arith.constant 160 : index
    %get3A_121 = tpu.vector_load %arg5[%get3A_120] {strides = array<i32>} : memref<25600xi32, #tpu.memory_space<vmem>>, vector<16xi32>,
    %shift_right_arithmetic3A_122 = arith.constant 1 : i32
    %shift_right_arithmetic3A_123 = vector.broadcast %shift_right_arithmetic3A_122 : i32 to vector<16xi32>
    %shift_right_arithmetic3A_124 = arith.shrsi %get3A_121, %shift_right_arithmetic3A_123 : vector<16xi32>
    %swap3A_125 = arith.constant 160 : index
    %swap3A_126 = tpu.vector_load %arg6[%swap3A_125] {strides = array<i32>} : memref<256xi32, #tpu.memory_space<vmem>>, vector<16xi32>,
    tpu.vector_store %arg6[%swap3A_125], %shift_right_arithmetic3A_124 {strides = array<i32>} : memref<256xi32, #tpu.memory_space<vmem>>, vector<16xi32>,
    %get3A_127 = arith.constant 176 : index
    %get3A_128 = tpu.vector_load %arg5[%get3A_127] {strides = array<i32>} : memref<25600xi32, #tpu.memory_space<vmem>>, vector<16xi32>,
    %shift_right_arithmetic3A_129 = arith.constant 1 : i32
    %shift_right_arithmetic3A_130 = vector.broadcast %shift_right_arithmetic3A_129 : i32 to vector<16xi32>
    %shift_right_arithmetic3A_131 = arith.shrsi %get3A_128, %shift_right_arithmetic3A_130 : vector<16xi32>
    %swap3A_132 = arith.constant 176 : index
    %swap3A_133 = tpu.vector_load %arg6[%swap3A_132] {strides = array<i32>} : memref<256xi32, #tpu.memory_space<vmem>>, vector<16xi32>,
    tpu.vector_store %arg6[%swap3A_132], %shift_right_arithmetic3A_131 {strides = array<i32>} : memref<256xi32, #tpu.memory_space<vmem>>, vector<16xi32>,
    %get3A_134 = arith.constant 192 : index
    %get3A_135 = tpu.vector_load %arg5[%get3A_134] {strides = array<i32>} : memref<25600xi32, #tpu.memory_space<vmem>>, vector<16xi32>,
    %shift_right_arithmetic3A_136 = arith.constant 1 : i32
    %shift_right_arithmetic3A_137 = vector.broadcast %shift_right_arithmetic3A_136 : i32 to vector<16xi32>
    %shift_right_arithmetic3A_138 = arith.shrsi %get3A_135, %shift_right_arithmetic3A_137 : vector<16xi32>
    %swap3A_139 = arith.constant 192 : index
    %swap3A_140 = tpu.vector_load %arg6[%swap3A_139] {strides = array<i32>} : memref<256xi32, #tpu.memory_space<vmem>>, vector<16xi32>,
    tpu.vector_store %arg6[%swap3A_139], %shift_right_arithmetic3A_138 {strides = array<i32>} : memref<256xi32, #tpu.memory_space<vmem>>, vector<16xi32>,
    %get3A_141 = arith.constant 208 : index
    %get3A_142 = tpu.vector_load %arg5[%get3A_141] {strides = array<i32>} : memref<25600xi32, #tpu.memory_space<vmem>>, vector<16xi32>,
    %shift_right_arithmetic3A_143 = arith.constant 1 : i32
    %shift_right_arithmetic3A_144 = vector.broadcast %shift_right_arithmetic3A_143 : i32 to vector<16xi32>
    %shift_right_arithmetic3A_145 = arith.shrsi %get3A_142, %shift_right_arithmetic3A_144 : vector<16xi32>
    %swap3A_146 = arith.constant 208 : index
    %swap3A_147 = tpu.vector_load %arg6[%swap3A_146] {strides = array<i32>} : memref<256xi32, #tpu.memory_space<vmem>>, vector<16xi32>,
    tpu.vector_store %arg6[%swap3A_146], %shift_right_arithmetic3A_145 {strides = array<i32>} : memref<256xi32, #tpu.memory_space<vmem>>, vector<16xi32>,
    %get3A_148 = arith.constant 224 : index
    %get3A_149 = tpu.vector_load %arg5[%get3A_148] {strides = array<i32>} : memref<25600xi32, #tpu.memory_space<vmem>>, vector<16xi32>,
    %shift_right_arithmetic3A_150 = arith.constant 1 : i32
    %shift_right_arithmetic3A_151 = vector.broadcast %shift_right_arithmetic3A_150 : i32 to vector<16xi32>
    %shift_right_arithmetic3A_152 = arith.shrsi %get3A_149, %shift_right_arithmetic3A_151 : vector<16xi32>
    %swap3A_153 = arith.constant 224 : index
    %swap3A_154 = tpu.vector_load %arg6[%swap3A_153] {strides = array<i32>} : memref<256xi32, #tpu.memory_space<vmem>>, vector<16xi32>,
    tpu.vector_store %arg6[%swap3A_153], %shift_right_arithmetic3A_152 {strides = array<i32>} : memref<256xi32, #tpu.memory_space<vmem>>, vector<16xi32>,
    %get3A_155 = arith.constant 240 : index
    %get3A_156 = tpu.vector_load %arg5[%get3A_155] {strides = array<i32>} : memref<25600xi32, #tpu.memory_space<vmem>>, vector<16xi32>,
    %shift_right_arithmetic3A_157 = arith.constant 1 : i32
    %shift_right_arithmetic3A_158 = vector.broadcast %shift_right_arithmetic3A_157 : i32 to vector<16xi32>
    %shift_right_arithmetic3A_159 = arith.shrsi %get3A_156, %shift_right_arithmetic3A_158 : vector<16xi32>
    %swap3A_160 = arith.constant 240 : index
    %swap3A_161 = tpu.vector_load %arg6[%swap3A_160] {strides = array<i32>} : memref<256xi32, #tpu.memory_space<vmem>>, vector<16xi32>,
    tpu.vector_store %arg6[%swap3A_160], %shift_right_arithmetic3A_159 {strides = array<i32>} : memref<256xi32, #tpu.memory_space<vmem>>, vector<16xi32>,
    %dma_start3A = arith.constant 0 : i32
    %dma_start3A_162 = arith.constant 0 : i32
    %dma_start3A_163 = tpu.memref_slice %arg3[%dma_start3A, %dma_start3A_162] : memref<500000x128xf32, #tpu.memory_space<hbm>> -> memref<500000x128xf32, #tpu.memory_space<hbm>>
    tpu.enqueue_indirect_dma source(%dma_start3A_163 : memref<500000x128xf32, #tpu.memory_space<hbm>>) target(%arg8 : memref<256x128xf32, #tpu.memory_space<vmem>>) offsets(%arg6 : memref<256xi32, #tpu.memory_space<vmem>>) semaphore(%arg12 : memref<!tpu.dma_semaphore, #tpu.memory_space<semaphore_mem>>)
    %get3A_164 = arith.constant 256 : index
    %get3A_165 = tpu.vector_load %arg5[%get3A_164] {strides = array<i32>} : memref<25600xi32, #tpu.memory_space<vmem>>, vector<16xi32>,
    %shift_right_arithmetic3A_166 = arith.constant 1 : i32
    %shift_right_arithmetic3A_167 = vector.broadcast %shift_right_arithmetic3A_166 : i32 to vector<16xi32>
    %shift_right_arithmetic3A_168 = arith.shrsi %get3A_165, %shift_right_arithmetic3A_167 : vector<16xi32>
    %swap3A_169 = arith.constant 0 : index
    %swap3A_170 = tpu.vector_load %arg7[%swap3A_169] {strides = array<i32>} : memref<256xi32, #tpu.memory_space<vmem>>, vector<16xi32>,
    tpu.vector_store %arg7[%swap3A_169], %shift_right_arithmetic3A_168 {strides = array<i32>} : memref<256xi32, #tpu.memory_space<vmem>>, vector<16xi32>,
    %get3A_171 = arith.constant 272 : index
    %get3A_172 = tpu.vector_load %arg5[%get3A_171] {strides = array<i32>} : memref<25600xi32, #tpu.memory_space<vmem>>, vector<16xi32>,
    %shift_right_arithmetic3A_173 = arith.constant 1 : i32
    %shift_right_arithmetic3A_174 = vector.broadcast %shift_right_arithmetic3A_173 : i32 to vector<16xi32>
    %shift_right_arithmetic3A_175 = arith.shrsi %get3A_172, %shift_right_arithmetic3A_174 : vector<16xi32>
    %swap3A_176 = arith.constant 16 : index
    %swap3A_177 = tpu.vector_load %arg7[%swap3A_176] {strides = array<i32>} : memref<256xi32, #tpu.memory_space<vmem>>, vector<16xi32>,
    tpu.vector_store %arg7[%swap3A_176], %shift_right_arithmetic3A_175 {strides = array<i32>} : memref<256xi32, #tpu.memory_space<vmem>>, vector<16xi32>,
    %get3A_178 = arith.constant 288 : index
    %get3A_179 = tpu.vector_load %arg5[%get3A_178] {strides = array<i32>} : memref<25600xi32, #tpu.memory_space<vmem>>, vector<16xi32>,
    %shift_right_arithmetic3A_180 = arith.constant 1 : i32
    %shift_right_arithmetic3A_181 = vector.broadcast %shift_right_arithmetic3A_180 : i32 to vector<16xi32>
    %shift_right_arithmetic3A_182 = arith.shrsi %get3A_179, %shift_right_arithmetic3A_181 : vector<16xi32>
    %swap3A_183 = arith.constant 32 : index
    %swap3A_184 = tpu.vector_load %arg7[%swap3A_183] {strides = array<i32>} : memref<256xi32, #tpu.memory_space<vmem>>, vector<16xi32>,
    tpu.vector_store %arg7[%swap3A_183], %shift_right_arithmetic3A_182 {strides = array<i32>} : memref<256xi32, #tpu.memory_space<vmem>>, vector<16xi32>,
    %get3A_185 = arith.constant 304 : index
    %get3A_186 = tpu.vector_load %arg5[%get3A_185] {strides = array<i32>} : memref<25600xi32, #tpu.memory_space<vmem>>, vector<16xi32>,
    %shift_right_arithmetic3A_187 = arith.constant 1 : i32
    %shift_right_arithmetic3A_188 = vector.broadcast %shift_right_arithmetic3A_187 : i32 to vector<16xi32>
    %shift_right_arithmetic3A_189 = arith.shrsi %get3A_186, %shift_right_arithmetic3A_188 : vector<16xi32>
    %swap3A_190 = arith.constant 48 : index
    %swap3A_191 = tpu.vector_load %arg7[%swap3A_190] {strides = array<i32>} : memref<256xi32, #tpu.memory_space<vmem>>, vector<16xi32>,
    tpu.vector_store %arg7[%swap3A_190], %shift_right_arithmetic3A_189 {strides = array<i32>} : memref<256xi32, #tpu.memory_space<vmem>>, vector<16xi32>,
    %get3A_192 = arith.constant 320 : index
    %get3A_193 = tpu.vector_load %arg5[%get3A_192] {strides = array<i32>} : memref<25600xi32, #tpu.memory_space<vmem>>, vector<16xi32>,
    %shift_right_arithmetic3A_194 = arith.constant 1 : i32
    %shift_right_arithmetic3A_195 = vector.broadcast %shift_right_arithmetic3A_194 : i32 to vector<16xi32>
    %shift_right_arithmetic3A_196 = arith.shrsi %get3A_193, %shift_right_arithmetic3A_195 : vector<16xi32>
    %swap3A_197 = arith.constant 64 : index
    %swap3A_198 = tpu.vector_load %arg7[%swap3A_197] {strides = array<i32>} : memref<256xi32, #tpu.memory_space<vmem>>, vector<16xi32>,
    tpu.vector_store %arg7[%swap3A_197], %shift_right_arithmetic3A_196 {strides = array<i32>} : memref<256xi32, #tpu.memory_space<vmem>>, vector<16xi32>,
    %get3A_199 = arith.constant 336 : index
    %get3A_200 = tpu.vector_load %arg5[%get3A_199] {strides = array<i32>} : memref<25600xi32, #tpu.memory_space<vmem>>, vector<16xi32>,
    %shift_right_arithmetic3A_201 = arith.constant 1 : i32
    %shift_right_arithmetic3A_202 = vector.broadcast %shift_right_arithmetic3A_201 : i32 to vector<16xi32>
    %shift_right_arithmetic3A_203 = arith.shrsi %get3A_200, %shift_right_arithmetic3A_202 : vector<16xi32>
    %swap3A_204 = arith.constant 80 : index
    %swap3A_205 = tpu.vector_load %arg7[%swap3A_204] {strides = array<i32>} : memref<256xi32, #tpu.memory_space<vmem>>, vector<16xi32>,
    tpu.vector_store %arg7[%swap3A_204], %shift_right_arithmetic3A_203 {strides = array<i32>} : memref<256xi32, #tpu.memory_space<vmem>>, vector<16xi32>,
    %get3A_206 = arith.constant 352 : index
    %get3A_207 = tpu.vector_load %arg5[%get3A_206] {strides = array<i32>} : memref<25600xi32, #tpu.memory_space<vmem>>, vector<16xi32>,
    %shift_right_arithmetic3A_208 = arith.constant 1 : i32
    %shift_right_arithmetic3A_209 = vector.broadcast %shift_right_arithmetic3A_208 : i32 to vector<16xi32>
    %shift_right_arithmetic3A_210 = arith.shrsi %get3A_207, %shift_right_arithmetic3A_209 : vector<16xi32>
    %swap3A_211 = arith.constant 96 : index
    %swap3A_212 = tpu.vector_load %arg7[%swap3A_211] {strides = array<i32>} : memref<256xi32, #tpu.memory_space<vmem>>, vector<16xi32>,
    tpu.vector_store %arg7[%swap3A_211], %shift_right_arithmetic3A_210 {strides = array<i32>} : memref<256xi32, #tpu.memory_space<vmem>>, vector<16xi32>,
    %get3A_213 = arith.constant 368 : index
    %get3A_214 = tpu.vector_load %arg5[%get3A_213] {strides = array<i32>} : memref<25600xi32, #tpu.memory_space<vmem>>, vector<16xi32>,
    %shift_right_arithmetic3A_215 = arith.constant 1 : i32
    %shift_right_arithmetic3A_216 = vector.broadcast %shift_right_arithmetic3A_215 : i32 to vector<16xi32>
    %shift_right_arithmetic3A_217 = arith.shrsi %get3A_214, %shift_right_arithmetic3A_216 : vector<16xi32>
    %swap3A_218 = arith.constant 112 : index
    %swap3A_219 = tpu.vector_load %arg7[%swap3A_218] {strides = array<i32>} : memref<256xi32, #tpu.memory_space<vmem>>, vector<16xi32>,
    tpu.vector_store %arg7[%swap3A_218], %shift_right_arithmetic3A_217 {strides = array<i32>} : memref<256xi32, #tpu.memory_space<vmem>>, vector<16xi32>,
    %get3A_220 = arith.constant 384 : index
    %get3A_221 = tpu.vector_load %arg5[%get3A_220] {strides = array<i32>} : memref<25600xi32, #tpu.memory_space<vmem>>, vector<16xi32>,
    %shift_right_arithmetic3A_222 = arith.constant 1 : i32
    %shift_right_arithmetic3A_223 = vector.broadcast %shift_right_arithmetic3A_222 : i32 to vector<16xi32>
    %shift_right_arithmetic3A_224 = arith.shrsi %get3A_221, %shift_right_arithmetic3A_223 : vector<16xi32>
    %swap3A_225 = arith.constant 128 : index
    %swap3A_226 = tpu.vector_load %arg7[%swap3A_225] {strides = array<i32>} : memref<256xi32, #tpu.memory_space<vmem>>, vector<16xi32>,
    tpu.vector_store %arg7[%swap3A_225], %shift_right_arithmetic3A_224 {strides = array<i32>} : memref<256xi32, #tpu.memory_space<vmem>>, vector<16xi32>,
    %get3A_227 = arith.constant 400 : index
    %get3A_228 = tpu.vector_load %arg5[%get3A_227] {strides = array<i32>} : memref<25600xi32, #tpu.memory_space<vmem>>, vector<16xi32>,
    %shift_right_arithmetic3A_229 = arith.constant 1 : i32
    %shift_right_arithmetic3A_230 = vector.broadcast %shift_right_arithmetic3A_229 : i32 to vector<16xi32>
    %shift_right_arithmetic3A_231 = arith.shrsi %get3A_228, %shift_right_arithmetic3A_230 : vector<16xi32>
    %swap3A_232 = arith.constant 144 : index
    %swap3A_233 = tpu.vector_load %arg7[%swap3A_232] {strides = array<i32>} : memref<256xi32, #tpu.memory_space<vmem>>, vector<16xi32>,
    tpu.vector_store %arg7[%swap3A_232], %shift_right_arithmetic3A_231 {strides = array<i32>} : memref<256xi32, #tpu.memory_space<vmem>>, vector<16xi32>,
    %get3A_234 = arith.constant 416 : index
    %get3A_235 = tpu.vector_load %arg5[%get3A_234] {strides = array<i32>} : memref<25600xi32, #tpu.memory_space<vmem>>, vector<16xi32>,
    %shift_right_arithmetic3A_236 = arith.constant 1 : i32
    %shift_right_arithmetic3A_237 = vector.broadcast %shift_right_arithmetic3A_236 : i32 to vector<16xi32>
    %shift_right_arithmetic3A_238 = arith.shrsi %get3A_235, %shift_right_arithmetic3A_237 : vector<16xi32>
    %swap3A_239 = arith.constant 160 : index
    %swap3A_240 = tpu.vector_load %arg7[%swap3A_239] {strides = array<i32>} : memref<256xi32, #tpu.memory_space<vmem>>, vector<16xi32>,
    tpu.vector_store %arg7[%swap3A_239], %shift_right_arithmetic3A_238 {strides = array<i32>} : memref<256xi32, #tpu.memory_space<vmem>>, vector<16xi32>,
    %get3A_241 = arith.constant 432 : index
    %get3A_242 = tpu.vector_load %arg5[%get3A_241] {strides = array<i32>} : memref<25600xi32, #tpu.memory_space<vmem>>, vector<16xi32>,
    %shift_right_arithmetic3A_243 = arith.constant 1 : i32
    %shift_right_arithmetic3A_244 = vector.broadcast %shift_right_arithmetic3A_243 : i32 to vector<16xi32>
    %shift_right_arithmetic3A_245 = arith.shrsi %get3A_242, %shift_right_arithmetic3A_244 : vector<16xi32>
    %swap3A_246 = arith.constant 176 : index
    %swap3A_247 = tpu.vector_load %arg7[%swap3A_246] {strides = array<i32>} : memref<256xi32, #tpu.memory_space<vmem>>, vector<16xi32>,
    tpu.vector_store %arg7[%swap3A_246], %shift_right_arithmetic3A_245 {strides = array<i32>} : memref<256xi32, #tpu.memory_space<vmem>>, vector<16xi32>,
    %get3A_248 = arith.constant 448 : index
    %get3A_249 = tpu.vector_load %arg5[%get3A_248] {strides = array<i32>} : memref<25600xi32, #tpu.memory_space<vmem>>, vector<16xi32>,
    %shift_right_arithmetic3A_250 = arith.constant 1 : i32
    %shift_right_arithmetic3A_251 = vector.broadcast %shift_right_arithmetic3A_250 : i32 to vector<16xi32>
    %shift_right_arithmetic3A_252 = arith.shrsi %get3A_249, %shift_right_arithmetic3A_251 : vector<16xi32>
    %swap3A_253 = arith.constant 192 : index
    %swap3A_254 = tpu.vector_load %arg7[%swap3A_253] {strides = array<i32>} : memref<256xi32, #tpu.memory_space<vmem>>, vector<16xi32>,
    tpu.vector_store %arg7[%swap3A_253], %shift_right_arithmetic3A_252 {strides = array<i32>} : memref<256xi32, #tpu.memory_space<vmem>>, vector<16xi32>,
    %get3A_255 = arith.constant 464 : index
    %get3A_256 = tpu.vector_load %arg5[%get3A_255] {strides = array<i32>} : memref<25600xi32, #tpu.memory_space<vmem>>, vector<16xi32>,
    %shift_right_arithmetic3A_257 = arith.constant 1 : i32
    %shift_right_arithmetic3A_258 = vector.broadcast %shift_right_arithmetic3A_257 : i32 to vector<16xi32>
    %shift_right_arithmetic3A_259 = arith.shrsi %get3A_256, %shift_right_arithmetic3A_258 : vector<16xi32>
    %swap3A_260 = arith.constant 208 : index
    %swap3A_261 = tpu.vector_load %arg7[%swap3A_260] {strides = array<i32>} : memref<256xi32, #tpu.memory_space<vmem>>, vector<16xi32>,
    tpu.vector_store %arg7[%swap3A_260], %shift_right_arithmetic3A_259 {strides = array<i32>} : memref<256xi32, #tpu.memory_space<vmem>>, vector<16xi32>,
    %get3A_262 = arith.constant 480 : index
    %get3A_263 = tpu.vector_load %arg5[%get3A_262] {strides = array<i32>} : memref<25600xi32, #tpu.memory_space<vmem>>, vector<16xi32>,
    %shift_right_arithmetic3A_264 = arith.constant 1 : i32
    %shift_right_arithmetic3A_265 = vector.broadcast %shift_right_arithmetic3A_264 : i32 to vector<16xi32>
    %shift_right_arithmetic3A_266 = arith.shrsi %get3A_263, %shift_right_arithmetic3A_265 : vector<16xi32>
    %swap3A_267 = arith.constant 224 : index
    %swap3A_268 = tpu.vector_load %arg7[%swap3A_267] {strides = array<i32>} : memref<256xi32, #tpu.memory_space<vmem>>, vector<16xi32>,
    tpu.vector_store %arg7[%swap3A_267], %shift_right_arithmetic3A_266 {strides = array<i32>} : memref<256xi32, #tpu.memory_space<vmem>>, vector<16xi32>,
    %get3A_269 = arith.constant 496 : index
    %get3A_270 = tpu.vector_load %arg5[%get3A_269] {strides = array<i32>} : memref<25600xi32, #tpu.memory_space<vmem>>, vector<16xi32>,
    %shift_right_arithmetic3A_271 = arith.constant 1 : i32
    %shift_right_arithmetic3A_272 = vector.broadcast %shift_right_arithmetic3A_271 : i32 to vector<16xi32>
    %shift_right_arithmetic3A_273 = arith.shrsi %get3A_270, %shift_right_arithmetic3A_272 : vector<16xi32>
    %swap3A_274 = arith.constant 240 : index
    %swap3A_275 = tpu.vector_load %arg7[%swap3A_274] {strides = array<i32>} : memref<256xi32, #tpu.memory_space<vmem>>, vector<16xi32>,
    tpu.vector_store %arg7[%swap3A_274], %shift_right_arithmetic3A_273 {strides = array<i32>} : memref<256xi32, #tpu.memory_space<vmem>>, vector<16xi32>,
    %dma_start3A_276 = arith.constant 0 : i32
    %dma_start3A_277 = arith.constant 0 : i32
    %dma_start3A_278 = tpu.memref_slice %arg3[%dma_start3A_276, %dma_start3A_277] : memref<500000x128xf32, #tpu.memory_space<hbm>> -> memref<500000x128xf32, #tpu.memory_space<hbm>>
    tpu.enqueue_indirect_dma source(%dma_start3A_278 : memref<500000x128xf32, #tpu.memory_space<hbm>>) target(%arg9 : memref<256x128xf32, #tpu.memory_space<vmem>>) offsets(%arg7 : memref<256xi32, #tpu.memory_space<vmem>>) semaphore(%arg13 : memref<!tpu.dma_semaphore, #tpu.memory_space<semaphore_mem>>)
    %scan3A = arith.constant 0 : i32
    %scan3A_279 = arith.constant 0 : i32
    %scan3A_280 = arith.constant 50 : i32
    %scan3A_281 = arith.addi %scan3A_279, %scan3A_280 : i32
    %scan3A_282 = arith.constant 1 : i32
    %scan3A_283 = scf.for %scan3A_374 = %scan3A_279 to %scan3A_281 step %scan3A_282 iter_args(%scan3A_375 = %scan3A) -> (i32)  : i32 {
      %mul3A_376 = arith.constant 2 : i32
      %mul3A_377 = arith.muli %scan3A_374, %mul3A_376 : i32
      %add3A_378 = arith.constant 0 : i32
      %add3A_379 = arith.addi %mul3A_377, %add3A_378 : i32
      %dma_wait3A_380 = arith.constant 0 : i32
      %dma_wait3A_381 = arith.constant 0 : i32
      %dma_wait3A_382 = tpu.memref_slice %arg3[%dma_wait3A_380, %dma_wait3A_381] : memref<500000x128xf32, #tpu.memory_space<hbm>> -> memref<500000x128xf32, #tpu.memory_space<hbm>>
      tpu.wait_indirect_dma semaphore(%arg12 : memref<!tpu.dma_semaphore, #tpu.memory_space<semaphore_mem>>) src(%dma_wait3A_382 : memref<500000x128xf32, #tpu.memory_space<hbm>>) dst(%arg8 : memref<256x128xf32, #tpu.memory_space<vmem>>)
      %gt3A = arith.constant 0 : i32
      %gt3A_383 = arith.cmpi sgt, %scan3A_374, %gt3A : i32
      %convert_element_type3A = arith.extui %gt3A_383 : i1 to i32
      %cond3A = arith.constant 0 : i32
      %cond3A_384 = arith.cmpi ne, %convert_element_type3A, %cond3A : i32
      scf.if %cond3A_384 {
        %sub3A_903 = arith.constant 2 : i32
        %sub3A_904 = arith.subi %add3A_379, %sub3A_903 : i32
        %add3A_905 = arith.addi %mul3A_2, %sub3A_904 : i32
        %jit3A_906 = arith.constant 64 : i32
        %div3A_907 = arith.divsi %add3A_905, %jit3A_906 : i32
        %sign3A_908 = arith.constant 0 : i32
        %sign3A_909 = arith.cmpi sgt, %add3A_905, %sign3A_908 : i32
        %sign3A_910 = arith.extui %sign3A_909 : i1 to i32
        %sign3A_911 = arith.constant 0 : i32
        %sign3A_912 = arith.cmpi slt, %add3A_905, %sign3A_911 : i32
        %sign3A_913 = arith.extui %sign3A_912 : i1 to i32
        %sign3A_914 = arith.subi %sign3A_910, %sign3A_913 : i32
        %sign3A_915 = arith.constant 0 : i32
        %sign3A_916 = arith.cmpi sgt, %jit3A_906, %sign3A_915 : i32
        %sign3A_917 = arith.extui %sign3A_916 : i1 to i32
        %sign3A_918 = arith.constant 0 : i32
        %sign3A_919 = arith.cmpi slt, %jit3A_906, %sign3A_918 : i32
        %sign3A_920 = arith.extui %sign3A_919 : i1 to i32
        %sign3A_921 = arith.subi %sign3A_917, %sign3A_920 : i32
        %ne3A_922 = arith.cmpi ne, %sign3A_914, %sign3A_921 : i32
        %rem3A_923 = arith.remsi %add3A_905, %jit3A_906 : i32
        %ne3A_924 = arith.constant 0 : i32
        %ne3A_925 = arith.cmpi ne, %rem3A_923, %ne3A_924 : i32
        %and3A_926 = arith.andi %ne3A_922, %ne3A_925 : i1
        %sub3A_927 = arith.constant 1 : i32
        %sub3A_928 = arith.subi %div3A_907, %sub3A_927 : i32
        %select_n3A_929 = arith.select %and3A_926, %sub3A_928, %div3A_907 : i32
        %jit3A_930 = arith.constant 64 : i32
        %eq3A_931 = arith.constant 0 : i32
        %eq3A_932 = arith.cmpi eq, %jit3A_930, %eq3A_931 : i32
        %jit3A_933 = arith.constant 1 : i32
        %select_n3A_934 = arith.select %eq3A_932, %jit3A_933, %jit3A_930 : i32
        %rem3A_935 = arith.remsi %add3A_905, %select_n3A_934 : i32
        %ne3A_936 = arith.constant 0 : i32
        %ne3A_937 = arith.cmpi ne, %rem3A_935, %ne3A_936 : i32
        %lt3A_938 = arith.constant 0 : i32
        %lt3A_939 = arith.cmpi slt, %rem3A_935, %lt3A_938 : i32
        %lt3A_940 = arith.constant 0 : i32
        %lt3A_941 = arith.cmpi slt, %select_n3A_934, %lt3A_940 : i32
        %ne3A_942 = arith.xori %lt3A_939, %lt3A_941 : i1
        %and3A_943 = arith.andi %ne3A_942, %ne3A_937 : i1
        %add3A_944 = arith.addi %rem3A_935, %select_n3A_934 : i32
        %select_n3A_945 = arith.select %and3A_943, %add3A_944, %rem3A_935 : i32
        %mul3A_946 = arith.constant 256 : i32
        %mul3A_947 = arith.muli %select_n3A_945, %mul3A_946 : i32
        %dma_wait3A_948 = arith.constant 0 : i32
        %dma_wait3A_949 = tpu.memref_slice %arg4[%select_n3A_929, %dma_wait3A_948, %mul3A_947] : memref<50x64x16384xf32, #tpu.memory_space<hbm>> -> memref<1x64x256xf32, #tpu.memory_space<hbm>>
        %dma_wait3A_950 = tpu.memref_squeeze %dma_wait3A_949 : memref<1x64x256xf32, #tpu.memory_space<hbm>> -> memref<64x256xf32, #tpu.memory_space<hbm>>
        %dma_wait3A_951 = arith.constant 0 : i32
        %dma_wait3A_952 = tpu.memref_slice %arg4[%select_n3A_929, %dma_wait3A_951, %mul3A_947] : memref<50x64x16384xf32, #tpu.memory_space<hbm>> -> memref<1x64x256xf32, #tpu.memory_space<hbm>>
        %dma_wait3A_953 = tpu.memref_squeeze %dma_wait3A_952 : memref<1x64x256xf32, #tpu.memory_space<hbm>> -> memref<64x256xf32, #tpu.memory_space<hbm>>
        tpu.wait_dma2 semaphore(%arg14 : memref<!tpu.dma_semaphore, #tpu.memory_space<semaphore_mem>>) src(%arg10 : memref<64x256xf32, #tpu.memory_space<vmem>>) dst(%dma_wait3A_953 : memref<64x256xf32, #tpu.memory_space<hbm>>)
      } else {
      }
      %mul3A_385 = arith.constant 256 : i32
      %mul3A_386 = arith.muli %add3A_379, %mul3A_385 : i32
      %add3A_387 = arith.constant 0 : i32
      %add3A_388 = arith.addi %mul3A_386, %add3A_387 : i32
      %get3A_389 = arith.index_cast %add3A_388 : i32 to index
      %get3A_390 = tpu.vector_load %arg5[%get3A_389] {strides = array<i32>} : memref<25600xi32, #tpu.memory_space<vmem>>, vector<16xi32>,
      %and3A_391 = arith.constant 1 : i32
      %and3A_392 = vector.broadcast %and3A_391 : i32 to vector<16xi32>
      %and3A_393 = arith.andi %get3A_390, %and3A_392 : vector<16xi32>
      %shift_left3A = arith.constant 6 : i32
      %shift_left3A_394 = vector.broadcast %shift_left3A : i32 to vector<16xi32>
      %shift_left3A_395 = arith.shli %and3A_393, %shift_left3A_394 : vector<16xi32>
      %mul3A_396 = arith.constant 256 : i32
      %mul3A_397 = arith.muli %add3A_379, %mul3A_396 : i32
      %add3A_398 = arith.constant 16 : i32
      %add3A_399 = arith.addi %mul3A_397, %add3A_398 : i32
      %get3A_400 = arith.index_cast %add3A_399 : i32 to index
      %get3A_401 = tpu.vector_load %arg5[%get3A_400] {strides = array<i32>} : memref<25600xi32, #tpu.memory_space<vmem>>, vector<16xi32>,
      %and3A_402 = arith.constant 1 : i32
      %and3A_403 = vector.broadcast %and3A_402 : i32 to vector<16xi32>
      %and3A_404 = arith.andi %get3A_401, %and3A_403 : vector<16xi32>
      %shift_left3A_405 = arith.constant 6 : i32
      %shift_left3A_406 = vector.broadcast %shift_left3A_405 : i32 to vector<16xi32>
      %shift_left3A_407 = arith.shli %and3A_404, %shift_left3A_406 : vector<16xi32>
      %mul3A_408 = arith.constant 256 : i32
      %mul3A_409 = arith.muli %add3A_379, %mul3A_408 : i32
      %add3A_410 = arith.constant 32 : i32
      %add3A_411 = arith.addi %mul3A_409, %add3A_410 : i32
      %get3A_412 = arith.index_cast %add3A_411 : i32 to index
      %get3A_413 = tpu.vector_load %arg5[%get3A_412] {strides = array<i32>} : memref<25600xi32, #tpu.memory_space<vmem>>, vector<16xi32>,
      %and3A_414 = arith.constant 1 : i32
      %and3A_415 = vector.broadcast %and3A_414 : i32 to vector<16xi32>
      %and3A_416 = arith.andi %get3A_413, %and3A_415 : vector<16xi32>
      %shift_left3A_417 = arith.constant 6 : i32
      %shift_left3A_418 = vector.broadcast %shift_left3A_417 : i32 to vector<16xi32>
      %shift_left3A_419 = arith.shli %and3A_416, %shift_left3A_418 : vector<16xi32>
      %mul3A_420 = arith.constant 256 : i32
      %mul3A_421 = arith.muli %add3A_379, %mul3A_420 : i32
      %add3A_422 = arith.constant 48 : i32
      %add3A_423 = arith.addi %mul3A_421, %add3A_422 : i32
      %get3A_424 = arith.index_cast %add3A_423 : i32 to index
      %get3A_425 = tpu.vector_load %arg5[%get3A_424] {strides = array<i32>} : memref<25600xi32, #tpu.memory_space<vmem>>, vector<16xi32>,
      %and3A_426 = arith.constant 1 : i32
      %and3A_427 = vector.broadcast %and3A_426 : i32 to vector<16xi32>
      %and3A_428 = arith.andi %get3A_425, %and3A_427 : vector<16xi32>
      %shift_left3A_429 = arith.constant 6 : i32
      %shift_left3A_430 = vector.broadcast %shift_left3A_429 : i32 to vector<16xi32>
      %shift_left3A_431 = arith.shli %and3A_428, %shift_left3A_430 : vector<16xi32>
      %mul3A_432 = arith.constant 256 : i32
      %mul3A_433 = arith.muli %add3A_379, %mul3A_432 : i32
      %add3A_434 = arith.constant 64 : i32
      %add3A_435 = arith.addi %mul3A_433, %add3A_434 : i32
      %get3A_436 = arith.index_cast %add3A_435 : i32 to index
      %get3A_437 = tpu.vector_load %arg5[%get3A_436] {strides = array<i32>} : memref<25600xi32, #tpu.memory_space<vmem>>, vector<16xi32>,
      %and3A_438 = arith.constant 1 : i32
      %and3A_439 = vector.broadcast %and3A_438 : i32 to vector<16xi32>
      %and3A_440 = arith.andi %get3A_437, %and3A_439 : vector<16xi32>
      %shift_left3A_441 = arith.constant 6 : i32
      %shift_left3A_442 = vector.broadcast %shift_left3A_441 : i32 to vector<16xi32>
      %shift_left3A_443 = arith.shli %and3A_440, %shift_left3A_442 : vector<16xi32>
      %mul3A_444 = arith.constant 256 : i32
      %mul3A_445 = arith.muli %add3A_379, %mul3A_444 : i32
      %add3A_446 = arith.constant 80 : i32
      %add3A_447 = arith.addi %mul3A_445, %add3A_446 : i32
      %get3A_448 = arith.index_cast %add3A_447 : i32 to index
      %get3A_449 = tpu.vector_load %arg5[%get3A_448] {strides = array<i32>} : memref<25600xi32, #tpu.memory_space<vmem>>, vector<16xi32>,
      %and3A_450 = arith.constant 1 : i32
      %and3A_451 = vector.broadcast %and3A_450 : i32 to vector<16xi32>
      %and3A_452 = arith.andi %get3A_449, %and3A_451 : vector<16xi32>
      %shift_left3A_453 = arith.constant 6 : i32
      %shift_left3A_454 = vector.broadcast %shift_left3A_453 : i32 to vector<16xi32>
      %shift_left3A_455 = arith.shli %and3A_452, %shift_left3A_454 : vector<16xi32>
      %mul3A_456 = arith.constant 256 : i32
      %mul3A_457 = arith.muli %add3A_379, %mul3A_456 : i32
      %add3A_458 = arith.constant 96 : i32
      %add3A_459 = arith.addi %mul3A_457, %add3A_458 : i32
      %get3A_460 = arith.index_cast %add3A_459 : i32 to index
      %get3A_461 = tpu.vector_load %arg5[%get3A_460] {strides = array<i32>} : memref<25600xi32, #tpu.memory_space<vmem>>, vector<16xi32>,
      %and3A_462 = arith.constant 1 : i32
      %and3A_463 = vector.broadcast %and3A_462 : i32 to vector<16xi32>
      %and3A_464 = arith.andi %get3A_461, %and3A_463 : vector<16xi32>
      %shift_left3A_465 = arith.constant 6 : i32
      %shift_left3A_466 = vector.broadcast %shift_left3A_465 : i32 to vector<16xi32>
      %shift_left3A_467 = arith.shli %and3A_464, %shift_left3A_466 : vector<16xi32>
      %mul3A_468 = arith.constant 256 : i32
      %mul3A_469 = arith.muli %add3A_379, %mul3A_468 : i32
      %add3A_470 = arith.constant 112 : i32
      %add3A_471 = arith.addi %mul3A_469, %add3A_470 : i32
      %get3A_472 = arith.index_cast %add3A_471 : i32 to index
      %get3A_473 = tpu.vector_load %arg5[%get3A_472] {strides = array<i32>} : memref<25600xi32, #tpu.memory_space<vmem>>, vector<16xi32>,
      %and3A_474 = arith.constant 1 : i32
      %and3A_475 = vector.broadcast %and3A_474 : i32 to vector<16xi32>
      %and3A_476 = arith.andi %get3A_473, %and3A_475 : vector<16xi32>
      %shift_left3A_477 = arith.constant 6 : i32
      %shift_left3A_478 = vector.broadcast %shift_left3A_477 : i32 to vector<16xi32>
      %shift_left3A_479 = arith.shli %and3A_476, %shift_left3A_478 : vector<16xi32>
      %mul3A_480 = arith.constant 256 : i32
      %mul3A_481 = arith.muli %add3A_379, %mul3A_480 : i32
      %add3A_482 = arith.constant 128 : i32
      %add3A_483 = arith.addi %mul3A_481, %add3A_482 : i32
      %get3A_484 = arith.index_cast %add3A_483 : i32 to index
      %get3A_485 = tpu.vector_load %arg5[%get3A_484] {strides = array<i32>} : memref<25600xi32, #tpu.memory_space<vmem>>, vector<16xi32>,
      %and3A_486 = arith.constant 1 : i32
      %and3A_487 = vector.broadcast %and3A_486 : i32 to vector<16xi32>
      %and3A_488 = arith.andi %get3A_485, %and3A_487 : vector<16xi32>
      %shift_left3A_489 = arith.constant 6 : i32
      %shift_left3A_490 = vector.broadcast %shift_left3A_489 : i32 to vector<16xi32>
      %shift_left3A_491 = arith.shli %and3A_488, %shift_left3A_490 : vector<16xi32>
      %mul3A_492 = arith.constant 256 : i32
      %mul3A_493 = arith.muli %add3A_379, %mul3A_492 : i32
      %add3A_494 = arith.constant 144 : i32
      %add3A_495 = arith.addi %mul3A_493, %add3A_494 : i32
      %get3A_496 = arith.index_cast %add3A_495 : i32 to index
      %get3A_497 = tpu.vector_load %arg5[%get3A_496] {strides = array<i32>} : memref<25600xi32, #tpu.memory_space<vmem>>, vector<16xi32>,
      %and3A_498 = arith.constant 1 : i32
      %and3A_499 = vector.broadcast %and3A_498 : i32 to vector<16xi32>
      %and3A_500 = arith.andi %get3A_497, %and3A_499 : vector<16xi32>
      %shift_left3A_501 = arith.constant 6 : i32
      %shift_left3A_502 = vector.broadcast %shift_left3A_501 : i32 to vector<16xi32>
      %shift_left3A_503 = arith.shli %and3A_500, %shift_left3A_502 : vector<16xi32>
      %mul3A_504 = arith.constant 256 : i32
      %mul3A_505 = arith.muli %add3A_379, %mul3A_504 : i32
      %add3A_506 = arith.constant 160 : i32
      %add3A_507 = arith.addi %mul3A_505, %add3A_506 : i32
      %get3A_508 = arith.index_cast %add3A_507 : i32 to index
      %get3A_509 = tpu.vector_load %arg5[%get3A_508] {strides = array<i32>} : memref<25600xi32, #tpu.memory_space<vmem>>, vector<16xi32>,
      %and3A_510 = arith.constant 1 : i32
      %and3A_511 = vector.broadcast %and3A_510 : i32 to vector<16xi32>
      %and3A_512 = arith.andi %get3A_509, %and3A_511 : vector<16xi32>
      %shift_left3A_513 = arith.constant 6 : i32
      %shift_left3A_514 = vector.broadcast %shift_left3A_513 : i32 to vector<16xi32>
      %shift_left3A_515 = arith.shli %and3A_512, %shift_left3A_514 : vector<16xi32>
      %mul3A_516 = arith.constant 256 : i32
      %mul3A_517 = arith.muli %add3A_379, %mul3A_516 : i32
      %add3A_518 = arith.constant 176 : i32
      %add3A_519 = arith.addi %mul3A_517, %add3A_518 : i32
      %get3A_520 = arith.index_cast %add3A_519 : i32 to index
      %get3A_521 = tpu.vector_load %arg5[%get3A_520] {strides = array<i32>} : memref<25600xi32, #tpu.memory_space<vmem>>, vector<16xi32>,
      %and3A_522 = arith.constant 1 : i32
      %and3A_523 = vector.broadcast %and3A_522 : i32 to vector<16xi32>
      %and3A_524 = arith.andi %get3A_521, %and3A_523 : vector<16xi32>
      %shift_left3A_525 = arith.constant 6 : i32
      %shift_left3A_526 = vector.broadcast %shift_left3A_525 : i32 to vector<16xi32>
      %shift_left3A_527 = arith.shli %and3A_524, %shift_left3A_526 : vector<16xi32>
      %mul3A_528 = arith.constant 256 : i32
      %mul3A_529 = arith.muli %add3A_379, %mul3A_528 : i32
      %add3A_530 = arith.constant 192 : i32
      %add3A_531 = arith.addi %mul3A_529, %add3A_530 : i32
      %get3A_532 = arith.index_cast %add3A_531 : i32 to index
      %get3A_533 = tpu.vector_load %arg5[%get3A_532] {strides = array<i32>} : memref<25600xi32, #tpu.memory_space<vmem>>, vector<16xi32>,
      %and3A_534 = arith.constant 1 : i32
      %and3A_535 = vector.broadcast %and3A_534 : i32 to vector<16xi32>
      %and3A_536 = arith.andi %get3A_533, %and3A_535 : vector<16xi32>
      %shift_left3A_537 = arith.constant 6 : i32
      %shift_left3A_538 = vector.broadcast %shift_left3A_537 : i32 to vector<16xi32>
      %shift_left3A_539 = arith.shli %and3A_536, %shift_left3A_538 : vector<16xi32>
      %mul3A_540 = arith.constant 256 : i32
      %mul3A_541 = arith.muli %add3A_379, %mul3A_540 : i32
      %add3A_542 = arith.constant 208 : i32
      %add3A_543 = arith.addi %mul3A_541, %add3A_542 : i32
      %get3A_544 = arith.index_cast %add3A_543 : i32 to index
      %get3A_545 = tpu.vector_load %arg5[%get3A_544] {strides = array<i32>} : memref<25600xi32, #tpu.memory_space<vmem>>, vector<16xi32>,
      %and3A_546 = arith.constant 1 : i32
      %and3A_547 = vector.broadcast %and3A_546 : i32 to vector<16xi32>
      %and3A_548 = arith.andi %get3A_545, %and3A_547 : vector<16xi32>
      %shift_left3A_549 = arith.constant 6 : i32
      %shift_left3A_550 = vector.broadcast %shift_left3A_549 : i32 to vector<16xi32>
      %shift_left3A_551 = arith.shli %and3A_548, %shift_left3A_550 : vector<16xi32>
      %mul3A_552 = arith.constant 256 : i32
      %mul3A_553 = arith.muli %add3A_379, %mul3A_552 : i32
      %add3A_554 = arith.constant 224 : i32
      %add3A_555 = arith.addi %mul3A_553, %add3A_554 : i32
      %get3A_556 = arith.index_cast %add3A_555 : i32 to index
      %get3A_557 = tpu.vector_load %arg5[%get3A_556] {strides = array<i32>} : memref<25600xi32, #tpu.memory_space<vmem>>, vector<16xi32>,
      %and3A_558 = arith.constant 1 : i32
      %and3A_559 = vector.broadcast %and3A_558 : i32 to vector<16xi32>
      %and3A_560 = arith.andi %get3A_557, %and3A_559 : vector<16xi32>
      %shift_left3A_561 = arith.constant 6 : i32
      %shift_left3A_562 = vector.broadcast %shift_left3A_561 : i32 to vector<16xi32>
      %shift_left3A_563 = arith.shli %and3A_560, %shift_left3A_562 : vector<16xi32>
      %mul3A_564 = arith.constant 256 : i32
      %mul3A_565 = arith.muli %add3A_379, %mul3A_564 : i32
      %add3A_566 = arith.constant 240 : i32
      %add3A_567 = arith.addi %mul3A_565, %add3A_566 : i32
      %get3A_568 = arith.index_cast %add3A_567 : i32 to index
      %get3A_569 = tpu.vector_load %arg5[%get3A_568] {strides = array<i32>} : memref<25600xi32, #tpu.memory_space<vmem>>, vector<16xi32>,
      %and3A_570 = arith.constant 1 : i32
      %and3A_571 = vector.broadcast %and3A_570 : i32 to vector<16xi32>
      %and3A_572 = arith.andi %get3A_569, %and3A_571 : vector<16xi32>
      %shift_left3A_573 = arith.constant 6 : i32
      %shift_left3A_574 = vector.broadcast %shift_left3A_573 : i32 to vector<16xi32>
      %shift_left3A_575 = arith.shli %and3A_572, %shift_left3A_574 : vector<16xi32>
      %scan3A_576 = arith.constant 0 : i32
      %scan3A_577 = arith.constant 0 : i32
      %scan3A_578 = arith.constant 16 : i32
      %scan3A_579 = arith.addi %scan3A_577, %scan3A_578 : i32
      %scan3A_580 = arith.constant 1 : i32
      %scan3A_581 = scf.for %scan3A_903 = %scan3A_577 to %scan3A_579 step %scan3A_580 iter_args(%scan3A_904 = %scan3A_576) -> (i32)  : i32 {
        %mul3A_905 = arith.constant 4 : i32
        %mul3A_906 = arith.muli %scan3A_903, %mul3A_905 : i32
        %add3A_907 = arith.constant 0 : i32
        %add3A_908 = arith.addi %mul3A_906, %add3A_907 : i32
        %add3A_909 = vector.broadcast %add3A_908 : i32 to vector<16xi32>
        %add3A_910 = arith.addi %iota3A, %add3A_909 : vector<16xi32>
        %and3A_911 = arith.constant 63 : i32
        %and3A_912 = vector.broadcast %and3A_911 : i32 to vector<16xi32>
        %and3A_913 = arith.andi %add3A_910, %and3A_912 : vector<16xi32>
        %add3A_914 = arith.addi %and3A_913, %shift_left3A_395 : vector<16xi32>
        %gather3A = tpu.vector_load_idx %arg8[%add3A_5, %add3A_914] : memref<256x128xf32, #tpu.memory_space<vmem>>[vector<16xi32>, vector<16xi32>], vector<16xf32>,
        tpu.vector_store_idx %arg10[%and3A_913, %add3A_5], %gather3A : memref<64x256xf32, #tpu.memory_space<vmem>>[vector<16xi32>, vector<16xi32>], vector<16xf32>,
        %add3A_915 = arith.addi %and3A_913, %shift_left3A_407 : vector<16xi32>
        %gather3A_916 = tpu.vector_load_idx %arg8[%add3A_8, %add3A_915] : memref<256x128xf32, #tpu.memory_space<vmem>>[vector<16xi32>, vector<16xi32>], vector<16xf32>,
        tpu.vector_store_idx %arg10[%and3A_913, %add3A_8], %gather3A_916 : memref<64x256xf32, #tpu.memory_space<vmem>>[vector<16xi32>, vector<16xi32>], vector<16xf32>,
        %add3A_917 = arith.addi %and3A_913, %shift_left3A_419 : vector<16xi32>
        %gather3A_918 = tpu.vector_load_idx %arg8[%add3A_11, %add3A_917] : memref<256x128xf32, #tpu.memory_space<vmem>>[vector<16xi32>, vector<16xi32>], vector<16xf32>,
        tpu.vector_store_idx %arg10[%and3A_913, %add3A_11], %gather3A_918 : memref<64x256xf32, #tpu.memory_space<vmem>>[vector<16xi32>, vector<16xi32>], vector<16xf32>,
        %add3A_919 = arith.addi %and3A_913, %shift_left3A_431 : vector<16xi32>
        %gather3A_920 = tpu.vector_load_idx %arg8[%add3A_14, %add3A_919] : memref<256x128xf32, #tpu.memory_space<vmem>>[vector<16xi32>, vector<16xi32>], vector<16xf32>,
        tpu.vector_store_idx %arg10[%and3A_913, %add3A_14], %gather3A_920 : memref<64x256xf32, #tpu.memory_space<vmem>>[vector<16xi32>, vector<16xi32>], vector<16xf32>,
        %add3A_921 = arith.addi %and3A_913, %shift_left3A_443 : vector<16xi32>
        %gather3A_922 = tpu.vector_load_idx %arg8[%add3A_17, %add3A_921] : memref<256x128xf32, #tpu.memory_space<vmem>>[vector<16xi32>, vector<16xi32>], vector<16xf32>,
        tpu.vector_store_idx %arg10[%and3A_913, %add3A_17], %gather3A_922 : memref<64x256xf32, #tpu.memory_space<vmem>>[vector<16xi32>, vector<16xi32>], vector<16xf32>,
        %add3A_923 = arith.addi %and3A_913, %shift_left3A_455 : vector<16xi32>
        %gather3A_924 = tpu.vector_load_idx %arg8[%add3A_20, %add3A_923] : memref<256x128xf32, #tpu.memory_space<vmem>>[vector<16xi32>, vector<16xi32>], vector<16xf32>,
        tpu.vector_store_idx %arg10[%and3A_913, %add3A_20], %gather3A_924 : memref<64x256xf32, #tpu.memory_space<vmem>>[vector<16xi32>, vector<16xi32>], vector<16xf32>,
        %add3A_925 = arith.addi %and3A_913, %shift_left3A_467 : vector<16xi32>
        %gather3A_926 = tpu.vector_load_idx %arg8[%add3A_23, %add3A_925] : memref<256x128xf32, #tpu.memory_space<vmem>>[vector<16xi32>, vector<16xi32>], vector<16xf32>,
        tpu.vector_store_idx %arg10[%and3A_913, %add3A_23], %gather3A_926 : memref<64x256xf32, #tpu.memory_space<vmem>>[vector<16xi32>, vector<16xi32>], vector<16xf32>,
        %add3A_927 = arith.addi %and3A_913, %shift_left3A_479 : vector<16xi32>
        %gather3A_928 = tpu.vector_load_idx %arg8[%add3A_26, %add3A_927] : memref<256x128xf32, #tpu.memory_space<vmem>>[vector<16xi32>, vector<16xi32>], vector<16xf32>,
        tpu.vector_store_idx %arg10[%and3A_913, %add3A_26], %gather3A_928 : memref<64x256xf32, #tpu.memory_space<vmem>>[vector<16xi32>, vector<16xi32>], vector<16xf32>,
        %add3A_929 = arith.addi %and3A_913, %shift_left3A_491 : vector<16xi32>
        %gather3A_930 = tpu.vector_load_idx %arg8[%add3A_29, %add3A_929] : memref<256x128xf32, #tpu.memory_space<vmem>>[vector<16xi32>, vector<16xi32>], vector<16xf32>,
        tpu.vector_store_idx %arg10[%and3A_913, %add3A_29], %gather3A_930 : memref<64x256xf32, #tpu.memory_space<vmem>>[vector<16xi32>, vector<16xi32>], vector<16xf32>,
        %add3A_931 = arith.addi %and3A_913, %shift_left3A_503 : vector<16xi32>
        %gather3A_932 = tpu.vector_load_idx %arg8[%add3A_32, %add3A_931] : memref<256x128xf32, #tpu.memory_space<vmem>>[vector<16xi32>, vector<16xi32>], vector<16xf32>,
        tpu.vector_store_idx %arg10[%and3A_913, %add3A_32], %gather3A_932 : memref<64x256xf32, #tpu.memory_space<vmem>>[vector<16xi32>, vector<16xi32>], vector<16xf32>,
        %add3A_933 = arith.addi %and3A_913, %shift_left3A_515 : vector<16xi32>
        %gather3A_934 = tpu.vector_load_idx %arg8[%add3A_35, %add3A_933] : memref<256x128xf32, #tpu.memory_space<vmem>>[vector<16xi32>, vector<16xi32>], vector<16xf32>,
        tpu.vector_store_idx %arg10[%and3A_913, %add3A_35], %gather3A_934 : memref<64x256xf32, #tpu.memory_space<vmem>>[vector<16xi32>, vector<16xi32>], vector<16xf32>,
        %add3A_935 = arith.addi %and3A_913, %shift_left3A_527 : vector<16xi32>
        %gather3A_936 = tpu.vector_load_idx %arg8[%add3A_38, %add3A_935] : memref<256x128xf32, #tpu.memory_space<vmem>>[vector<16xi32>, vector<16xi32>], vector<16xf32>,
        tpu.vector_store_idx %arg10[%and3A_913, %add3A_38], %gather3A_936 : memref<64x256xf32, #tpu.memory_space<vmem>>[vector<16xi32>, vector<16xi32>], vector<16xf32>,
        %add3A_937 = arith.addi %and3A_913, %shift_left3A_539 : vector<16xi32>
        %gather3A_938 = tpu.vector_load_idx %arg8[%add3A_41, %add3A_937] : memref<256x128xf32, #tpu.memory_space<vmem>>[vector<16xi32>, vector<16xi32>], vector<16xf32>,
        tpu.vector_store_idx %arg10[%and3A_913, %add3A_41], %gather3A_938 : memref<64x256xf32, #tpu.memory_space<vmem>>[vector<16xi32>, vector<16xi32>], vector<16xf32>,
        %add3A_939 = arith.addi %and3A_913, %shift_left3A_551 : vector<16xi32>
        %gather3A_940 = tpu.vector_load_idx %arg8[%add3A_44, %add3A_939] : memref<256x128xf32, #tpu.memory_space<vmem>>[vector<16xi32>, vector<16xi32>], vector<16xf32>,
        tpu.vector_store_idx %arg10[%and3A_913, %add3A_44], %gather3A_940 : memref<64x256xf32, #tpu.memory_space<vmem>>[vector<16xi32>, vector<16xi32>], vector<16xf32>,
        %add3A_941 = arith.addi %and3A_913, %shift_left3A_563 : vector<16xi32>
        %gather3A_942 = tpu.vector_load_idx %arg8[%add3A_47, %add3A_941] : memref<256x128xf32, #tpu.memory_space<vmem>>[vector<16xi32>, vector<16xi32>], vector<16xf32>,
        tpu.vector_store_idx %arg10[%and3A_913, %add3A_47], %gather3A_942 : memref<64x256xf32, #tpu.memory_space<vmem>>[vector<16xi32>, vector<16xi32>], vector<16xf32>,
        %add3A_943 = arith.addi %and3A_913, %shift_left3A_575 : vector<16xi32>
        %gather3A_944 = tpu.vector_load_idx %arg8[%add3A_50, %add3A_943] : memref<256x128xf32, #tpu.memory_space<vmem>>[vector<16xi32>, vector<16xi32>], vector<16xf32>,
        tpu.vector_store_idx %arg10[%and3A_913, %add3A_50], %gather3A_944 : memref<64x256xf32, #tpu.memory_space<vmem>>[vector<16xi32>, vector<16xi32>], vector<16xf32>,
        %mul3A_945 = arith.constant 4 : i32
        %mul3A_946 = arith.muli %scan3A_903, %mul3A_945 : i32
        %add3A_947 = arith.constant 1 : i32
        %add3A_948 = arith.addi %mul3A_946, %add3A_947 : i32
        %add3A_949 = vector.broadcast %add3A_948 : i32 to vector<16xi32>
        %add3A_950 = arith.addi %iota3A, %add3A_949 : vector<16xi32>
        %and3A_951 = arith.constant 63 : i32
        %and3A_952 = vector.broadcast %and3A_951 : i32 to vector<16xi32>
        %and3A_953 = arith.andi %add3A_950, %and3A_952 : vector<16xi32>
        %add3A_954 = arith.addi %and3A_953, %shift_left3A_395 : vector<16xi32>
        %gather3A_955 = tpu.vector_load_idx %arg8[%add3A_5, %add3A_954] : memref<256x128xf32, #tpu.memory_space<vmem>>[vector<16xi32>, vector<16xi32>], vector<16xf32>,
        tpu.vector_store_idx %arg10[%and3A_953, %add3A_5], %gather3A_955 : memref<64x256xf32, #tpu.memory_space<vmem>>[vector<16xi32>, vector<16xi32>], vector<16xf32>,
        %add3A_956 = arith.addi %and3A_953, %shift_left3A_407 : vector<16xi32>
        %gather3A_957 = tpu.vector_load_idx %arg8[%add3A_8, %add3A_956] : memref<256x128xf32, #tpu.memory_space<vmem>>[vector<16xi32>, vector<16xi32>], vector<16xf32>,
        tpu.vector_store_idx %arg10[%and3A_953, %add3A_8], %gather3A_957 : memref<64x256xf32, #tpu.memory_space<vmem>>[vector<16xi32>, vector<16xi32>], vector<16xf32>,
        %add3A_958 = arith.addi %and3A_953, %shift_left3A_419 : vector<16xi32>
        %gather3A_959 = tpu.vector_load_idx %arg8[%add3A_11, %add3A_958] : memref<256x128xf32, #tpu.memory_space<vmem>>[vector<16xi32>, vector<16xi32>], vector<16xf32>,
        tpu.vector_store_idx %arg10[%and3A_953, %add3A_11], %gather3A_959 : memref<64x256xf32, #tpu.memory_space<vmem>>[vector<16xi32>, vector<16xi32>], vector<16xf32>,
        %add3A_960 = arith.addi %and3A_953, %shift_left3A_431 : vector<16xi32>
        %gather3A_961 = tpu.vector_load_idx %arg8[%add3A_14, %add3A_960] : memref<256x128xf32, #tpu.memory_space<vmem>>[vector<16xi32>, vector<16xi32>], vector<16xf32>,
        tpu.vector_store_idx %arg10[%and3A_953, %add3A_14], %gather3A_961 : memref<64x256xf32, #tpu.memory_space<vmem>>[vector<16xi32>, vector<16xi32>], vector<16xf32>,
        %add3A_962 = arith.addi %and3A_953, %shift_left3A_443 : vector<16xi32>
        %gather3A_963 = tpu.vector_load_idx %arg8[%add3A_17, %add3A_962] : memref<256x128xf32, #tpu.memory_space<vmem>>[vector<16xi32>, vector<16xi32>], vector<16xf32>,
        tpu.vector_store_idx %arg10[%and3A_953, %add3A_17], %gather3A_963 : memref<64x256xf32, #tpu.memory_space<vmem>>[vector<16xi32>, vector<16xi32>], vector<16xf32>,
        %add3A_964 = arith.addi %and3A_953, %shift_left3A_455 : vector<16xi32>
        %gather3A_965 = tpu.vector_load_idx %arg8[%add3A_20, %add3A_964] : memref<256x128xf32, #tpu.memory_space<vmem>>[vector<16xi32>, vector<16xi32>], vector<16xf32>,
        tpu.vector_store_idx %arg10[%and3A_953, %add3A_20], %gather3A_965 : memref<64x256xf32, #tpu.memory_space<vmem>>[vector<16xi32>, vector<16xi32>], vector<16xf32>,
        %add3A_966 = arith.addi %and3A_953, %shift_left3A_467 : vector<16xi32>
        %gather3A_967 = tpu.vector_load_idx %arg8[%add3A_23, %add3A_966] : memref<256x128xf32, #tpu.memory_space<vmem>>[vector<16xi32>, vector<16xi32>], vector<16xf32>,
        tpu.vector_store_idx %arg10[%and3A_953, %add3A_23], %gather3A_967 : memref<64x256xf32, #tpu.memory_space<vmem>>[vector<16xi32>, vector<16xi32>], vector<16xf32>,
        %add3A_968 = arith.addi %and3A_953, %shift_left3A_479 : vector<16xi32>
        %gather3A_969 = tpu.vector_load_idx %arg8[%add3A_26, %add3A_968] : memref<256x128xf32, #tpu.memory_space<vmem>>[vector<16xi32>, vector<16xi32>], vector<16xf32>,
        tpu.vector_store_idx %arg10[%and3A_953, %add3A_26], %gather3A_969 : memref<64x256xf32, #tpu.memory_space<vmem>>[vector<16xi32>, vector<16xi32>], vector<16xf32>,
        %add3A_970 = arith.addi %and3A_953, %shift_left3A_491 : vector<16xi32>
        %gather3A_971 = tpu.vector_load_idx %arg8[%add3A_29, %add3A_970] : memref<256x128xf32, #tpu.memory_space<vmem>>[vector<16xi32>, vector<16xi32>], vector<16xf32>,
        tpu.vector_store_idx %arg10[%and3A_953, %add3A_29], %gather3A_971 : memref<64x256xf32, #tpu.memory_space<vmem>>[vector<16xi32>, vector<16xi32>], vector<16xf32>,
        %add3A_972 = arith.addi %and3A_953, %shift_left3A_503 : vector<16xi32>
        %gather3A_973 = tpu.vector_load_idx %arg8[%add3A_32, %add3A_972] : memref<256x128xf32, #tpu.memory_space<vmem>>[vector<16xi32>, vector<16xi32>], vector<16xf32>,
        tpu.vector_store_idx %arg10[%and3A_953, %add3A_32], %gather3A_973 : memref<64x256xf32, #tpu.memory_space<vmem>>[vector<16xi32>, vector<16xi32>], vector<16xf32>,
        %add3A_974 = arith.addi %and3A_953, %shift_left3A_515 : vector<16xi32>
        %gather3A_975 = tpu.vector_load_idx %arg8[%add3A_35, %add3A_974] : memref<256x128xf32, #tpu.memory_space<vmem>>[vector<16xi32>, vector<16xi32>], vector<16xf32>,
        tpu.vector_store_idx %arg10[%and3A_953, %add3A_35], %gather3A_975 : memref<64x256xf32, #tpu.memory_space<vmem>>[vector<16xi32>, vector<16xi32>], vector<16xf32>,
        %add3A_976 = arith.addi %and3A_953, %shift_left3A_527 : vector<16xi32>
        %gather3A_977 = tpu.vector_load_idx %arg8[%add3A_38, %add3A_976] : memref<256x128xf32, #tpu.memory_space<vmem>>[vector<16xi32>, vector<16xi32>], vector<16xf32>,
        tpu.vector_store_idx %arg10[%and3A_953, %add3A_38], %gather3A_977 : memref<64x256xf32, #tpu.memory_space<vmem>>[vector<16xi32>, vector<16xi32>], vector<16xf32>,
        %add3A_978 = arith.addi %and3A_953, %shift_left3A_539 : vector<16xi32>
        %gather3A_979 = tpu.vector_load_idx %arg8[%add3A_41, %add3A_978] : memref<256x128xf32, #tpu.memory_space<vmem>>[vector<16xi32>, vector<16xi32>], vector<16xf32>,
        tpu.vector_store_idx %arg10[%and3A_953, %add3A_41], %gather3A_979 : memref<64x256xf32, #tpu.memory_space<vmem>>[vector<16xi32>, vector<16xi32>], vector<16xf32>,
        %add3A_980 = arith.addi %and3A_953, %shift_left3A_551 : vector<16xi32>
        %gather3A_981 = tpu.vector_load_idx %arg8[%add3A_44, %add3A_980] : memref<256x128xf32, #tpu.memory_space<vmem>>[vector<16xi32>, vector<16xi32>], vector<16xf32>,
        tpu.vector_store_idx %arg10[%and3A_953, %add3A_44], %gather3A_981 : memref<64x256xf32, #tpu.memory_space<vmem>>[vector<16xi32>, vector<16xi32>], vector<16xf32>,
        %add3A_982 = arith.addi %and3A_953, %shift_left3A_563 : vector<16xi32>
        %gather3A_983 = tpu.vector_load_idx %arg8[%add3A_47, %add3A_982] : memref<256x128xf32, #tpu.memory_space<vmem>>[vector<16xi32>, vector<16xi32>], vector<16xf32>,
        tpu.vector_store_idx %arg10[%and3A_953, %add3A_47], %gather3A_983 : memref<64x256xf32, #tpu.memory_space<vmem>>[vector<16xi32>, vector<16xi32>], vector<16xf32>,
        %add3A_984 = arith.addi %and3A_953, %shift_left3A_575 : vector<16xi32>
        %gather3A_985 = tpu.vector_load_idx %arg8[%add3A_50, %add3A_984] : memref<256x128xf32, #tpu.memory_space<vmem>>[vector<16xi32>, vector<16xi32>], vector<16xf32>,
        tpu.vector_store_idx %arg10[%and3A_953, %add3A_50], %gather3A_985 : memref<64x256xf32, #tpu.memory_space<vmem>>[vector<16xi32>, vector<16xi32>], vector<16xf32>,
        %mul3A_986 = arith.constant 4 : i32
        %mul3A_987 = arith.muli %scan3A_903, %mul3A_986 : i32
        %add3A_988 = arith.constant 2 : i32
        %add3A_989 = arith.addi %mul3A_987, %add3A_988 : i32
        %add3A_990 = vector.broadcast %add3A_989 : i32 to vector<16xi32>
        %add3A_991 = arith.addi %iota3A, %add3A_990 : vector<16xi32>
        %and3A_992 = arith.constant 63 : i32
        %and3A_993 = vector.broadcast %and3A_992 : i32 to vector<16xi32>
        %and3A_994 = arith.andi %add3A_991, %and3A_993 : vector<16xi32>
        %add3A_995 = arith.addi %and3A_994, %shift_left3A_395 : vector<16xi32>
        %gather3A_996 = tpu.vector_load_idx %arg8[%add3A_5, %add3A_995] : memref<256x128xf32, #tpu.memory_space<vmem>>[vector<16xi32>, vector<16xi32>], vector<16xf32>,
        tpu.vector_store_idx %arg10[%and3A_994, %add3A_5], %gather3A_996 : memref<64x256xf32, #tpu.memory_space<vmem>>[vector<16xi32>, vector<16xi32>], vector<16xf32>,
        %add3A_997 = arith.addi %and3A_994, %shift_left3A_407 : vector<16xi32>
        %gather3A_998 = tpu.vector_load_idx %arg8[%add3A_8, %add3A_997] : memref<256x128xf32, #tpu.memory_space<vmem>>[vector<16xi32>, vector<16xi32>], vector<16xf32>,
        tpu.vector_store_idx %arg10[%and3A_994, %add3A_8], %gather3A_998 : memref<64x256xf32, #tpu.memory_space<vmem>>[vector<16xi32>, vector<16xi32>], vector<16xf32>,
        %add3A_999 = arith.addi %and3A_994, %shift_left3A_419 : vector<16xi32>
        %gather3A_1000 = tpu.vector_load_idx %arg8[%add3A_11, %add3A_999] : memref<256x128xf32, #tpu.memory_space<vmem>>[vector<16xi32>, vector<16xi32>], vector<16xf32>,
        tpu.vector_store_idx %arg10[%and3A_994, %add3A_11], %gather3A_1000 : memref<64x256xf32, #tpu.memory_space<vmem>>[vector<16xi32>, vector<16xi32>], vector<16xf32>,
        %add3A_1001 = arith.addi %and3A_994, %shift_left3A_431 : vector<16xi32>
        %gather3A_1002 = tpu.vector_load_idx %arg8[%add3A_14, %add3A_1001] : memref<256x128xf32, #tpu.memory_space<vmem>>[vector<16xi32>, vector<16xi32>], vector<16xf32>,
        tpu.vector_store_idx %arg10[%and3A_994, %add3A_14], %gather3A_1002 : memref<64x256xf32, #tpu.memory_space<vmem>>[vector<16xi32>, vector<16xi32>], vector<16xf32>,
        %add3A_1003 = arith.addi %and3A_994, %shift_left3A_443 : vector<16xi32>
        %gather3A_1004 = tpu.vector_load_idx %arg8[%add3A_17, %add3A_1003] : memref<256x128xf32, #tpu.memory_space<vmem>>[vector<16xi32>, vector<16xi32>], vector<16xf32>,
        tpu.vector_store_idx %arg10[%and3A_994, %add3A_17], %gather3A_1004 : memref<64x256xf32, #tpu.memory_space<vmem>>[vector<16xi32>, vector<16xi32>], vector<16xf32>,
        %add3A_1005 = arith.addi %and3A_994, %shift_left3A_455 : vector<16xi32>
        %gather3A_1006 = tpu.vector_load_idx %arg8[%add3A_20, %add3A_1005] : memref<256x128xf32, #tpu.memory_space<vmem>>[vector<16xi32>, vector<16xi32>], vector<16xf32>,
        tpu.vector_store_idx %arg10[%and3A_994, %add3A_20], %gather3A_1006 : memref<64x256xf32, #tpu.memory_space<vmem>>[vector<16xi32>, vector<16xi32>], vector<16xf32>,
        %add3A_1007 = arith.addi %and3A_994, %shift_left3A_467 : vector<16xi32>
        %gather3A_1008 = tpu.vector_load_idx %arg8[%add3A_23, %add3A_1007] : memref<256x128xf32, #tpu.memory_space<vmem>>[vector<16xi32>, vector<16xi32>], vector<16xf32>,
        tpu.vector_store_idx %arg10[%and3A_994, %add3A_23], %gather3A_1008 : memref<64x256xf32, #tpu.memory_space<vmem>>[vector<16xi32>, vector<16xi32>], vector<16xf32>,
        %add3A_1009 = arith.addi %and3A_994, %shift_left3A_479 : vector<16xi32>
        %gather3A_1010 = tpu.vector_load_idx %arg8[%add3A_26, %add3A_1009] : memref<256x128xf32, #tpu.memory_space<vmem>>[vector<16xi32>, vector<16xi32>], vector<16xf32>,
        tpu.vector_store_idx %arg10[%and3A_994, %add3A_26], %gather3A_1010 : memref<64x256xf32, #tpu.memory_space<vmem>>[vector<16xi32>, vector<16xi32>], vector<16xf32>,
        %add3A_1011 = arith.addi %and3A_994, %shift_left3A_491 : vector<16xi32>
        %gather3A_1012 = tpu.vector_load_idx %arg8[%add3A_29, %add3A_1011] : memref<256x128xf32, #tpu.memory_space<vmem>>[vector<16xi32>, vector<16xi32>], vector<16xf32>,
        tpu.vector_store_idx %arg10[%and3A_994, %add3A_29], %gather3A_1012 : memref<64x256xf32, #tpu.memory_space<vmem>>[vector<16xi32>, vector<16xi32>], vector<16xf32>,
        %add3A_1013 = arith.addi %and3A_994, %shift_left3A_503 : vector<16xi32>
        %gather3A_1014 = tpu.vector_load_idx %arg8[%add3A_32, %add3A_1013] : memref<256x128xf32, #tpu.memory_space<vmem>>[vector<16xi32>, vector<16xi32>], vector<16xf32>,
        tpu.vector_store_idx %arg10[%and3A_994, %add3A_32], %gather3A_1014 : memref<64x256xf32, #tpu.memory_space<vmem>>[vector<16xi32>, vector<16xi32>], vector<16xf32>,
        %add3A_1015 = arith.addi %and3A_994, %shift_left3A_515 : vector<16xi32>
        %gather3A_1016 = tpu.vector_load_idx %arg8[%add3A_35, %add3A_1015] : memref<256x128xf32, #tpu.memory_space<vmem>>[vector<16xi32>, vector<16xi32>], vector<16xf32>,
        tpu.vector_store_idx %arg10[%and3A_994, %add3A_35], %gather3A_1016 : memref<64x256xf32, #tpu.memory_space<vmem>>[vector<16xi32>, vector<16xi32>], vector<16xf32>,
        %add3A_1017 = arith.addi %and3A_994, %shift_left3A_527 : vector<16xi32>
        %gather3A_1018 = tpu.vector_load_idx %arg8[%add3A_38, %add3A_1017] : memref<256x128xf32, #tpu.memory_space<vmem>>[vector<16xi32>, vector<16xi32>], vector<16xf32>,
        tpu.vector_store_idx %arg10[%and3A_994, %add3A_38], %gather3A_1018 : memref<64x256xf32, #tpu.memory_space<vmem>>[vector<16xi32>, vector<16xi32>], vector<16xf32>,
        %add3A_1019 = arith.addi %and3A_994, %shift_left3A_539 : vector<16xi32>
        %gather3A_1020 = tpu.vector_load_idx %arg8[%add3A_41, %add3A_1019] : memref<256x128xf32, #tpu.memory_space<vmem>>[vector<16xi32>, vector<16xi32>], vector<16xf32>,
        tpu.vector_store_idx %arg10[%and3A_994, %add3A_41], %gather3A_1020 : memref<64x256xf32, #tpu.memory_space<vmem>>[vector<16xi32>, vector<16xi32>], vector<16xf32>,
        %add3A_1021 = arith.addi %and3A_994, %shift_left3A_551 : vector<16xi32>
        %gather3A_1022 = tpu.vector_load_idx %arg8[%add3A_44, %add3A_1021] : memref<256x128xf32, #tpu.memory_space<vmem>>[vector<16xi32>, vector<16xi32>], vector<16xf32>,
        tpu.vector_store_idx %arg10[%and3A_994, %add3A_44], %gather3A_1022 : memref<64x256xf32, #tpu.memory_space<vmem>>[vector<16xi32>, vector<16xi32>], vector<16xf32>,
        %add3A_1023 = arith.addi %and3A_994, %shift_left3A_563 : vector<16xi32>
        %gather3A_1024 = tpu.vector_load_idx %arg8[%add3A_47, %add3A_1023] : memref<256x128xf32, #tpu.memory_space<vmem>>[vector<16xi32>, vector<16xi32>], vector<16xf32>,
        tpu.vector_store_idx %arg10[%and3A_994, %add3A_47], %gather3A_1024 : memref<64x256xf32, #tpu.memory_space<vmem>>[vector<16xi32>, vector<16xi32>], vector<16xf32>,
        %add3A_1025 = arith.addi %and3A_994, %shift_left3A_575 : vector<16xi32>
        %gather3A_1026 = tpu.vector_load_idx %arg8[%add3A_50, %add3A_1025] : memref<256x128xf32, #tpu.memory_space<vmem>>[vector<16xi32>, vector<16xi32>], vector<16xf32>,
        tpu.vector_store_idx %arg10[%and3A_994, %add3A_50], %gather3A_1026 : memref<64x256xf32, #tpu.memory_space<vmem>>[vector<16xi32>, vector<16xi32>], vector<16xf32>,
        %mul3A_1027 = arith.constant 4 : i32
        %mul3A_1028 = arith.muli %scan3A_903, %mul3A_1027 : i32
        %add3A_1029 = arith.constant 3 : i32
        %add3A_1030 = arith.addi %mul3A_1028, %add3A_1029 : i32
        %add3A_1031 = vector.broadcast %add3A_1030 : i32 to vector<16xi32>
        %add3A_1032 = arith.addi %iota3A, %add3A_1031 : vector<16xi32>
        %and3A_1033 = arith.constant 63 : i32
        %and3A_1034 = vector.broadcast %and3A_1033 : i32 to vector<16xi32>
        %and3A_1035 = arith.andi %add3A_1032, %and3A_1034 : vector<16xi32>
        %add3A_1036 = arith.addi %and3A_1035, %shift_left3A_395 : vector<16xi32>
        %gather3A_1037 = tpu.vector_load_idx %arg8[%add3A_5, %add3A_1036] : memref<256x128xf32, #tpu.memory_space<vmem>>[vector<16xi32>, vector<16xi32>], vector<16xf32>,
        tpu.vector_store_idx %arg10[%and3A_1035, %add3A_5], %gather3A_1037 : memref<64x256xf32, #tpu.memory_space<vmem>>[vector<16xi32>, vector<16xi32>], vector<16xf32>,
        %add3A_1038 = arith.addi %and3A_1035, %shift_left3A_407 : vector<16xi32>
        %gather3A_1039 = tpu.vector_load_idx %arg8[%add3A_8, %add3A_1038] : memref<256x128xf32, #tpu.memory_space<vmem>>[vector<16xi32>, vector<16xi32>], vector<16xf32>,
        tpu.vector_store_idx %arg10[%and3A_1035, %add3A_8], %gather3A_1039 : memref<64x256xf32, #tpu.memory_space<vmem>>[vector<16xi32>, vector<16xi32>], vector<16xf32>,
        %add3A_1040 = arith.addi %and3A_1035, %shift_left3A_419 : vector<16xi32>
        %gather3A_1041 = tpu.vector_load_idx %arg8[%add3A_11, %add3A_1040] : memref<256x128xf32, #tpu.memory_space<vmem>>[vector<16xi32>, vector<16xi32>], vector<16xf32>,
        tpu.vector_store_idx %arg10[%and3A_1035, %add3A_11], %gather3A_1041 : memref<64x256xf32, #tpu.memory_space<vmem>>[vector<16xi32>, vector<16xi32>], vector<16xf32>,
        %add3A_1042 = arith.addi %and3A_1035, %shift_left3A_431 : vector<16xi32>
        %gather3A_1043 = tpu.vector_load_idx %arg8[%add3A_14, %add3A_1042] : memref<256x128xf32, #tpu.memory_space<vmem>>[vector<16xi32>, vector<16xi32>], vector<16xf32>,
        tpu.vector_store_idx %arg10[%and3A_1035, %add3A_14], %gather3A_1043 : memref<64x256xf32, #tpu.memory_space<vmem>>[vector<16xi32>, vector<16xi32>], vector<16xf32>,
        %add3A_1044 = arith.addi %and3A_1035, %shift_left3A_443 : vector<16xi32>
        %gather3A_1045 = tpu.vector_load_idx %arg8[%add3A_17, %add3A_1044] : memref<256x128xf32, #tpu.memory_space<vmem>>[vector<16xi32>, vector<16xi32>], vector<16xf32>,
        tpu.vector_store_idx %arg10[%and3A_1035, %add3A_17], %gather3A_1045 : memref<64x256xf32, #tpu.memory_space<vmem>>[vector<16xi32>, vector<16xi32>], vector<16xf32>,
        %add3A_1046 = arith.addi %and3A_1035, %shift_left3A_455 : vector<16xi32>
        %gather3A_1047 = tpu.vector_load_idx %arg8[%add3A_20, %add3A_1046] : memref<256x128xf32, #tpu.memory_space<vmem>>[vector<16xi32>, vector<16xi32>], vector<16xf32>,
        tpu.vector_store_idx %arg10[%and3A_1035, %add3A_20], %gather3A_1047 : memref<64x256xf32, #tpu.memory_space<vmem>>[vector<16xi32>, vector<16xi32>], vector<16xf32>,
        %add3A_1048 = arith.addi %and3A_1035, %shift_left3A_467 : vector<16xi32>
        %gather3A_1049 = tpu.vector_load_idx %arg8[%add3A_23, %add3A_1048] : memref<256x128xf32, #tpu.memory_space<vmem>>[vector<16xi32>, vector<16xi32>], vector<16xf32>,
        tpu.vector_store_idx %arg10[%and3A_1035, %add3A_23], %gather3A_1049 : memref<64x256xf32, #tpu.memory_space<vmem>>[vector<16xi32>, vector<16xi32>], vector<16xf32>,
        %add3A_1050 = arith.addi %and3A_1035, %shift_left3A_479 : vector<16xi32>
        %gather3A_1051 = tpu.vector_load_idx %arg8[%add3A_26, %add3A_1050] : memref<256x128xf32, #tpu.memory_space<vmem>>[vector<16xi32>, vector<16xi32>], vector<16xf32>,
        tpu.vector_store_idx %arg10[%and3A_1035, %add3A_26], %gather3A_1051 : memref<64x256xf32, #tpu.memory_space<vmem>>[vector<16xi32>, vector<16xi32>], vector<16xf32>,
        %add3A_1052 = arith.addi %and3A_1035, %shift_left3A_491 : vector<16xi32>
        %gather3A_1053 = tpu.vector_load_idx %arg8[%add3A_29, %add3A_1052] : memref<256x128xf32, #tpu.memory_space<vmem>>[vector<16xi32>, vector<16xi32>], vector<16xf32>,
        tpu.vector_store_idx %arg10[%and3A_1035, %add3A_29], %gather3A_1053 : memref<64x256xf32, #tpu.memory_space<vmem>>[vector<16xi32>, vector<16xi32>], vector<16xf32>,
        %add3A_1054 = arith.addi %and3A_1035, %shift_left3A_503 : vector<16xi32>
        %gather3A_1055 = tpu.vector_load_idx %arg8[%add3A_32, %add3A_1054] : memref<256x128xf32, #tpu.memory_space<vmem>>[vector<16xi32>, vector<16xi32>], vector<16xf32>,
        tpu.vector_store_idx %arg10[%and3A_1035, %add3A_32], %gather3A_1055 : memref<64x256xf32, #tpu.memory_space<vmem>>[vector<16xi32>, vector<16xi32>], vector<16xf32>,
        %add3A_1056 = arith.addi %and3A_1035, %shift_left3A_515 : vector<16xi32>
        %gather3A_1057 = tpu.vector_load_idx %arg8[%add3A_35, %add3A_1056] : memref<256x128xf32, #tpu.memory_space<vmem>>[vector<16xi32>, vector<16xi32>], vector<16xf32>,
        tpu.vector_store_idx %arg10[%and3A_1035, %add3A_35], %gather3A_1057 : memref<64x256xf32, #tpu.memory_space<vmem>>[vector<16xi32>, vector<16xi32>], vector<16xf32>,
        %add3A_1058 = arith.addi %and3A_1035, %shift_left3A_527 : vector<16xi32>
        %gather3A_1059 = tpu.vector_load_idx %arg8[%add3A_38, %add3A_1058] : memref<256x128xf32, #tpu.memory_space<vmem>>[vector<16xi32>, vector<16xi32>], vector<16xf32>,
        tpu.vector_store_idx %arg10[%and3A_1035, %add3A_38], %gather3A_1059 : memref<64x256xf32, #tpu.memory_space<vmem>>[vector<16xi32>, vector<16xi32>], vector<16xf32>,
        %add3A_1060 = arith.addi %and3A_1035, %shift_left3A_539 : vector<16xi32>
        %gather3A_1061 = tpu.vector_load_idx %arg8[%add3A_41, %add3A_1060] : memref<256x128xf32, #tpu.memory_space<vmem>>[vector<16xi32>, vector<16xi32>], vector<16xf32>,
        tpu.vector_store_idx %arg10[%and3A_1035, %add3A_41], %gather3A_1061 : memref<64x256xf32, #tpu.memory_space<vmem>>[vector<16xi32>, vector<16xi32>], vector<16xf32>,
        %add3A_1062 = arith.addi %and3A_1035, %shift_left3A_551 : vector<16xi32>
        %gather3A_1063 = tpu.vector_load_idx %arg8[%add3A_44, %add3A_1062] : memref<256x128xf32, #tpu.memory_space<vmem>>[vector<16xi32>, vector<16xi32>], vector<16xf32>,
        tpu.vector_store_idx %arg10[%and3A_1035, %add3A_44], %gather3A_1063 : memref<64x256xf32, #tpu.memory_space<vmem>>[vector<16xi32>, vector<16xi32>], vector<16xf32>,
        %add3A_1064 = arith.addi %and3A_1035, %shift_left3A_563 : vector<16xi32>
        %gather3A_1065 = tpu.vector_load_idx %arg8[%add3A_47, %add3A_1064] : memref<256x128xf32, #tpu.memory_space<vmem>>[vector<16xi32>, vector<16xi32>], vector<16xf32>,
        tpu.vector_store_idx %arg10[%and3A_1035, %add3A_47], %gather3A_1065 : memref<64x256xf32, #tpu.memory_space<vmem>>[vector<16xi32>, vector<16xi32>], vector<16xf32>,
        %add3A_1066 = arith.addi %and3A_1035, %shift_left3A_575 : vector<16xi32>
        %gather3A_1067 = tpu.vector_load_idx %arg8[%add3A_50, %add3A_1066] : memref<256x128xf32, #tpu.memory_space<vmem>>[vector<16xi32>, vector<16xi32>], vector<16xf32>,
        tpu.vector_store_idx %arg10[%and3A_1035, %add3A_50], %gather3A_1067 : memref<64x256xf32, #tpu.memory_space<vmem>>[vector<16xi32>, vector<16xi32>], vector<16xf32>,
        %scan3A_1068 = arith.constant 0 : i32
        scf.yield %scan3A_1068 : i32
      }
      %scan3A_582 = arith.constant 16 : i32
      %add3A_583 = arith.addi %mul3A_2, %add3A_379 : i32
      %jit3A_584 = arith.constant 64 : i32
      %div3A_585 = arith.divsi %add3A_583, %jit3A_584 : i32
      %sign3A_586 = arith.constant 0 : i32
      %sign3A_587 = arith.cmpi sgt, %add3A_583, %sign3A_586 : i32
      %sign3A_588 = arith.extui %sign3A_587 : i1 to i32
      %sign3A_589 = arith.constant 0 : i32
      %sign3A_590 = arith.cmpi slt, %add3A_583, %sign3A_589 : i32
      %sign3A_591 = arith.extui %sign3A_590 : i1 to i32
      %sign3A_592 = arith.subi %sign3A_588, %sign3A_591 : i32
      %sign3A_593 = arith.constant 0 : i32
      %sign3A_594 = arith.cmpi sgt, %jit3A_584, %sign3A_593 : i32
      %sign3A_595 = arith.extui %sign3A_594 : i1 to i32
      %sign3A_596 = arith.constant 0 : i32
      %sign3A_597 = arith.cmpi slt, %jit3A_584, %sign3A_596 : i32
      %sign3A_598 = arith.extui %sign3A_597 : i1 to i32
      %sign3A_599 = arith.subi %sign3A_595, %sign3A_598 : i32
      %ne3A_600 = arith.cmpi ne, %sign3A_592, %sign3A_599 : i32
      %rem3A_601 = arith.remsi %add3A_583, %jit3A_584 : i32
      %ne3A_602 = arith.constant 0 : i32
      %ne3A_603 = arith.cmpi ne, %rem3A_601, %ne3A_602 : i32
      %and3A_604 = arith.andi %ne3A_600, %ne3A_603 : i1
      %sub3A_605 = arith.constant 1 : i32
      %sub3A_606 = arith.subi %div3A_585, %sub3A_605 : i32
      %select_n3A_607 = arith.select %and3A_604, %sub3A_606, %div3A_585 : i32
      %jit3A_608 = arith.constant 64 : i32
      %eq3A_609 = arith.constant 0 : i32
      %eq3A_610 = arith.cmpi eq, %jit3A_608, %eq3A_609 : i32
      %jit3A_611 = arith.constant 1 : i32
      %select_n3A_612 = arith.select %eq3A_610, %jit3A_611, %jit3A_608 : i32
      %rem3A_613 = arith.remsi %add3A_583, %select_n3A_612 : i32
      %ne3A_614 = arith.constant 0 : i32
      %ne3A_615 = arith.cmpi ne, %rem3A_613, %ne3A_614 : i32
      %lt3A_616 = arith.constant 0 : i32
      %lt3A_617 = arith.cmpi slt, %rem3A_613, %lt3A_616 : i32
      %lt3A_618 = arith.constant 0 : i32
      %lt3A_619 = arith.cmpi slt, %select_n3A_612, %lt3A_618 : i32
      %ne3A_620 = arith.xori %lt3A_617, %lt3A_619 : i1
      %and3A_621 = arith.andi %ne3A_620, %ne3A_615 : i1
      %add3A_622 = arith.addi %rem3A_613, %select_n3A_612 : i32
      %select_n3A_623 = arith.select %and3A_621, %add3A_622, %rem3A_613 : i32
      %mul3A_624 = arith.constant 256 : i32
      %mul3A_625 = arith.muli %select_n3A_623, %mul3A_624 : i32
      %dma_start3A_626 = arith.constant 0 : i32
      %dma_start3A_627 = tpu.memref_slice %arg4[%select_n3A_607, %dma_start3A_626, %mul3A_625] : memref<50x64x16384xf32, #tpu.memory_space<hbm>> -> memref<1x64x256xf32, #tpu.memory_space<hbm>>
      %dma_start3A_628 = tpu.memref_squeeze %dma_start3A_627 : memref<1x64x256xf32, #tpu.memory_space<hbm>> -> memref<64x256xf32, #tpu.memory_space<hbm>>
      %dma_start3A_629 = arith.constant 0 : i32
      %dma_start3A_630 = tpu.memref_slice %arg4[%select_n3A_607, %dma_start3A_629, %mul3A_625] : memref<50x64x16384xf32, #tpu.memory_space<hbm>> -> memref<1x64x256xf32, #tpu.memory_space<hbm>>
      %dma_start3A_631 = tpu.memref_squeeze %dma_start3A_630 : memref<1x64x256xf32, #tpu.memory_space<hbm>> -> memref<64x256xf32, #tpu.memory_space<hbm>>
      tpu.enqueue_dma source(%arg10 : memref<64x256xf32, #tpu.memory_space<vmem>>) target(%dma_start3A_631 : memref<64x256xf32, #tpu.memory_space<hbm>>) target_semaphore(%arg14 : memref<!tpu.dma_semaphore, #tpu.memory_space<semaphore_mem>>)
      %lt3A_632 = arith.constant 49 : i32
      %lt3A_633 = arith.cmpi slt, %scan3A_374, %lt3A_632 : i32
      %convert_element_type3A_634 = arith.extui %lt3A_633 : i1 to i32
      %cond3A_635 = arith.constant 0 : i32
      %cond3A_636 = arith.cmpi ne, %convert_element_type3A_634, %cond3A_635 : i32
      scf.if %cond3A_636 {
        %add3A_903 = arith.constant 2 : i32
        %add3A_904 = arith.addi %add3A_379, %add3A_903 : i32
        %mul3A_905 = arith.constant 256 : i32
        %mul3A_906 = arith.muli %add3A_904, %mul3A_905 : i32
        %add3A_907 = arith.constant 0 : i32
        %add3A_908 = arith.addi %mul3A_906, %add3A_907 : i32
        %get3A_909 = arith.index_cast %add3A_908 : i32 to index
        %get3A_910 = tpu.vector_load %arg5[%get3A_909] {strides = array<i32>} : memref<25600xi32, #tpu.memory_space<vmem>>, vector<16xi32>,
        %shift_right_arithmetic3A_911 = arith.constant 1 : i32
        %shift_right_arithmetic3A_912 = vector.broadcast %shift_right_arithmetic3A_911 : i32 to vector<16xi32>
        %shift_right_arithmetic3A_913 = arith.shrsi %get3A_910, %shift_right_arithmetic3A_912 : vector<16xi32>
        %swap3A_914 = arith.constant 0 : index
        %swap3A_915 = tpu.vector_load %arg6[%swap3A_914] {strides = array<i32>} : memref<256xi32, #tpu.memory_space<vmem>>, vector<16xi32>,
        tpu.vector_store %arg6[%swap3A_914], %shift_right_arithmetic3A_913 {strides = array<i32>} : memref<256xi32, #tpu.memory_space<vmem>>, vector<16xi32>,
        %mul3A_916 = arith.constant 256 : i32
        %mul3A_917 = arith.muli %add3A_904, %mul3A_916 : i32
        %add3A_918 = arith.constant 16 : i32
        %add3A_919 = arith.addi %mul3A_917, %add3A_918 : i32
        %get3A_920 = arith.index_cast %add3A_919 : i32 to index
        %get3A_921 = tpu.vector_load %arg5[%get3A_920] {strides = array<i32>} : memref<25600xi32, #tpu.memory_space<vmem>>, vector<16xi32>,
        %shift_right_arithmetic3A_922 = arith.constant 1 : i32
        %shift_right_arithmetic3A_923 = vector.broadcast %shift_right_arithmetic3A_922 : i32 to vector<16xi32>
        %shift_right_arithmetic3A_924 = arith.shrsi %get3A_921, %shift_right_arithmetic3A_923 : vector<16xi32>
        %swap3A_925 = arith.constant 16 : index
        %swap3A_926 = tpu.vector_load %arg6[%swap3A_925] {strides = array<i32>} : memref<256xi32, #tpu.memory_space<vmem>>, vector<16xi32>,
        tpu.vector_store %arg6[%swap3A_925], %shift_right_arithmetic3A_924 {strides = array<i32>} : memref<256xi32, #tpu.memory_space<vmem>>, vector<16xi32>,
        %mul3A_927 = arith.constant 256 : i32
        %mul3A_928 = arith.muli %add3A_904, %mul3A_927 : i32
        %add3A_929 = arith.constant 32 : i32
        %add3A_930 = arith.addi %mul3A_928, %add3A_929 : i32
        %get3A_931 = arith.index_cast %add3A_930 : i32 to index
        %get3A_932 = tpu.vector_load %arg5[%get3A_931] {strides = array<i32>} : memref<25600xi32, #tpu.memory_space<vmem>>, vector<16xi32>,
        %shift_right_arithmetic3A_933 = arith.constant 1 : i32
        %shift_right_arithmetic3A_934 = vector.broadcast %shift_right_arithmetic3A_933 : i32 to vector<16xi32>
        %shift_right_arithmetic3A_935 = arith.shrsi %get3A_932, %shift_right_arithmetic3A_934 : vector<16xi32>
        %swap3A_936 = arith.constant 32 : index
        %swap3A_937 = tpu.vector_load %arg6[%swap3A_936] {strides = array<i32>} : memref<256xi32, #tpu.memory_space<vmem>>, vector<16xi32>,
        tpu.vector_store %arg6[%swap3A_936], %shift_right_arithmetic3A_935 {strides = array<i32>} : memref<256xi32, #tpu.memory_space<vmem>>, vector<16xi32>,
        %mul3A_938 = arith.constant 256 : i32
        %mul3A_939 = arith.muli %add3A_904, %mul3A_938 : i32
        %add3A_940 = arith.constant 48 : i32
        %add3A_941 = arith.addi %mul3A_939, %add3A_940 : i32
        %get3A_942 = arith.index_cast %add3A_941 : i32 to index
        %get3A_943 = tpu.vector_load %arg5[%get3A_942] {strides = array<i32>} : memref<25600xi32, #tpu.memory_space<vmem>>, vector<16xi32>,
        %shift_right_arithmetic3A_944 = arith.constant 1 : i32
        %shift_right_arithmetic3A_945 = vector.broadcast %shift_right_arithmetic3A_944 : i32 to vector<16xi32>
        %shift_right_arithmetic3A_946 = arith.shrsi %get3A_943, %shift_right_arithmetic3A_945 : vector<16xi32>
        %swap3A_947 = arith.constant 48 : index
        %swap3A_948 = tpu.vector_load %arg6[%swap3A_947] {strides = array<i32>} : memref<256xi32, #tpu.memory_space<vmem>>, vector<16xi32>,
        tpu.vector_store %arg6[%swap3A_947], %shift_right_arithmetic3A_946 {strides = array<i32>} : memref<256xi32, #tpu.memory_space<vmem>>, vector<16xi32>,
        %mul3A_949 = arith.constant 256 : i32
        %mul3A_950 = arith.muli %add3A_904, %mul3A_949 : i32
        %add3A_951 = arith.constant 64 : i32
        %add3A_952 = arith.addi %mul3A_950, %add3A_951 : i32
        %get3A_953 = arith.index_cast %add3A_952 : i32 to index
        %get3A_954 = tpu.vector_load %arg5[%get3A_953] {strides = array<i32>} : memref<25600xi32, #tpu.memory_space<vmem>>, vector<16xi32>,
        %shift_right_arithmetic3A_955 = arith.constant 1 : i32
        %shift_right_arithmetic3A_956 = vector.broadcast %shift_right_arithmetic3A_955 : i32 to vector<16xi32>
        %shift_right_arithmetic3A_957 = arith.shrsi %get3A_954, %shift_right_arithmetic3A_956 : vector<16xi32>
        %swap3A_958 = arith.constant 64 : index
        %swap3A_959 = tpu.vector_load %arg6[%swap3A_958] {strides = array<i32>} : memref<256xi32, #tpu.memory_space<vmem>>, vector<16xi32>,
        tpu.vector_store %arg6[%swap3A_958], %shift_right_arithmetic3A_957 {strides = array<i32>} : memref<256xi32, #tpu.memory_space<vmem>>, vector<16xi32>,
        %mul3A_960 = arith.constant 256 : i32
        %mul3A_961 = arith.muli %add3A_904, %mul3A_960 : i32
        %add3A_962 = arith.constant 80 : i32
        %add3A_963 = arith.addi %mul3A_961, %add3A_962 : i32
        %get3A_964 = arith.index_cast %add3A_963 : i32 to index
        %get3A_965 = tpu.vector_load %arg5[%get3A_964] {strides = array<i32>} : memref<25600xi32, #tpu.memory_space<vmem>>, vector<16xi32>,
        %shift_right_arithmetic3A_966 = arith.constant 1 : i32
        %shift_right_arithmetic3A_967 = vector.broadcast %shift_right_arithmetic3A_966 : i32 to vector<16xi32>
        %shift_right_arithmetic3A_968 = arith.shrsi %get3A_965, %shift_right_arithmetic3A_967 : vector<16xi32>
        %swap3A_969 = arith.constant 80 : index
        %swap3A_970 = tpu.vector_load %arg6[%swap3A_969] {strides = array<i32>} : memref<256xi32, #tpu.memory_space<vmem>>, vector<16xi32>,
        tpu.vector_store %arg6[%swap3A_969], %shift_right_arithmetic3A_968 {strides = array<i32>} : memref<256xi32, #tpu.memory_space<vmem>>, vector<16xi32>,
        %mul3A_971 = arith.constant 256 : i32
        %mul3A_972 = arith.muli %add3A_904, %mul3A_971 : i32
        %add3A_973 = arith.constant 96 : i32
        %add3A_974 = arith.addi %mul3A_972, %add3A_973 : i32
        %get3A_975 = arith.index_cast %add3A_974 : i32 to index
        %get3A_976 = tpu.vector_load %arg5[%get3A_975] {strides = array<i32>} : memref<25600xi32, #tpu.memory_space<vmem>>, vector<16xi32>,
        %shift_right_arithmetic3A_977 = arith.constant 1 : i32
        %shift_right_arithmetic3A_978 = vector.broadcast %shift_right_arithmetic3A_977 : i32 to vector<16xi32>
        %shift_right_arithmetic3A_979 = arith.shrsi %get3A_976, %shift_right_arithmetic3A_978 : vector<16xi32>
        %swap3A_980 = arith.constant 96 : index
        %swap3A_981 = tpu.vector_load %arg6[%swap3A_980] {strides = array<i32>} : memref<256xi32, #tpu.memory_space<vmem>>, vector<16xi32>,
        tpu.vector_store %arg6[%swap3A_980], %shift_right_arithmetic3A_979 {strides = array<i32>} : memref<256xi32, #tpu.memory_space<vmem>>, vector<16xi32>,
        %mul3A_982 = arith.constant 256 : i32
        %mul3A_983 = arith.muli %add3A_904, %mul3A_982 : i32
        %add3A_984 = arith.constant 112 : i32
        %add3A_985 = arith.addi %mul3A_983, %add3A_984 : i32
        %get3A_986 = arith.index_cast %add3A_985 : i32 to index
        %get3A_987 = tpu.vector_load %arg5[%get3A_986] {strides = array<i32>} : memref<25600xi32, #tpu.memory_space<vmem>>, vector<16xi32>,
        %shift_right_arithmetic3A_988 = arith.constant 1 : i32
        %shift_right_arithmetic3A_989 = vector.broadcast %shift_right_arithmetic3A_988 : i32 to vector<16xi32>
        %shift_right_arithmetic3A_990 = arith.shrsi %get3A_987, %shift_right_arithmetic3A_989 : vector<16xi32>
        %swap3A_991 = arith.constant 112 : index
        %swap3A_992 = tpu.vector_load %arg6[%swap3A_991] {strides = array<i32>} : memref<256xi32, #tpu.memory_space<vmem>>, vector<16xi32>,
        tpu.vector_store %arg6[%swap3A_991], %shift_right_arithmetic3A_990 {strides = array<i32>} : memref<256xi32, #tpu.memory_space<vmem>>, vector<16xi32>,
        %mul3A_993 = arith.constant 256 : i32
        %mul3A_994 = arith.muli %add3A_904, %mul3A_993 : i32
        %add3A_995 = arith.constant 128 : i32
        %add3A_996 = arith.addi %mul3A_994, %add3A_995 : i32
        %get3A_997 = arith.index_cast %add3A_996 : i32 to index
        %get3A_998 = tpu.vector_load %arg5[%get3A_997] {strides = array<i32>} : memref<25600xi32, #tpu.memory_space<vmem>>, vector<16xi32>,
        %shift_right_arithmetic3A_999 = arith.constant 1 : i32
        %shift_right_arithmetic3A_1000 = vector.broadcast %shift_right_arithmetic3A_999 : i32 to vector<16xi32>
        %shift_right_arithmetic3A_1001 = arith.shrsi %get3A_998, %shift_right_arithmetic3A_1000 : vector<16xi32>
        %swap3A_1002 = arith.constant 128 : index
        %swap3A_1003 = tpu.vector_load %arg6[%swap3A_1002] {strides = array<i32>} : memref<256xi32, #tpu.memory_space<vmem>>, vector<16xi32>,
        tpu.vector_store %arg6[%swap3A_1002], %shift_right_arithmetic3A_1001 {strides = array<i32>} : memref<256xi32, #tpu.memory_space<vmem>>, vector<16xi32>,
        %mul3A_1004 = arith.constant 256 : i32
        %mul3A_1005 = arith.muli %add3A_904, %mul3A_1004 : i32
        %add3A_1006 = arith.constant 144 : i32
        %add3A_1007 = arith.addi %mul3A_1005, %add3A_1006 : i32
        %get3A_1008 = arith.index_cast %add3A_1007 : i32 to index
        %get3A_1009 = tpu.vector_load %arg5[%get3A_1008] {strides = array<i32>} : memref<25600xi32, #tpu.memory_space<vmem>>, vector<16xi32>,
        %shift_right_arithmetic3A_1010 = arith.constant 1 : i32
        %shift_right_arithmetic3A_1011 = vector.broadcast %shift_right_arithmetic3A_1010 : i32 to vector<16xi32>
        %shift_right_arithmetic3A_1012 = arith.shrsi %get3A_1009, %shift_right_arithmetic3A_1011 : vector<16xi32>
        %swap3A_1013 = arith.constant 144 : index
        %swap3A_1014 = tpu.vector_load %arg6[%swap3A_1013] {strides = array<i32>} : memref<256xi32, #tpu.memory_space<vmem>>, vector<16xi32>,
        tpu.vector_store %arg6[%swap3A_1013], %shift_right_arithmetic3A_1012 {strides = array<i32>} : memref<256xi32, #tpu.memory_space<vmem>>, vector<16xi32>,
        %mul3A_1015 = arith.constant 256 : i32
        %mul3A_1016 = arith.muli %add3A_904, %mul3A_1015 : i32
        %add3A_1017 = arith.constant 160 : i32
        %add3A_1018 = arith.addi %mul3A_1016, %add3A_1017 : i32
        %get3A_1019 = arith.index_cast %add3A_1018 : i32 to index
        %get3A_1020 = tpu.vector_load %arg5[%get3A_1019] {strides = array<i32>} : memref<25600xi32, #tpu.memory_space<vmem>>, vector<16xi32>,
        %shift_right_arithmetic3A_1021 = arith.constant 1 : i32
        %shift_right_arithmetic3A_1022 = vector.broadcast %shift_right_arithmetic3A_1021 : i32 to vector<16xi32>
        %shift_right_arithmetic3A_1023 = arith.shrsi %get3A_1020, %shift_right_arithmetic3A_1022 : vector<16xi32>
        %swap3A_1024 = arith.constant 160 : index
        %swap3A_1025 = tpu.vector_load %arg6[%swap3A_1024] {strides = array<i32>} : memref<256xi32, #tpu.memory_space<vmem>>, vector<16xi32>,
        tpu.vector_store %arg6[%swap3A_1024], %shift_right_arithmetic3A_1023 {strides = array<i32>} : memref<256xi32, #tpu.memory_space<vmem>>, vector<16xi32>,
        %mul3A_1026 = arith.constant 256 : i32
        %mul3A_1027 = arith.muli %add3A_904, %mul3A_1026 : i32
        %add3A_1028 = arith.constant 176 : i32
        %add3A_1029 = arith.addi %mul3A_1027, %add3A_1028 : i32
        %get3A_1030 = arith.index_cast %add3A_1029 : i32 to index
        %get3A_1031 = tpu.vector_load %arg5[%get3A_1030] {strides = array<i32>} : memref<25600xi32, #tpu.memory_space<vmem>>, vector<16xi32>,
        %shift_right_arithmetic3A_1032 = arith.constant 1 : i32
        %shift_right_arithmetic3A_1033 = vector.broadcast %shift_right_arithmetic3A_1032 : i32 to vector<16xi32>
        %shift_right_arithmetic3A_1034 = arith.shrsi %get3A_1031, %shift_right_arithmetic3A_1033 : vector<16xi32>
        %swap3A_1035 = arith.constant 176 : index
        %swap3A_1036 = tpu.vector_load %arg6[%swap3A_1035] {strides = array<i32>} : memref<256xi32, #tpu.memory_space<vmem>>, vector<16xi32>,
        tpu.vector_store %arg6[%swap3A_1035], %shift_right_arithmetic3A_1034 {strides = array<i32>} : memref<256xi32, #tpu.memory_space<vmem>>, vector<16xi32>,
        %mul3A_1037 = arith.constant 256 : i32
        %mul3A_1038 = arith.muli %add3A_904, %mul3A_1037 : i32
        %add3A_1039 = arith.constant 192 : i32
        %add3A_1040 = arith.addi %mul3A_1038, %add3A_1039 : i32
        %get3A_1041 = arith.index_cast %add3A_1040 : i32 to index
        %get3A_1042 = tpu.vector_load %arg5[%get3A_1041] {strides = array<i32>} : memref<25600xi32, #tpu.memory_space<vmem>>, vector<16xi32>,
        %shift_right_arithmetic3A_1043 = arith.constant 1 : i32
        %shift_right_arithmetic3A_1044 = vector.broadcast %shift_right_arithmetic3A_1043 : i32 to vector<16xi32>
        %shift_right_arithmetic3A_1045 = arith.shrsi %get3A_1042, %shift_right_arithmetic3A_1044 : vector<16xi32>
        %swap3A_1046 = arith.constant 192 : index
        %swap3A_1047 = tpu.vector_load %arg6[%swap3A_1046] {strides = array<i32>} : memref<256xi32, #tpu.memory_space<vmem>>, vector<16xi32>,
        tpu.vector_store %arg6[%swap3A_1046], %shift_right_arithmetic3A_1045 {strides = array<i32>} : memref<256xi32, #tpu.memory_space<vmem>>, vector<16xi32>,
        %mul3A_1048 = arith.constant 256 : i32
        %mul3A_1049 = arith.muli %add3A_904, %mul3A_1048 : i32
        %add3A_1050 = arith.constant 208 : i32
        %add3A_1051 = arith.addi %mul3A_1049, %add3A_1050 : i32
        %get3A_1052 = arith.index_cast %add3A_1051 : i32 to index
        %get3A_1053 = tpu.vector_load %arg5[%get3A_1052] {strides = array<i32>} : memref<25600xi32, #tpu.memory_space<vmem>>, vector<16xi32>,
        %shift_right_arithmetic3A_1054 = arith.constant 1 : i32
        %shift_right_arithmetic3A_1055 = vector.broadcast %shift_right_arithmetic3A_1054 : i32 to vector<16xi32>
        %shift_right_arithmetic3A_1056 = arith.shrsi %get3A_1053, %shift_right_arithmetic3A_1055 : vector<16xi32>
        %swap3A_1057 = arith.constant 208 : index
        %swap3A_1058 = tpu.vector_load %arg6[%swap3A_1057] {strides = array<i32>} : memref<256xi32, #tpu.memory_space<vmem>>, vector<16xi32>,
        tpu.vector_store %arg6[%swap3A_1057], %shift_right_arithmetic3A_1056 {strides = array<i32>} : memref<256xi32, #tpu.memory_space<vmem>>, vector<16xi32>,
        %mul3A_1059 = arith.constant 256 : i32
        %mul3A_1060 = arith.muli %add3A_904, %mul3A_1059 : i32
        %add3A_1061 = arith.constant 224 : i32
        %add3A_1062 = arith.addi %mul3A_1060, %add3A_1061 : i32
        %get3A_1063 = arith.index_cast %add3A_1062 : i32 to index
        %get3A_1064 = tpu.vector_load %arg5[%get3A_1063] {strides = array<i32>} : memref<25600xi32, #tpu.memory_space<vmem>>, vector<16xi32>,
        %shift_right_arithmetic3A_1065 = arith.constant 1 : i32
        %shift_right_arithmetic3A_1066 = vector.broadcast %shift_right_arithmetic3A_1065 : i32 to vector<16xi32>
        %shift_right_arithmetic3A_1067 = arith.shrsi %get3A_1064, %shift_right_arithmetic3A_1066 : vector<16xi32>
        %swap3A_1068 = arith.constant 224 : index
        %swap3A_1069 = tpu.vector_load %arg6[%swap3A_1068] {strides = array<i32>} : memref<256xi32, #tpu.memory_space<vmem>>, vector<16xi32>,
        tpu.vector_store %arg6[%swap3A_1068], %shift_right_arithmetic3A_1067 {strides = array<i32>} : memref<256xi32, #tpu.memory_space<vmem>>, vector<16xi32>,
        %mul3A_1070 = arith.constant 256 : i32
        %mul3A_1071 = arith.muli %add3A_904, %mul3A_1070 : i32
        %add3A_1072 = arith.constant 240 : i32
        %add3A_1073 = arith.addi %mul3A_1071, %add3A_1072 : i32
        %get3A_1074 = arith.index_cast %add3A_1073 : i32 to index
        %get3A_1075 = tpu.vector_load %arg5[%get3A_1074] {strides = array<i32>} : memref<25600xi32, #tpu.memory_space<vmem>>, vector<16xi32>,
        %shift_right_arithmetic3A_1076 = arith.constant 1 : i32
        %shift_right_arithmetic3A_1077 = vector.broadcast %shift_right_arithmetic3A_1076 : i32 to vector<16xi32>
        %shift_right_arithmetic3A_1078 = arith.shrsi %get3A_1075, %shift_right_arithmetic3A_1077 : vector<16xi32>
        %swap3A_1079 = arith.constant 240 : index
        %swap3A_1080 = tpu.vector_load %arg6[%swap3A_1079] {strides = array<i32>} : memref<256xi32, #tpu.memory_space<vmem>>, vector<16xi32>,
        tpu.vector_store %arg6[%swap3A_1079], %shift_right_arithmetic3A_1078 {strides = array<i32>} : memref<256xi32, #tpu.memory_space<vmem>>, vector<16xi32>,
        %dma_start3A_1081 = arith.constant 0 : i32
        %dma_start3A_1082 = arith.constant 0 : i32
        %dma_start3A_1083 = tpu.memref_slice %arg3[%dma_start3A_1081, %dma_start3A_1082] : memref<500000x128xf32, #tpu.memory_space<hbm>> -> memref<500000x128xf32, #tpu.memory_space<hbm>>
        tpu.enqueue_indirect_dma source(%dma_start3A_1083 : memref<500000x128xf32, #tpu.memory_space<hbm>>) target(%arg8 : memref<256x128xf32, #tpu.memory_space<vmem>>) offsets(%arg6 : memref<256xi32, #tpu.memory_space<vmem>>) semaphore(%arg12 : memref<!tpu.dma_semaphore, #tpu.memory_space<semaphore_mem>>)
      } else {
      }
      %mul3A_637 = arith.constant 2 : i32
      %mul3A_638 = arith.muli %scan3A_374, %mul3A_637 : i32
      %add3A_639 = arith.constant 1 : i32
      %add3A_640 = arith.addi %mul3A_638, %add3A_639 : i32
      %dma_wait3A_641 = arith.constant 0 : i32
      %dma_wait3A_642 = arith.constant 0 : i32
      %dma_wait3A_643 = tpu.memref_slice %arg3[%dma_wait3A_641, %dma_wait3A_642] : memref<500000x128xf32, #tpu.memory_space<hbm>> -> memref<500000x128xf32, #tpu.memory_space<hbm>>
      tpu.wait_indirect_dma semaphore(%arg13 : memref<!tpu.dma_semaphore, #tpu.memory_space<semaphore_mem>>) src(%dma_wait3A_643 : memref<500000x128xf32, #tpu.memory_space<hbm>>) dst(%arg9 : memref<256x128xf32, #tpu.memory_space<vmem>>)
      %gt3A_644 = arith.constant 0 : i32
      %gt3A_645 = arith.cmpi sgt, %scan3A_374, %gt3A_644 : i32
      %convert_element_type3A_646 = arith.extui %gt3A_645 : i1 to i32
      %cond3A_647 = arith.constant 0 : i32
      %cond3A_648 = arith.cmpi ne, %convert_element_type3A_646, %cond3A_647 : i32
      scf.if %cond3A_648 {
        %sub3A_903 = arith.constant 2 : i32
        %sub3A_904 = arith.subi %add3A_640, %sub3A_903 : i32
        %add3A_905 = arith.addi %mul3A_2, %sub3A_904 : i32
        %jit3A_906 = arith.constant 64 : i32
        %div3A_907 = arith.divsi %add3A_905, %jit3A_906 : i32
        %sign3A_908 = arith.constant 0 : i32
        %sign3A_909 = arith.cmpi sgt, %add3A_905, %sign3A_908 : i32
        %sign3A_910 = arith.extui %sign3A_909 : i1 to i32
        %sign3A_911 = arith.constant 0 : i32
        %sign3A_912 = arith.cmpi slt, %add3A_905, %sign3A_911 : i32
        %sign3A_913 = arith.extui %sign3A_912 : i1 to i32
        %sign3A_914 = arith.subi %sign3A_910, %sign3A_913 : i32
        %sign3A_915 = arith.constant 0 : i32
        %sign3A_916 = arith.cmpi sgt, %jit3A_906, %sign3A_915 : i32
        %sign3A_917 = arith.extui %sign3A_916 : i1 to i32
        %sign3A_918 = arith.constant 0 : i32
        %sign3A_919 = arith.cmpi slt, %jit3A_906, %sign3A_918 : i32
        %sign3A_920 = arith.extui %sign3A_919 : i1 to i32
        %sign3A_921 = arith.subi %sign3A_917, %sign3A_920 : i32
        %ne3A_922 = arith.cmpi ne, %sign3A_914, %sign3A_921 : i32
        %rem3A_923 = arith.remsi %add3A_905, %jit3A_906 : i32
        %ne3A_924 = arith.constant 0 : i32
        %ne3A_925 = arith.cmpi ne, %rem3A_923, %ne3A_924 : i32
        %and3A_926 = arith.andi %ne3A_922, %ne3A_925 : i1
        %sub3A_927 = arith.constant 1 : i32
        %sub3A_928 = arith.subi %div3A_907, %sub3A_927 : i32
        %select_n3A_929 = arith.select %and3A_926, %sub3A_928, %div3A_907 : i32
        %jit3A_930 = arith.constant 64 : i32
        %eq3A_931 = arith.constant 0 : i32
        %eq3A_932 = arith.cmpi eq, %jit3A_930, %eq3A_931 : i32
        %jit3A_933 = arith.constant 1 : i32
        %select_n3A_934 = arith.select %eq3A_932, %jit3A_933, %jit3A_930 : i32
        %rem3A_935 = arith.remsi %add3A_905, %select_n3A_934 : i32
        %ne3A_936 = arith.constant 0 : i32
        %ne3A_937 = arith.cmpi ne, %rem3A_935, %ne3A_936 : i32
        %lt3A_938 = arith.constant 0 : i32
        %lt3A_939 = arith.cmpi slt, %rem3A_935, %lt3A_938 : i32
        %lt3A_940 = arith.constant 0 : i32
        %lt3A_941 = arith.cmpi slt, %select_n3A_934, %lt3A_940 : i32
        %ne3A_942 = arith.xori %lt3A_939, %lt3A_941 : i1
        %and3A_943 = arith.andi %ne3A_942, %ne3A_937 : i1
        %add3A_944 = arith.addi %rem3A_935, %select_n3A_934 : i32
        %select_n3A_945 = arith.select %and3A_943, %add3A_944, %rem3A_935 : i32
        %mul3A_946 = arith.constant 256 : i32
        %mul3A_947 = arith.muli %select_n3A_945, %mul3A_946 : i32
        %dma_wait3A_948 = arith.constant 0 : i32
        %dma_wait3A_949 = tpu.memref_slice %arg4[%select_n3A_929, %dma_wait3A_948, %mul3A_947] : memref<50x64x16384xf32, #tpu.memory_space<hbm>> -> memref<1x64x256xf32, #tpu.memory_space<hbm>>
        %dma_wait3A_950 = tpu.memref_squeeze %dma_wait3A_949 : memref<1x64x256xf32, #tpu.memory_space<hbm>> -> memref<64x256xf32, #tpu.memory_space<hbm>>
        %dma_wait3A_951 = arith.constant 0 : i32
        %dma_wait3A_952 = tpu.memref_slice %arg4[%select_n3A_929, %dma_wait3A_951, %mul3A_947] : memref<50x64x16384xf32, #tpu.memory_space<hbm>> -> memref<1x64x256xf32, #tpu.memory_space<hbm>>
        %dma_wait3A_953 = tpu.memref_squeeze %dma_wait3A_952 : memref<1x64x256xf32, #tpu.memory_space<hbm>> -> memref<64x256xf32, #tpu.memory_space<hbm>>
        tpu.wait_dma2 semaphore(%arg15 : memref<!tpu.dma_semaphore, #tpu.memory_space<semaphore_mem>>) src(%arg11 : memref<64x256xf32, #tpu.memory_space<vmem>>) dst(%dma_wait3A_953 : memref<64x256xf32, #tpu.memory_space<hbm>>)
      } else {
      }
      %mul3A_649 = arith.constant 256 : i32
      %mul3A_650 = arith.muli %add3A_640, %mul3A_649 : i32
      %add3A_651 = arith.constant 0 : i32
      %add3A_652 = arith.addi %mul3A_650, %add3A_651 : i32
      %get3A_653 = arith.index_cast %add3A_652 : i32 to index
      %get3A_654 = tpu.vector_load %arg5[%get3A_653] {strides = array<i32>} : memref<25600xi32, #tpu.memory_space<vmem>>, vector<16xi32>,
      %and3A_655 = arith.constant 1 : i32
      %and3A_656 = vector.broadcast %and3A_655 : i32 to vector<16xi32>
      %and3A_657 = arith.andi %get3A_654, %and3A_656 : vector<16xi32>
      %shift_left3A_658 = arith.constant 6 : i32
      %shift_left3A_659 = vector.broadcast %shift_left3A_658 : i32 to vector<16xi32>
      %shift_left3A_660 = arith.shli %and3A_657, %shift_left3A_659 : vector<16xi32>
      %mul3A_661 = arith.constant 256 : i32
      %mul3A_662 = arith.muli %add3A_640, %mul3A_661 : i32
      %add3A_663 = arith.constant 16 : i32
      %add3A_664 = arith.addi %mul3A_662, %add3A_663 : i32
      %get3A_665 = arith.index_cast %add3A_664 : i32 to index
      %get3A_666 = tpu.vector_load %arg5[%get3A_665] {strides = array<i32>} : memref<25600xi32, #tpu.memory_space<vmem>>, vector<16xi32>,
      %and3A_667 = arith.constant 1 : i32
      %and3A_668 = vector.broadcast %and3A_667 : i32 to vector<16xi32>
      %and3A_669 = arith.andi %get3A_666, %and3A_668 : vector<16xi32>
      %shift_left3A_670 = arith.constant 6 : i32
      %shift_left3A_671 = vector.broadcast %shift_left3A_670 : i32 to vector<16xi32>
      %shift_left3A_672 = arith.shli %and3A_669, %shift_left3A_671 : vector<16xi32>
      %mul3A_673 = arith.constant 256 : i32
      %mul3A_674 = arith.muli %add3A_640, %mul3A_673 : i32
      %add3A_675 = arith.constant 32 : i32
      %add3A_676 = arith.addi %mul3A_674, %add3A_675 : i32
      %get3A_677 = arith.index_cast %add3A_676 : i32 to index
      %get3A_678 = tpu.vector_load %arg5[%get3A_677] {strides = array<i32>} : memref<25600xi32, #tpu.memory_space<vmem>>, vector<16xi32>,
      %and3A_679 = arith.constant 1 : i32
      %and3A_680 = vector.broadcast %and3A_679 : i32 to vector<16xi32>
      %and3A_681 = arith.andi %get3A_678, %and3A_680 : vector<16xi32>
      %shift_left3A_682 = arith.constant 6 : i32
      %shift_left3A_683 = vector.broadcast %shift_left3A_682 : i32 to vector<16xi32>
      %shift_left3A_684 = arith.shli %and3A_681, %shift_left3A_683 : vector<16xi32>
      %mul3A_685 = arith.constant 256 : i32
      %mul3A_686 = arith.muli %add3A_640, %mul3A_685 : i32
      %add3A_687 = arith.constant 48 : i32
      %add3A_688 = arith.addi %mul3A_686, %add3A_687 : i32
      %get3A_689 = arith.index_cast %add3A_688 : i32 to index
      %get3A_690 = tpu.vector_load %arg5[%get3A_689] {strides = array<i32>} : memref<25600xi32, #tpu.memory_space<vmem>>, vector<16xi32>,
      %and3A_691 = arith.constant 1 : i32
      %and3A_692 = vector.broadcast %and3A_691 : i32 to vector<16xi32>
      %and3A_693 = arith.andi %get3A_690, %and3A_692 : vector<16xi32>
      %shift_left3A_694 = arith.constant 6 : i32
      %shift_left3A_695 = vector.broadcast %shift_left3A_694 : i32 to vector<16xi32>
      %shift_left3A_696 = arith.shli %and3A_693, %shift_left3A_695 : vector<16xi32>
      %mul3A_697 = arith.constant 256 : i32
      %mul3A_698 = arith.muli %add3A_640, %mul3A_697 : i32
      %add3A_699 = arith.constant 64 : i32
      %add3A_700 = arith.addi %mul3A_698, %add3A_699 : i32
      %get3A_701 = arith.index_cast %add3A_700 : i32 to index
      %get3A_702 = tpu.vector_load %arg5[%get3A_701] {strides = array<i32>} : memref<25600xi32, #tpu.memory_space<vmem>>, vector<16xi32>,
      %and3A_703 = arith.constant 1 : i32
      %and3A_704 = vector.broadcast %and3A_703 : i32 to vector<16xi32>
      %and3A_705 = arith.andi %get3A_702, %and3A_704 : vector<16xi32>
      %shift_left3A_706 = arith.constant 6 : i32
      %shift_left3A_707 = vector.broadcast %shift_left3A_706 : i32 to vector<16xi32>
      %shift_left3A_708 = arith.shli %and3A_705, %shift_left3A_707 : vector<16xi32>
      %mul3A_709 = arith.constant 256 : i32
      %mul3A_710 = arith.muli %add3A_640, %mul3A_709 : i32
      %add3A_711 = arith.constant 80 : i32
      %add3A_712 = arith.addi %mul3A_710, %add3A_711 : i32
      %get3A_713 = arith.index_cast %add3A_712 : i32 to index
      %get3A_714 = tpu.vector_load %arg5[%get3A_713] {strides = array<i32>} : memref<25600xi32, #tpu.memory_space<vmem>>, vector<16xi32>,
      %and3A_715 = arith.constant 1 : i32
      %and3A_716 = vector.broadcast %and3A_715 : i32 to vector<16xi32>
      %and3A_717 = arith.andi %get3A_714, %and3A_716 : vector<16xi32>
      %shift_left3A_718 = arith.constant 6 : i32
      %shift_left3A_719 = vector.broadcast %shift_left3A_718 : i32 to vector<16xi32>
      %shift_left3A_720 = arith.shli %and3A_717, %shift_left3A_719 : vector<16xi32>
      %mul3A_721 = arith.constant 256 : i32
      %mul3A_722 = arith.muli %add3A_640, %mul3A_721 : i32
      %add3A_723 = arith.constant 96 : i32
      %add3A_724 = arith.addi %mul3A_722, %add3A_723 : i32
      %get3A_725 = arith.index_cast %add3A_724 : i32 to index
      %get3A_726 = tpu.vector_load %arg5[%get3A_725] {strides = array<i32>} : memref<25600xi32, #tpu.memory_space<vmem>>, vector<16xi32>,
      %and3A_727 = arith.constant 1 : i32
      %and3A_728 = vector.broadcast %and3A_727 : i32 to vector<16xi32>
      %and3A_729 = arith.andi %get3A_726, %and3A_728 : vector<16xi32>
      %shift_left3A_730 = arith.constant 6 : i32
      %shift_left3A_731 = vector.broadcast %shift_left3A_730 : i32 to vector<16xi32>
      %shift_left3A_732 = arith.shli %and3A_729, %shift_left3A_731 : vector<16xi32>
      %mul3A_733 = arith.constant 256 : i32
      %mul3A_734 = arith.muli %add3A_640, %mul3A_733 : i32
      %add3A_735 = arith.constant 112 : i32
      %add3A_736 = arith.addi %mul3A_734, %add3A_735 : i32
      %get3A_737 = arith.index_cast %add3A_736 : i32 to index
      %get3A_738 = tpu.vector_load %arg5[%get3A_737] {strides = array<i32>} : memref<25600xi32, #tpu.memory_space<vmem>>, vector<16xi32>,
      %and3A_739 = arith.constant 1 : i32
      %and3A_740 = vector.broadcast %and3A_739 : i32 to vector<16xi32>
      %and3A_741 = arith.andi %get3A_738, %and3A_740 : vector<16xi32>
      %shift_left3A_742 = arith.constant 6 : i32
      %shift_left3A_743 = vector.broadcast %shift_left3A_742 : i32 to vector<16xi32>
      %shift_left3A_744 = arith.shli %and3A_741, %shift_left3A_743 : vector<16xi32>
      %mul3A_745 = arith.constant 256 : i32
      %mul3A_746 = arith.muli %add3A_640, %mul3A_745 : i32
      %add3A_747 = arith.constant 128 : i32
      %add3A_748 = arith.addi %mul3A_746, %add3A_747 : i32
      %get3A_749 = arith.index_cast %add3A_748 : i32 to index
      %get3A_750 = tpu.vector_load %arg5[%get3A_749] {strides = array<i32>} : memref<25600xi32, #tpu.memory_space<vmem>>, vector<16xi32>,
      %and3A_751 = arith.constant 1 : i32
      %and3A_752 = vector.broadcast %and3A_751 : i32 to vector<16xi32>
      %and3A_753 = arith.andi %get3A_750, %and3A_752 : vector<16xi32>
      %shift_left3A_754 = arith.constant 6 : i32
      %shift_left3A_755 = vector.broadcast %shift_left3A_754 : i32 to vector<16xi32>
      %shift_left3A_756 = arith.shli %and3A_753, %shift_left3A_755 : vector<16xi32>
      %mul3A_757 = arith.constant 256 : i32
      %mul3A_758 = arith.muli %add3A_640, %mul3A_757 : i32
      %add3A_759 = arith.constant 144 : i32
      %add3A_760 = arith.addi %mul3A_758, %add3A_759 : i32
      %get3A_761 = arith.index_cast %add3A_760 : i32 to index
      %get3A_762 = tpu.vector_load %arg5[%get3A_761] {strides = array<i32>} : memref<25600xi32, #tpu.memory_space<vmem>>, vector<16xi32>,
      %and3A_763 = arith.constant 1 : i32
      %and3A_764 = vector.broadcast %and3A_763 : i32 to vector<16xi32>
      %and3A_765 = arith.andi %get3A_762, %and3A_764 : vector<16xi32>
      %shift_left3A_766 = arith.constant 6 : i32
      %shift_left3A_767 = vector.broadcast %shift_left3A_766 : i32 to vector<16xi32>
      %shift_left3A_768 = arith.shli %and3A_765, %shift_left3A_767 : vector<16xi32>
      %mul3A_769 = arith.constant 256 : i32
      %mul3A_770 = arith.muli %add3A_640, %mul3A_769 : i32
      %add3A_771 = arith.constant 160 : i32
      %add3A_772 = arith.addi %mul3A_770, %add3A_771 : i32
      %get3A_773 = arith.index_cast %add3A_772 : i32 to index
      %get3A_774 = tpu.vector_load %arg5[%get3A_773] {strides = array<i32>} : memref<25600xi32, #tpu.memory_space<vmem>>, vector<16xi32>,
      %and3A_775 = arith.constant 1 : i32
      %and3A_776 = vector.broadcast %and3A_775 : i32 to vector<16xi32>
      %and3A_777 = arith.andi %get3A_774, %and3A_776 : vector<16xi32>
      %shift_left3A_778 = arith.constant 6 : i32
      %shift_left3A_779 = vector.broadcast %shift_left3A_778 : i32 to vector<16xi32>
      %shift_left3A_780 = arith.shli %and3A_777, %shift_left3A_779 : vector<16xi32>
      %mul3A_781 = arith.constant 256 : i32
      %mul3A_782 = arith.muli %add3A_640, %mul3A_781 : i32
      %add3A_783 = arith.constant 176 : i32
      %add3A_784 = arith.addi %mul3A_782, %add3A_783 : i32
      %get3A_785 = arith.index_cast %add3A_784 : i32 to index
      %get3A_786 = tpu.vector_load %arg5[%get3A_785] {strides = array<i32>} : memref<25600xi32, #tpu.memory_space<vmem>>, vector<16xi32>,
      %and3A_787 = arith.constant 1 : i32
      %and3A_788 = vector.broadcast %and3A_787 : i32 to vector<16xi32>
      %and3A_789 = arith.andi %get3A_786, %and3A_788 : vector<16xi32>
      %shift_left3A_790 = arith.constant 6 : i32
      %shift_left3A_791 = vector.broadcast %shift_left3A_790 : i32 to vector<16xi32>
      %shift_left3A_792 = arith.shli %and3A_789, %shift_left3A_791 : vector<16xi32>
      %mul3A_793 = arith.constant 256 : i32
      %mul3A_794 = arith.muli %add3A_640, %mul3A_793 : i32
      %add3A_795 = arith.constant 192 : i32
      %add3A_796 = arith.addi %mul3A_794, %add3A_795 : i32
      %get3A_797 = arith.index_cast %add3A_796 : i32 to index
      %get3A_798 = tpu.vector_load %arg5[%get3A_797] {strides = array<i32>} : memref<25600xi32, #tpu.memory_space<vmem>>, vector<16xi32>,
      %and3A_799 = arith.constant 1 : i32
      %and3A_800 = vector.broadcast %and3A_799 : i32 to vector<16xi32>
      %and3A_801 = arith.andi %get3A_798, %and3A_800 : vector<16xi32>
      %shift_left3A_802 = arith.constant 6 : i32
      %shift_left3A_803 = vector.broadcast %shift_left3A_802 : i32 to vector<16xi32>
      %shift_left3A_804 = arith.shli %and3A_801, %shift_left3A_803 : vector<16xi32>
      %mul3A_805 = arith.constant 256 : i32
      %mul3A_806 = arith.muli %add3A_640, %mul3A_805 : i32
      %add3A_807 = arith.constant 208 : i32
      %add3A_808 = arith.addi %mul3A_806, %add3A_807 : i32
      %get3A_809 = arith.index_cast %add3A_808 : i32 to index
      %get3A_810 = tpu.vector_load %arg5[%get3A_809] {strides = array<i32>} : memref<25600xi32, #tpu.memory_space<vmem>>, vector<16xi32>,
      %and3A_811 = arith.constant 1 : i32
      %and3A_812 = vector.broadcast %and3A_811 : i32 to vector<16xi32>
      %and3A_813 = arith.andi %get3A_810, %and3A_812 : vector<16xi32>
      %shift_left3A_814 = arith.constant 6 : i32
      %shift_left3A_815 = vector.broadcast %shift_left3A_814 : i32 to vector<16xi32>
      %shift_left3A_816 = arith.shli %and3A_813, %shift_left3A_815 : vector<16xi32>
      %mul3A_817 = arith.constant 256 : i32
      %mul3A_818 = arith.muli %add3A_640, %mul3A_817 : i32
      %add3A_819 = arith.constant 224 : i32
      %add3A_820 = arith.addi %mul3A_818, %add3A_819 : i32
      %get3A_821 = arith.index_cast %add3A_820 : i32 to index
      %get3A_822 = tpu.vector_load %arg5[%get3A_821] {strides = array<i32>} : memref<25600xi32, #tpu.memory_space<vmem>>, vector<16xi32>,
      %and3A_823 = arith.constant 1 : i32
      %and3A_824 = vector.broadcast %and3A_823 : i32 to vector<16xi32>
      %and3A_825 = arith.andi %get3A_822, %and3A_824 : vector<16xi32>
      %shift_left3A_826 = arith.constant 6 : i32
      %shift_left3A_827 = vector.broadcast %shift_left3A_826 : i32 to vector<16xi32>
      %shift_left3A_828 = arith.shli %and3A_825, %shift_left3A_827 : vector<16xi32>
      %mul3A_829 = arith.constant 256 : i32
      %mul3A_830 = arith.muli %add3A_640, %mul3A_829 : i32
      %add3A_831 = arith.constant 240 : i32
      %add3A_832 = arith.addi %mul3A_830, %add3A_831 : i32
      %get3A_833 = arith.index_cast %add3A_832 : i32 to index
      %get3A_834 = tpu.vector_load %arg5[%get3A_833] {strides = array<i32>} : memref<25600xi32, #tpu.memory_space<vmem>>, vector<16xi32>,
      %and3A_835 = arith.constant 1 : i32
      %and3A_836 = vector.broadcast %and3A_835 : i32 to vector<16xi32>
      %and3A_837 = arith.andi %get3A_834, %and3A_836 : vector<16xi32>
      %shift_left3A_838 = arith.constant 6 : i32
      %shift_left3A_839 = vector.broadcast %shift_left3A_838 : i32 to vector<16xi32>
      %shift_left3A_840 = arith.shli %and3A_837, %shift_left3A_839 : vector<16xi32>
      %scan3A_841 = arith.constant 0 : i32
      %scan3A_842 = arith.constant 0 : i32
      %scan3A_843 = arith.constant 16 : i32
      %scan3A_844 = arith.addi %scan3A_842, %scan3A_843 : i32
      %scan3A_845 = arith.constant 1 : i32
      %scan3A_846 = scf.for %scan3A_903 = %scan3A_842 to %scan3A_844 step %scan3A_845 iter_args(%scan3A_904 = %scan3A_841) -> (i32)  : i32 {
        %mul3A_905 = arith.constant 4 : i32
        %mul3A_906 = arith.muli %scan3A_903, %mul3A_905 : i32
        %add3A_907 = arith.constant 0 : i32
        %add3A_908 = arith.addi %mul3A_906, %add3A_907 : i32
        %add3A_909 = vector.broadcast %add3A_908 : i32 to vector<16xi32>
        %add3A_910 = arith.addi %iota3A, %add3A_909 : vector<16xi32>
        %and3A_911 = arith.constant 63 : i32
        %and3A_912 = vector.broadcast %and3A_911 : i32 to vector<16xi32>
        %and3A_913 = arith.andi %add3A_910, %and3A_912 : vector<16xi32>
        %add3A_914 = arith.addi %and3A_913, %shift_left3A_660 : vector<16xi32>
        %gather3A = tpu.vector_load_idx %arg9[%add3A_5, %add3A_914] : memref<256x128xf32, #tpu.memory_space<vmem>>[vector<16xi32>, vector<16xi32>], vector<16xf32>,
        tpu.vector_store_idx %arg11[%and3A_913, %add3A_5], %gather3A : memref<64x256xf32, #tpu.memory_space<vmem>>[vector<16xi32>, vector<16xi32>], vector<16xf32>,
        %add3A_915 = arith.addi %and3A_913, %shift_left3A_672 : vector<16xi32>
        %gather3A_916 = tpu.vector_load_idx %arg9[%add3A_8, %add3A_915] : memref<256x128xf32, #tpu.memory_space<vmem>>[vector<16xi32>, vector<16xi32>], vector<16xf32>,
        tpu.vector_store_idx %arg11[%and3A_913, %add3A_8], %gather3A_916 : memref<64x256xf32, #tpu.memory_space<vmem>>[vector<16xi32>, vector<16xi32>], vector<16xf32>,
        %add3A_917 = arith.addi %and3A_913, %shift_left3A_684 : vector<16xi32>
        %gather3A_918 = tpu.vector_load_idx %arg9[%add3A_11, %add3A_917] : memref<256x128xf32, #tpu.memory_space<vmem>>[vector<16xi32>, vector<16xi32>], vector<16xf32>,
        tpu.vector_store_idx %arg11[%and3A_913, %add3A_11], %gather3A_918 : memref<64x256xf32, #tpu.memory_space<vmem>>[vector<16xi32>, vector<16xi32>], vector<16xf32>,
        %add3A_919 = arith.addi %and3A_913, %shift_left3A_696 : vector<16xi32>
        %gather3A_920 = tpu.vector_load_idx %arg9[%add3A_14, %add3A_919] : memref<256x128xf32, #tpu.memory_space<vmem>>[vector<16xi32>, vector<16xi32>], vector<16xf32>,
        tpu.vector_store_idx %arg11[%and3A_913, %add3A_14], %gather3A_920 : memref<64x256xf32, #tpu.memory_space<vmem>>[vector<16xi32>, vector<16xi32>], vector<16xf32>,
        %add3A_921 = arith.addi %and3A_913, %shift_left3A_708 : vector<16xi32>
        %gather3A_922 = tpu.vector_load_idx %arg9[%add3A_17, %add3A_921] : memref<256x128xf32, #tpu.memory_space<vmem>>[vector<16xi32>, vector<16xi32>], vector<16xf32>,
        tpu.vector_store_idx %arg11[%and3A_913, %add3A_17], %gather3A_922 : memref<64x256xf32, #tpu.memory_space<vmem>>[vector<16xi32>, vector<16xi32>], vector<16xf32>,
        %add3A_923 = arith.addi %and3A_913, %shift_left3A_720 : vector<16xi32>
        %gather3A_924 = tpu.vector_load_idx %arg9[%add3A_20, %add3A_923] : memref<256x128xf32, #tpu.memory_space<vmem>>[vector<16xi32>, vector<16xi32>], vector<16xf32>,
        tpu.vector_store_idx %arg11[%and3A_913, %add3A_20], %gather3A_924 : memref<64x256xf32, #tpu.memory_space<vmem>>[vector<16xi32>, vector<16xi32>], vector<16xf32>,
        %add3A_925 = arith.addi %and3A_913, %shift_left3A_732 : vector<16xi32>
        %gather3A_926 = tpu.vector_load_idx %arg9[%add3A_23, %add3A_925] : memref<256x128xf32, #tpu.memory_space<vmem>>[vector<16xi32>, vector<16xi32>], vector<16xf32>,
        tpu.vector_store_idx %arg11[%and3A_913, %add3A_23], %gather3A_926 : memref<64x256xf32, #tpu.memory_space<vmem>>[vector<16xi32>, vector<16xi32>], vector<16xf32>,
        %add3A_927 = arith.addi %and3A_913, %shift_left3A_744 : vector<16xi32>
        %gather3A_928 = tpu.vector_load_idx %arg9[%add3A_26, %add3A_927] : memref<256x128xf32, #tpu.memory_space<vmem>>[vector<16xi32>, vector<16xi32>], vector<16xf32>,
        tpu.vector_store_idx %arg11[%and3A_913, %add3A_26], %gather3A_928 : memref<64x256xf32, #tpu.memory_space<vmem>>[vector<16xi32>, vector<16xi32>], vector<16xf32>,
        %add3A_929 = arith.addi %and3A_913, %shift_left3A_756 : vector<16xi32>
        %gather3A_930 = tpu.vector_load_idx %arg9[%add3A_29, %add3A_929] : memref<256x128xf32, #tpu.memory_space<vmem>>[vector<16xi32>, vector<16xi32>], vector<16xf32>,
        tpu.vector_store_idx %arg11[%and3A_913, %add3A_29], %gather3A_930 : memref<64x256xf32, #tpu.memory_space<vmem>>[vector<16xi32>, vector<16xi32>], vector<16xf32>,
        %add3A_931 = arith.addi %and3A_913, %shift_left3A_768 : vector<16xi32>
        %gather3A_932 = tpu.vector_load_idx %arg9[%add3A_32, %add3A_931] : memref<256x128xf32, #tpu.memory_space<vmem>>[vector<16xi32>, vector<16xi32>], vector<16xf32>,
        tpu.vector_store_idx %arg11[%and3A_913, %add3A_32], %gather3A_932 : memref<64x256xf32, #tpu.memory_space<vmem>>[vector<16xi32>, vector<16xi32>], vector<16xf32>,
        %add3A_933 = arith.addi %and3A_913, %shift_left3A_780 : vector<16xi32>
        %gather3A_934 = tpu.vector_load_idx %arg9[%add3A_35, %add3A_933] : memref<256x128xf32, #tpu.memory_space<vmem>>[vector<16xi32>, vector<16xi32>], vector<16xf32>,
        tpu.vector_store_idx %arg11[%and3A_913, %add3A_35], %gather3A_934 : memref<64x256xf32, #tpu.memory_space<vmem>>[vector<16xi32>, vector<16xi32>], vector<16xf32>,
        %add3A_935 = arith.addi %and3A_913, %shift_left3A_792 : vector<16xi32>
        %gather3A_936 = tpu.vector_load_idx %arg9[%add3A_38, %add3A_935] : memref<256x128xf32, #tpu.memory_space<vmem>>[vector<16xi32>, vector<16xi32>], vector<16xf32>,
        tpu.vector_store_idx %arg11[%and3A_913, %add3A_38], %gather3A_936 : memref<64x256xf32, #tpu.memory_space<vmem>>[vector<16xi32>, vector<16xi32>], vector<16xf32>,
        %add3A_937 = arith.addi %and3A_913, %shift_left3A_804 : vector<16xi32>
        %gather3A_938 = tpu.vector_load_idx %arg9[%add3A_41, %add3A_937] : memref<256x128xf32, #tpu.memory_space<vmem>>[vector<16xi32>, vector<16xi32>], vector<16xf32>,
        tpu.vector_store_idx %arg11[%and3A_913, %add3A_41], %gather3A_938 : memref<64x256xf32, #tpu.memory_space<vmem>>[vector<16xi32>, vector<16xi32>], vector<16xf32>,
        %add3A_939 = arith.addi %and3A_913, %shift_left3A_816 : vector<16xi32>
        %gather3A_940 = tpu.vector_load_idx %arg9[%add3A_44, %add3A_939] : memref<256x128xf32, #tpu.memory_space<vmem>>[vector<16xi32>, vector<16xi32>], vector<16xf32>,
        tpu.vector_store_idx %arg11[%and3A_913, %add3A_44], %gather3A_940 : memref<64x256xf32, #tpu.memory_space<vmem>>[vector<16xi32>, vector<16xi32>], vector<16xf32>,
        %add3A_941 = arith.addi %and3A_913, %shift_left3A_828 : vector<16xi32>
        %gather3A_942 = tpu.vector_load_idx %arg9[%add3A_47, %add3A_941] : memref<256x128xf32, #tpu.memory_space<vmem>>[vector<16xi32>, vector<16xi32>], vector<16xf32>,
        tpu.vector_store_idx %arg11[%and3A_913, %add3A_47], %gather3A_942 : memref<64x256xf32, #tpu.memory_space<vmem>>[vector<16xi32>, vector<16xi32>], vector<16xf32>,
        %add3A_943 = arith.addi %and3A_913, %shift_left3A_840 : vector<16xi32>
        %gather3A_944 = tpu.vector_load_idx %arg9[%add3A_50, %add3A_943] : memref<256x128xf32, #tpu.memory_space<vmem>>[vector<16xi32>, vector<16xi32>], vector<16xf32>,
        tpu.vector_store_idx %arg11[%and3A_913, %add3A_50], %gather3A_944 : memref<64x256xf32, #tpu.memory_space<vmem>>[vector<16xi32>, vector<16xi32>], vector<16xf32>,
        %mul3A_945 = arith.constant 4 : i32
        %mul3A_946 = arith.muli %scan3A_903, %mul3A_945 : i32
        %add3A_947 = arith.constant 1 : i32
        %add3A_948 = arith.addi %mul3A_946, %add3A_947 : i32
        %add3A_949 = vector.broadcast %add3A_948 : i32 to vector<16xi32>
        %add3A_950 = arith.addi %iota3A, %add3A_949 : vector<16xi32>
        %and3A_951 = arith.constant 63 : i32
        %and3A_952 = vector.broadcast %and3A_951 : i32 to vector<16xi32>
        %and3A_953 = arith.andi %add3A_950, %and3A_952 : vector<16xi32>
        %add3A_954 = arith.addi %and3A_953, %shift_left3A_660 : vector<16xi32>
        %gather3A_955 = tpu.vector_load_idx %arg9[%add3A_5, %add3A_954] : memref<256x128xf32, #tpu.memory_space<vmem>>[vector<16xi32>, vector<16xi32>], vector<16xf32>,
        tpu.vector_store_idx %arg11[%and3A_953, %add3A_5], %gather3A_955 : memref<64x256xf32, #tpu.memory_space<vmem>>[vector<16xi32>, vector<16xi32>], vector<16xf32>,
        %add3A_956 = arith.addi %and3A_953, %shift_left3A_672 : vector<16xi32>
        %gather3A_957 = tpu.vector_load_idx %arg9[%add3A_8, %add3A_956] : memref<256x128xf32, #tpu.memory_space<vmem>>[vector<16xi32>, vector<16xi32>], vector<16xf32>,
        tpu.vector_store_idx %arg11[%and3A_953, %add3A_8], %gather3A_957 : memref<64x256xf32, #tpu.memory_space<vmem>>[vector<16xi32>, vector<16xi32>], vector<16xf32>,
        %add3A_958 = arith.addi %and3A_953, %shift_left3A_684 : vector<16xi32>
        %gather3A_959 = tpu.vector_load_idx %arg9[%add3A_11, %add3A_958] : memref<256x128xf32, #tpu.memory_space<vmem>>[vector<16xi32>, vector<16xi32>], vector<16xf32>,
        tpu.vector_store_idx %arg11[%and3A_953, %add3A_11], %gather3A_959 : memref<64x256xf32, #tpu.memory_space<vmem>>[vector<16xi32>, vector<16xi32>], vector<16xf32>,
        %add3A_960 = arith.addi %and3A_953, %shift_left3A_696 : vector<16xi32>
        %gather3A_961 = tpu.vector_load_idx %arg9[%add3A_14, %add3A_960] : memref<256x128xf32, #tpu.memory_space<vmem>>[vector<16xi32>, vector<16xi32>], vector<16xf32>,
        tpu.vector_store_idx %arg11[%and3A_953, %add3A_14], %gather3A_961 : memref<64x256xf32, #tpu.memory_space<vmem>>[vector<16xi32>, vector<16xi32>], vector<16xf32>,
        %add3A_962 = arith.addi %and3A_953, %shift_left3A_708 : vector<16xi32>
        %gather3A_963 = tpu.vector_load_idx %arg9[%add3A_17, %add3A_962] : memref<256x128xf32, #tpu.memory_space<vmem>>[vector<16xi32>, vector<16xi32>], vector<16xf32>,
        tpu.vector_store_idx %arg11[%and3A_953, %add3A_17], %gather3A_963 : memref<64x256xf32, #tpu.memory_space<vmem>>[vector<16xi32>, vector<16xi32>], vector<16xf32>,
        %add3A_964 = arith.addi %and3A_953, %shift_left3A_720 : vector<16xi32>
        %gather3A_965 = tpu.vector_load_idx %arg9[%add3A_20, %add3A_964] : memref<256x128xf32, #tpu.memory_space<vmem>>[vector<16xi32>, vector<16xi32>], vector<16xf32>,
        tpu.vector_store_idx %arg11[%and3A_953, %add3A_20], %gather3A_965 : memref<64x256xf32, #tpu.memory_space<vmem>>[vector<16xi32>, vector<16xi32>], vector<16xf32>,
        %add3A_966 = arith.addi %and3A_953, %shift_left3A_732 : vector<16xi32>
        %gather3A_967 = tpu.vector_load_idx %arg9[%add3A_23, %add3A_966] : memref<256x128xf32, #tpu.memory_space<vmem>>[vector<16xi32>, vector<16xi32>], vector<16xf32>,
        tpu.vector_store_idx %arg11[%and3A_953, %add3A_23], %gather3A_967 : memref<64x256xf32, #tpu.memory_space<vmem>>[vector<16xi32>, vector<16xi32>], vector<16xf32>,
        %add3A_968 = arith.addi %and3A_953, %shift_left3A_744 : vector<16xi32>
        %gather3A_969 = tpu.vector_load_idx %arg9[%add3A_26, %add3A_968] : memref<256x128xf32, #tpu.memory_space<vmem>>[vector<16xi32>, vector<16xi32>], vector<16xf32>,
        tpu.vector_store_idx %arg11[%and3A_953, %add3A_26], %gather3A_969 : memref<64x256xf32, #tpu.memory_space<vmem>>[vector<16xi32>, vector<16xi32>], vector<16xf32>,
        %add3A_970 = arith.addi %and3A_953, %shift_left3A_756 : vector<16xi32>
        %gather3A_971 = tpu.vector_load_idx %arg9[%add3A_29, %add3A_970] : memref<256x128xf32, #tpu.memory_space<vmem>>[vector<16xi32>, vector<16xi32>], vector<16xf32>,
        tpu.vector_store_idx %arg11[%and3A_953, %add3A_29], %gather3A_971 : memref<64x256xf32, #tpu.memory_space<vmem>>[vector<16xi32>, vector<16xi32>], vector<16xf32>,
        %add3A_972 = arith.addi %and3A_953, %shift_left3A_768 : vector<16xi32>
        %gather3A_973 = tpu.vector_load_idx %arg9[%add3A_32, %add3A_972] : memref<256x128xf32, #tpu.memory_space<vmem>>[vector<16xi32>, vector<16xi32>], vector<16xf32>,
        tpu.vector_store_idx %arg11[%and3A_953, %add3A_32], %gather3A_973 : memref<64x256xf32, #tpu.memory_space<vmem>>[vector<16xi32>, vector<16xi32>], vector<16xf32>,
        %add3A_974 = arith.addi %and3A_953, %shift_left3A_780 : vector<16xi32>
        %gather3A_975 = tpu.vector_load_idx %arg9[%add3A_35, %add3A_974] : memref<256x128xf32, #tpu.memory_space<vmem>>[vector<16xi32>, vector<16xi32>], vector<16xf32>,
        tpu.vector_store_idx %arg11[%and3A_953, %add3A_35], %gather3A_975 : memref<64x256xf32, #tpu.memory_space<vmem>>[vector<16xi32>, vector<16xi32>], vector<16xf32>,
        %add3A_976 = arith.addi %and3A_953, %shift_left3A_792 : vector<16xi32>
        %gather3A_977 = tpu.vector_load_idx %arg9[%add3A_38, %add3A_976] : memref<256x128xf32, #tpu.memory_space<vmem>>[vector<16xi32>, vector<16xi32>], vector<16xf32>,
        tpu.vector_store_idx %arg11[%and3A_953, %add3A_38], %gather3A_977 : memref<64x256xf32, #tpu.memory_space<vmem>>[vector<16xi32>, vector<16xi32>], vector<16xf32>,
        %add3A_978 = arith.addi %and3A_953, %shift_left3A_804 : vector<16xi32>
        %gather3A_979 = tpu.vector_load_idx %arg9[%add3A_41, %add3A_978] : memref<256x128xf32, #tpu.memory_space<vmem>>[vector<16xi32>, vector<16xi32>], vector<16xf32>,
        tpu.vector_store_idx %arg11[%and3A_953, %add3A_41], %gather3A_979 : memref<64x256xf32, #tpu.memory_space<vmem>>[vector<16xi32>, vector<16xi32>], vector<16xf32>,
        %add3A_980 = arith.addi %and3A_953, %shift_left3A_816 : vector<16xi32>
        %gather3A_981 = tpu.vector_load_idx %arg9[%add3A_44, %add3A_980] : memref<256x128xf32, #tpu.memory_space<vmem>>[vector<16xi32>, vector<16xi32>], vector<16xf32>,
        tpu.vector_store_idx %arg11[%and3A_953, %add3A_44], %gather3A_981 : memref<64x256xf32, #tpu.memory_space<vmem>>[vector<16xi32>, vector<16xi32>], vector<16xf32>,
        %add3A_982 = arith.addi %and3A_953, %shift_left3A_828 : vector<16xi32>
        %gather3A_983 = tpu.vector_load_idx %arg9[%add3A_47, %add3A_982] : memref<256x128xf32, #tpu.memory_space<vmem>>[vector<16xi32>, vector<16xi32>], vector<16xf32>,
        tpu.vector_store_idx %arg11[%and3A_953, %add3A_47], %gather3A_983 : memref<64x256xf32, #tpu.memory_space<vmem>>[vector<16xi32>, vector<16xi32>], vector<16xf32>,
        %add3A_984 = arith.addi %and3A_953, %shift_left3A_840 : vector<16xi32>
        %gather3A_985 = tpu.vector_load_idx %arg9[%add3A_50, %add3A_984] : memref<256x128xf32, #tpu.memory_space<vmem>>[vector<16xi32>, vector<16xi32>], vector<16xf32>,
        tpu.vector_store_idx %arg11[%and3A_953, %add3A_50], %gather3A_985 : memref<64x256xf32, #tpu.memory_space<vmem>>[vector<16xi32>, vector<16xi32>], vector<16xf32>,
        %mul3A_986 = arith.constant 4 : i32
        %mul3A_987 = arith.muli %scan3A_903, %mul3A_986 : i32
        %add3A_988 = arith.constant 2 : i32
        %add3A_989 = arith.addi %mul3A_987, %add3A_988 : i32
        %add3A_990 = vector.broadcast %add3A_989 : i32 to vector<16xi32>
        %add3A_991 = arith.addi %iota3A, %add3A_990 : vector<16xi32>
        %and3A_992 = arith.constant 63 : i32
        %and3A_993 = vector.broadcast %and3A_992 : i32 to vector<16xi32>
        %and3A_994 = arith.andi %add3A_991, %and3A_993 : vector<16xi32>
        %add3A_995 = arith.addi %and3A_994, %shift_left3A_660 : vector<16xi32>
        %gather3A_996 = tpu.vector_load_idx %arg9[%add3A_5, %add3A_995] : memref<256x128xf32, #tpu.memory_space<vmem>>[vector<16xi32>, vector<16xi32>], vector<16xf32>,
        tpu.vector_store_idx %arg11[%and3A_994, %add3A_5], %gather3A_996 : memref<64x256xf32, #tpu.memory_space<vmem>>[vector<16xi32>, vector<16xi32>], vector<16xf32>,
        %add3A_997 = arith.addi %and3A_994, %shift_left3A_672 : vector<16xi32>
        %gather3A_998 = tpu.vector_load_idx %arg9[%add3A_8, %add3A_997] : memref<256x128xf32, #tpu.memory_space<vmem>>[vector<16xi32>, vector<16xi32>], vector<16xf32>,
        tpu.vector_store_idx %arg11[%and3A_994, %add3A_8], %gather3A_998 : memref<64x256xf32, #tpu.memory_space<vmem>>[vector<16xi32>, vector<16xi32>], vector<16xf32>,
        %add3A_999 = arith.addi %and3A_994, %shift_left3A_684 : vector<16xi32>
        %gather3A_1000 = tpu.vector_load_idx %arg9[%add3A_11, %add3A_999] : memref<256x128xf32, #tpu.memory_space<vmem>>[vector<16xi32>, vector<16xi32>], vector<16xf32>,
        tpu.vector_store_idx %arg11[%and3A_994, %add3A_11], %gather3A_1000 : memref<64x256xf32, #tpu.memory_space<vmem>>[vector<16xi32>, vector<16xi32>], vector<16xf32>,
        %add3A_1001 = arith.addi %and3A_994, %shift_left3A_696 : vector<16xi32>
        %gather3A_1002 = tpu.vector_load_idx %arg9[%add3A_14, %add3A_1001] : memref<256x128xf32, #tpu.memory_space<vmem>>[vector<16xi32>, vector<16xi32>], vector<16xf32>,
        tpu.vector_store_idx %arg11[%and3A_994, %add3A_14], %gather3A_1002 : memref<64x256xf32, #tpu.memory_space<vmem>>[vector<16xi32>, vector<16xi32>], vector<16xf32>,
        %add3A_1003 = arith.addi %and3A_994, %shift_left3A_708 : vector<16xi32>
        %gather3A_1004 = tpu.vector_load_idx %arg9[%add3A_17, %add3A_1003] : memref<256x128xf32, #tpu.memory_space<vmem>>[vector<16xi32>, vector<16xi32>], vector<16xf32>,
        tpu.vector_store_idx %arg11[%and3A_994, %add3A_17], %gather3A_1004 : memref<64x256xf32, #tpu.memory_space<vmem>>[vector<16xi32>, vector<16xi32>], vector<16xf32>,
        %add3A_1005 = arith.addi %and3A_994, %shift_left3A_720 : vector<16xi32>
        %gather3A_1006 = tpu.vector_load_idx %arg9[%add3A_20, %add3A_1005] : memref<256x128xf32, #tpu.memory_space<vmem>>[vector<16xi32>, vector<16xi32>], vector<16xf32>,
        tpu.vector_store_idx %arg11[%and3A_994, %add3A_20], %gather3A_1006 : memref<64x256xf32, #tpu.memory_space<vmem>>[vector<16xi32>, vector<16xi32>], vector<16xf32>,
        %add3A_1007 = arith.addi %and3A_994, %shift_left3A_732 : vector<16xi32>
        %gather3A_1008 = tpu.vector_load_idx %arg9[%add3A_23, %add3A_1007] : memref<256x128xf32, #tpu.memory_space<vmem>>[vector<16xi32>, vector<16xi32>], vector<16xf32>,
        tpu.vector_store_idx %arg11[%and3A_994, %add3A_23], %gather3A_1008 : memref<64x256xf32, #tpu.memory_space<vmem>>[vector<16xi32>, vector<16xi32>], vector<16xf32>,
        %add3A_1009 = arith.addi %and3A_994, %shift_left3A_744 : vector<16xi32>
        %gather3A_1010 = tpu.vector_load_idx %arg9[%add3A_26, %add3A_1009] : memref<256x128xf32, #tpu.memory_space<vmem>>[vector<16xi32>, vector<16xi32>], vector<16xf32>,
        tpu.vector_store_idx %arg11[%and3A_994, %add3A_26], %gather3A_1010 : memref<64x256xf32, #tpu.memory_space<vmem>>[vector<16xi32>, vector<16xi32>], vector<16xf32>,
        %add3A_1011 = arith.addi %and3A_994, %shift_left3A_756 : vector<16xi32>
        %gather3A_1012 = tpu.vector_load_idx %arg9[%add3A_29, %add3A_1011] : memref<256x128xf32, #tpu.memory_space<vmem>>[vector<16xi32>, vector<16xi32>], vector<16xf32>,
        tpu.vector_store_idx %arg11[%and3A_994, %add3A_29], %gather3A_1012 : memref<64x256xf32, #tpu.memory_space<vmem>>[vector<16xi32>, vector<16xi32>], vector<16xf32>,
        %add3A_1013 = arith.addi %and3A_994, %shift_left3A_768 : vector<16xi32>
        %gather3A_1014 = tpu.vector_load_idx %arg9[%add3A_32, %add3A_1013] : memref<256x128xf32, #tpu.memory_space<vmem>>[vector<16xi32>, vector<16xi32>], vector<16xf32>,
        tpu.vector_store_idx %arg11[%and3A_994, %add3A_32], %gather3A_1014 : memref<64x256xf32, #tpu.memory_space<vmem>>[vector<16xi32>, vector<16xi32>], vector<16xf32>,
        %add3A_1015 = arith.addi %and3A_994, %shift_left3A_780 : vector<16xi32>
        %gather3A_1016 = tpu.vector_load_idx %arg9[%add3A_35, %add3A_1015] : memref<256x128xf32, #tpu.memory_space<vmem>>[vector<16xi32>, vector<16xi32>], vector<16xf32>,
        tpu.vector_store_idx %arg11[%and3A_994, %add3A_35], %gather3A_1016 : memref<64x256xf32, #tpu.memory_space<vmem>>[vector<16xi32>, vector<16xi32>], vector<16xf32>,
        %add3A_1017 = arith.addi %and3A_994, %shift_left3A_792 : vector<16xi32>
        %gather3A_1018 = tpu.vector_load_idx %arg9[%add3A_38, %add3A_1017] : memref<256x128xf32, #tpu.memory_space<vmem>>[vector<16xi32>, vector<16xi32>], vector<16xf32>,
        tpu.vector_store_idx %arg11[%and3A_994, %add3A_38], %gather3A_1018 : memref<64x256xf32, #tpu.memory_space<vmem>>[vector<16xi32>, vector<16xi32>], vector<16xf32>,
        %add3A_1019 = arith.addi %and3A_994, %shift_left3A_804 : vector<16xi32>
        %gather3A_1020 = tpu.vector_load_idx %arg9[%add3A_41, %add3A_1019] : memref<256x128xf32, #tpu.memory_space<vmem>>[vector<16xi32>, vector<16xi32>], vector<16xf32>,
        tpu.vector_store_idx %arg11[%and3A_994, %add3A_41], %gather3A_1020 : memref<64x256xf32, #tpu.memory_space<vmem>>[vector<16xi32>, vector<16xi32>], vector<16xf32>,
        %add3A_1021 = arith.addi %and3A_994, %shift_left3A_816 : vector<16xi32>
        %gather3A_1022 = tpu.vector_load_idx %arg9[%add3A_44, %add3A_1021] : memref<256x128xf32, #tpu.memory_space<vmem>>[vector<16xi32>, vector<16xi32>], vector<16xf32>,
        tpu.vector_store_idx %arg11[%and3A_994, %add3A_44], %gather3A_1022 : memref<64x256xf32, #tpu.memory_space<vmem>>[vector<16xi32>, vector<16xi32>], vector<16xf32>,
        %add3A_1023 = arith.addi %and3A_994, %shift_left3A_828 : vector<16xi32>
        %gather3A_1024 = tpu.vector_load_idx %arg9[%add3A_47, %add3A_1023] : memref<256x128xf32, #tpu.memory_space<vmem>>[vector<16xi32>, vector<16xi32>], vector<16xf32>,
        tpu.vector_store_idx %arg11[%and3A_994, %add3A_47], %gather3A_1024 : memref<64x256xf32, #tpu.memory_space<vmem>>[vector<16xi32>, vector<16xi32>], vector<16xf32>,
        %add3A_1025 = arith.addi %and3A_994, %shift_left3A_840 : vector<16xi32>
        %gather3A_1026 = tpu.vector_load_idx %arg9[%add3A_50, %add3A_1025] : memref<256x128xf32, #tpu.memory_space<vmem>>[vector<16xi32>, vector<16xi32>], vector<16xf32>,
        tpu.vector_store_idx %arg11[%and3A_994, %add3A_50], %gather3A_1026 : memref<64x256xf32, #tpu.memory_space<vmem>>[vector<16xi32>, vector<16xi32>], vector<16xf32>,
        %mul3A_1027 = arith.constant 4 : i32
        %mul3A_1028 = arith.muli %scan3A_903, %mul3A_1027 : i32
        %add3A_1029 = arith.constant 3 : i32
        %add3A_1030 = arith.addi %mul3A_1028, %add3A_1029 : i32
        %add3A_1031 = vector.broadcast %add3A_1030 : i32 to vector<16xi32>
        %add3A_1032 = arith.addi %iota3A, %add3A_1031 : vector<16xi32>
        %and3A_1033 = arith.constant 63 : i32
        %and3A_1034 = vector.broadcast %and3A_1033 : i32 to vector<16xi32>
        %and3A_1035 = arith.andi %add3A_1032, %and3A_1034 : vector<16xi32>
        %add3A_1036 = arith.addi %and3A_1035, %shift_left3A_660 : vector<16xi32>
        %gather3A_1037 = tpu.vector_load_idx %arg9[%add3A_5, %add3A_1036] : memref<256x128xf32, #tpu.memory_space<vmem>>[vector<16xi32>, vector<16xi32>], vector<16xf32>,
        tpu.vector_store_idx %arg11[%and3A_1035, %add3A_5], %gather3A_1037 : memref<64x256xf32, #tpu.memory_space<vmem>>[vector<16xi32>, vector<16xi32>], vector<16xf32>,
        %add3A_1038 = arith.addi %and3A_1035, %shift_left3A_672 : vector<16xi32>
        %gather3A_1039 = tpu.vector_load_idx %arg9[%add3A_8, %add3A_1038] : memref<256x128xf32, #tpu.memory_space<vmem>>[vector<16xi32>, vector<16xi32>], vector<16xf32>,
        tpu.vector_store_idx %arg11[%and3A_1035, %add3A_8], %gather3A_1039 : memref<64x256xf32, #tpu.memory_space<vmem>>[vector<16xi32>, vector<16xi32>], vector<16xf32>,
        %add3A_1040 = arith.addi %and3A_1035, %shift_left3A_684 : vector<16xi32>
        %gather3A_1041 = tpu.vector_load_idx %arg9[%add3A_11, %add3A_1040] : memref<256x128xf32, #tpu.memory_space<vmem>>[vector<16xi32>, vector<16xi32>], vector<16xf32>,
        tpu.vector_store_idx %arg11[%and3A_1035, %add3A_11], %gather3A_1041 : memref<64x256xf32, #tpu.memory_space<vmem>>[vector<16xi32>, vector<16xi32>], vector<16xf32>,
        %add3A_1042 = arith.addi %and3A_1035, %shift_left3A_696 : vector<16xi32>
        %gather3A_1043 = tpu.vector_load_idx %arg9[%add3A_14, %add3A_1042] : memref<256x128xf32, #tpu.memory_space<vmem>>[vector<16xi32>, vector<16xi32>], vector<16xf32>,
        tpu.vector_store_idx %arg11[%and3A_1035, %add3A_14], %gather3A_1043 : memref<64x256xf32, #tpu.memory_space<vmem>>[vector<16xi32>, vector<16xi32>], vector<16xf32>,
        %add3A_1044 = arith.addi %and3A_1035, %shift_left3A_708 : vector<16xi32>
        %gather3A_1045 = tpu.vector_load_idx %arg9[%add3A_17, %add3A_1044] : memref<256x128xf32, #tpu.memory_space<vmem>>[vector<16xi32>, vector<16xi32>], vector<16xf32>,
        tpu.vector_store_idx %arg11[%and3A_1035, %add3A_17], %gather3A_1045 : memref<64x256xf32, #tpu.memory_space<vmem>>[vector<16xi32>, vector<16xi32>], vector<16xf32>,
        %add3A_1046 = arith.addi %and3A_1035, %shift_left3A_720 : vector<16xi32>
        %gather3A_1047 = tpu.vector_load_idx %arg9[%add3A_20, %add3A_1046] : memref<256x128xf32, #tpu.memory_space<vmem>>[vector<16xi32>, vector<16xi32>], vector<16xf32>,
        tpu.vector_store_idx %arg11[%and3A_1035, %add3A_20], %gather3A_1047 : memref<64x256xf32, #tpu.memory_space<vmem>>[vector<16xi32>, vector<16xi32>], vector<16xf32>,
        %add3A_1048 = arith.addi %and3A_1035, %shift_left3A_732 : vector<16xi32>
        %gather3A_1049 = tpu.vector_load_idx %arg9[%add3A_23, %add3A_1048] : memref<256x128xf32, #tpu.memory_space<vmem>>[vector<16xi32>, vector<16xi32>], vector<16xf32>,
        tpu.vector_store_idx %arg11[%and3A_1035, %add3A_23], %gather3A_1049 : memref<64x256xf32, #tpu.memory_space<vmem>>[vector<16xi32>, vector<16xi32>], vector<16xf32>,
        %add3A_1050 = arith.addi %and3A_1035, %shift_left3A_744 : vector<16xi32>
        %gather3A_1051 = tpu.vector_load_idx %arg9[%add3A_26, %add3A_1050] : memref<256x128xf32, #tpu.memory_space<vmem>>[vector<16xi32>, vector<16xi32>], vector<16xf32>,
        tpu.vector_store_idx %arg11[%and3A_1035, %add3A_26], %gather3A_1051 : memref<64x256xf32, #tpu.memory_space<vmem>>[vector<16xi32>, vector<16xi32>], vector<16xf32>,
        %add3A_1052 = arith.addi %and3A_1035, %shift_left3A_756 : vector<16xi32>
        %gather3A_1053 = tpu.vector_load_idx %arg9[%add3A_29, %add3A_1052] : memref<256x128xf32, #tpu.memory_space<vmem>>[vector<16xi32>, vector<16xi32>], vector<16xf32>,
        tpu.vector_store_idx %arg11[%and3A_1035, %add3A_29], %gather3A_1053 : memref<64x256xf32, #tpu.memory_space<vmem>>[vector<16xi32>, vector<16xi32>], vector<16xf32>,
        %add3A_1054 = arith.addi %and3A_1035, %shift_left3A_768 : vector<16xi32>
        %gather3A_1055 = tpu.vector_load_idx %arg9[%add3A_32, %add3A_1054] : memref<256x128xf32, #tpu.memory_space<vmem>>[vector<16xi32>, vector<16xi32>], vector<16xf32>,
        tpu.vector_store_idx %arg11[%and3A_1035, %add3A_32], %gather3A_1055 : memref<64x256xf32, #tpu.memory_space<vmem>>[vector<16xi32>, vector<16xi32>], vector<16xf32>,
        %add3A_1056 = arith.addi %and3A_1035, %shift_left3A_780 : vector<16xi32>
        %gather3A_1057 = tpu.vector_load_idx %arg9[%add3A_35, %add3A_1056] : memref<256x128xf32, #tpu.memory_space<vmem>>[vector<16xi32>, vector<16xi32>], vector<16xf32>,
        tpu.vector_store_idx %arg11[%and3A_1035, %add3A_35], %gather3A_1057 : memref<64x256xf32, #tpu.memory_space<vmem>>[vector<16xi32>, vector<16xi32>], vector<16xf32>,
        %add3A_1058 = arith.addi %and3A_1035, %shift_left3A_792 : vector<16xi32>
        %gather3A_1059 = tpu.vector_load_idx %arg9[%add3A_38, %add3A_1058] : memref<256x128xf32, #tpu.memory_space<vmem>>[vector<16xi32>, vector<16xi32>], vector<16xf32>,
        tpu.vector_store_idx %arg11[%and3A_1035, %add3A_38], %gather3A_1059 : memref<64x256xf32, #tpu.memory_space<vmem>>[vector<16xi32>, vector<16xi32>], vector<16xf32>,
        %add3A_1060 = arith.addi %and3A_1035, %shift_left3A_804 : vector<16xi32>
        %gather3A_1061 = tpu.vector_load_idx %arg9[%add3A_41, %add3A_1060] : memref<256x128xf32, #tpu.memory_space<vmem>>[vector<16xi32>, vector<16xi32>], vector<16xf32>,
        tpu.vector_store_idx %arg11[%and3A_1035, %add3A_41], %gather3A_1061 : memref<64x256xf32, #tpu.memory_space<vmem>>[vector<16xi32>, vector<16xi32>], vector<16xf32>,
        %add3A_1062 = arith.addi %and3A_1035, %shift_left3A_816 : vector<16xi32>
        %gather3A_1063 = tpu.vector_load_idx %arg9[%add3A_44, %add3A_1062] : memref<256x128xf32, #tpu.memory_space<vmem>>[vector<16xi32>, vector<16xi32>], vector<16xf32>,
        tpu.vector_store_idx %arg11[%and3A_1035, %add3A_44], %gather3A_1063 : memref<64x256xf32, #tpu.memory_space<vmem>>[vector<16xi32>, vector<16xi32>], vector<16xf32>,
        %add3A_1064 = arith.addi %and3A_1035, %shift_left3A_828 : vector<16xi32>
        %gather3A_1065 = tpu.vector_load_idx %arg9[%add3A_47, %add3A_1064] : memref<256x128xf32, #tpu.memory_space<vmem>>[vector<16xi32>, vector<16xi32>], vector<16xf32>,
        tpu.vector_store_idx %arg11[%and3A_1035, %add3A_47], %gather3A_1065 : memref<64x256xf32, #tpu.memory_space<vmem>>[vector<16xi32>, vector<16xi32>], vector<16xf32>,
        %add3A_1066 = arith.addi %and3A_1035, %shift_left3A_840 : vector<16xi32>
        %gather3A_1067 = tpu.vector_load_idx %arg9[%add3A_50, %add3A_1066] : memref<256x128xf32, #tpu.memory_space<vmem>>[vector<16xi32>, vector<16xi32>], vector<16xf32>,
        tpu.vector_store_idx %arg11[%and3A_1035, %add3A_50], %gather3A_1067 : memref<64x256xf32, #tpu.memory_space<vmem>>[vector<16xi32>, vector<16xi32>], vector<16xf32>,
        %scan3A_1068 = arith.constant 0 : i32
        scf.yield %scan3A_1068 : i32
      }
      %scan3A_847 = arith.constant 16 : i32
      %add3A_848 = arith.addi %mul3A_2, %add3A_640 : i32
      %jit3A_849 = arith.constant 64 : i32
      %div3A_850 = arith.divsi %add3A_848, %jit3A_849 : i32
      %sign3A_851 = arith.constant 0 : i32
      %sign3A_852 = arith.cmpi sgt, %add3A_848, %sign3A_851 : i32
      %sign3A_853 = arith.extui %sign3A_852 : i1 to i32
      %sign3A_854 = arith.constant 0 : i32
      %sign3A_855 = arith.cmpi slt, %add3A_848, %sign3A_854 : i32
      %sign3A_856 = arith.extui %sign3A_855 : i1 to i32
      %sign3A_857 = arith.subi %sign3A_853, %sign3A_856 : i32
      %sign3A_858 = arith.constant 0 : i32
      %sign3A_859 = arith.cmpi sgt, %jit3A_849, %sign3A_858 : i32
      %sign3A_860 = arith.extui %sign3A_859 : i1 to i32
      %sign3A_861 = arith.constant 0 : i32
      %sign3A_862 = arith.cmpi slt, %jit3A_849, %sign3A_861 : i32
      %sign3A_863 = arith.extui %sign3A_862 : i1 to i32
      %sign3A_864 = arith.subi %sign3A_860, %sign3A_863 : i32
      %ne3A_865 = arith.cmpi ne, %sign3A_857, %sign3A_864 : i32
      %rem3A_866 = arith.remsi %add3A_848, %jit3A_849 : i32
      %ne3A_867 = arith.constant 0 : i32
      %ne3A_868 = arith.cmpi ne, %rem3A_866, %ne3A_867 : i32
      %and3A_869 = arith.andi %ne3A_865, %ne3A_868 : i1
      %sub3A_870 = arith.constant 1 : i32
      %sub3A_871 = arith.subi %div3A_850, %sub3A_870 : i32
      %select_n3A_872 = arith.select %and3A_869, %sub3A_871, %div3A_850 : i32
      %jit3A_873 = arith.constant 64 : i32
      %eq3A_874 = arith.constant 0 : i32
      %eq3A_875 = arith.cmpi eq, %jit3A_873, %eq3A_874 : i32
      %jit3A_876 = arith.constant 1 : i32
      %select_n3A_877 = arith.select %eq3A_875, %jit3A_876, %jit3A_873 : i32
      %rem3A_878 = arith.remsi %add3A_848, %select_n3A_877 : i32
      %ne3A_879 = arith.constant 0 : i32
      %ne3A_880 = arith.cmpi ne, %rem3A_878, %ne3A_879 : i32
      %lt3A_881 = arith.constant 0 : i32
      %lt3A_882 = arith.cmpi slt, %rem3A_878, %lt3A_881 : i32
      %lt3A_883 = arith.constant 0 : i32
      %lt3A_884 = arith.cmpi slt, %select_n3A_877, %lt3A_883 : i32
      %ne3A_885 = arith.xori %lt3A_882, %lt3A_884 : i1
      %and3A_886 = arith.andi %ne3A_885, %ne3A_880 : i1
      %add3A_887 = arith.addi %rem3A_878, %select_n3A_877 : i32
      %select_n3A_888 = arith.select %and3A_886, %add3A_887, %rem3A_878 : i32
      %mul3A_889 = arith.constant 256 : i32
      %mul3A_890 = arith.muli %select_n3A_888, %mul3A_889 : i32
      %dma_start3A_891 = arith.constant 0 : i32
      %dma_start3A_892 = tpu.memref_slice %arg4[%select_n3A_872, %dma_start3A_891, %mul3A_890] : memref<50x64x16384xf32, #tpu.memory_space<hbm>> -> memref<1x64x256xf32, #tpu.memory_space<hbm>>
      %dma_start3A_893 = tpu.memref_squeeze %dma_start3A_892 : memref<1x64x256xf32, #tpu.memory_space<hbm>> -> memref<64x256xf32, #tpu.memory_space<hbm>>
      %dma_start3A_894 = arith.constant 0 : i32
      %dma_start3A_895 = tpu.memref_slice %arg4[%select_n3A_872, %dma_start3A_894, %mul3A_890] : memref<50x64x16384xf32, #tpu.memory_space<hbm>> -> memref<1x64x256xf32, #tpu.memory_space<hbm>>
      %dma_start3A_896 = tpu.memref_squeeze %dma_start3A_895 : memref<1x64x256xf32, #tpu.memory_space<hbm>> -> memref<64x256xf32, #tpu.memory_space<hbm>>
      tpu.enqueue_dma source(%arg11 : memref<64x256xf32, #tpu.memory_space<vmem>>) target(%dma_start3A_896 : memref<64x256xf32, #tpu.memory_space<hbm>>) target_semaphore(%arg15 : memref<!tpu.dma_semaphore, #tpu.memory_space<semaphore_mem>>)
      %lt3A_897 = arith.constant 49 : i32
      %lt3A_898 = arith.cmpi slt, %scan3A_374, %lt3A_897 : i32
      %convert_element_type3A_899 = arith.extui %lt3A_898 : i1 to i32
      %cond3A_900 = arith.constant 0 : i32
      %cond3A_901 = arith.cmpi ne, %convert_element_type3A_899, %cond3A_900 : i32
      scf.if %cond3A_901 {
        %add3A_903 = arith.constant 2 : i32
        %add3A_904 = arith.addi %add3A_640, %add3A_903 : i32
        %mul3A_905 = arith.constant 256 : i32
        %mul3A_906 = arith.muli %add3A_904, %mul3A_905 : i32
        %add3A_907 = arith.constant 0 : i32
        %add3A_908 = arith.addi %mul3A_906, %add3A_907 : i32
        %get3A_909 = arith.index_cast %add3A_908 : i32 to index
        %get3A_910 = tpu.vector_load %arg5[%get3A_909] {strides = array<i32>} : memref<25600xi32, #tpu.memory_space<vmem>>, vector<16xi32>,
        %shift_right_arithmetic3A_911 = arith.constant 1 : i32
        %shift_right_arithmetic3A_912 = vector.broadcast %shift_right_arithmetic3A_911 : i32 to vector<16xi32>
        %shift_right_arithmetic3A_913 = arith.shrsi %get3A_910, %shift_right_arithmetic3A_912 : vector<16xi32>
        %swap3A_914 = arith.constant 0 : index
        %swap3A_915 = tpu.vector_load %arg7[%swap3A_914] {strides = array<i32>} : memref<256xi32, #tpu.memory_space<vmem>>, vector<16xi32>,
        tpu.vector_store %arg7[%swap3A_914], %shift_right_arithmetic3A_913 {strides = array<i32>} : memref<256xi32, #tpu.memory_space<vmem>>, vector<16xi32>,
        %mul3A_916 = arith.constant 256 : i32
        %mul3A_917 = arith.muli %add3A_904, %mul3A_916 : i32
        %add3A_918 = arith.constant 16 : i32
        %add3A_919 = arith.addi %mul3A_917, %add3A_918 : i32
        %get3A_920 = arith.index_cast %add3A_919 : i32 to index
        %get3A_921 = tpu.vector_load %arg5[%get3A_920] {strides = array<i32>} : memref<25600xi32, #tpu.memory_space<vmem>>, vector<16xi32>,
        %shift_right_arithmetic3A_922 = arith.constant 1 : i32
        %shift_right_arithmetic3A_923 = vector.broadcast %shift_right_arithmetic3A_922 : i32 to vector<16xi32>
        %shift_right_arithmetic3A_924 = arith.shrsi %get3A_921, %shift_right_arithmetic3A_923 : vector<16xi32>
        %swap3A_925 = arith.constant 16 : index
        %swap3A_926 = tpu.vector_load %arg7[%swap3A_925] {strides = array<i32>} : memref<256xi32, #tpu.memory_space<vmem>>, vector<16xi32>,
        tpu.vector_store %arg7[%swap3A_925], %shift_right_arithmetic3A_924 {strides = array<i32>} : memref<256xi32, #tpu.memory_space<vmem>>, vector<16xi32>,
        %mul3A_927 = arith.constant 256 : i32
        %mul3A_928 = arith.muli %add3A_904, %mul3A_927 : i32
        %add3A_929 = arith.constant 32 : i32
        %add3A_930 = arith.addi %mul3A_928, %add3A_929 : i32
        %get3A_931 = arith.index_cast %add3A_930 : i32 to index
        %get3A_932 = tpu.vector_load %arg5[%get3A_931] {strides = array<i32>} : memref<25600xi32, #tpu.memory_space<vmem>>, vector<16xi32>,
        %shift_right_arithmetic3A_933 = arith.constant 1 : i32
        %shift_right_arithmetic3A_934 = vector.broadcast %shift_right_arithmetic3A_933 : i32 to vector<16xi32>
        %shift_right_arithmetic3A_935 = arith.shrsi %get3A_932, %shift_right_arithmetic3A_934 : vector<16xi32>
        %swap3A_936 = arith.constant 32 : index
        %swap3A_937 = tpu.vector_load %arg7[%swap3A_936] {strides = array<i32>} : memref<256xi32, #tpu.memory_space<vmem>>, vector<16xi32>,
        tpu.vector_store %arg7[%swap3A_936], %shift_right_arithmetic3A_935 {strides = array<i32>} : memref<256xi32, #tpu.memory_space<vmem>>, vector<16xi32>,
        %mul3A_938 = arith.constant 256 : i32
        %mul3A_939 = arith.muli %add3A_904, %mul3A_938 : i32
        %add3A_940 = arith.constant 48 : i32
        %add3A_941 = arith.addi %mul3A_939, %add3A_940 : i32
        %get3A_942 = arith.index_cast %add3A_941 : i32 to index
        %get3A_943 = tpu.vector_load %arg5[%get3A_942] {strides = array<i32>} : memref<25600xi32, #tpu.memory_space<vmem>>, vector<16xi32>,
        %shift_right_arithmetic3A_944 = arith.constant 1 : i32
        %shift_right_arithmetic3A_945 = vector.broadcast %shift_right_arithmetic3A_944 : i32 to vector<16xi32>
        %shift_right_arithmetic3A_946 = arith.shrsi %get3A_943, %shift_right_arithmetic3A_945 : vector<16xi32>
        %swap3A_947 = arith.constant 48 : index
        %swap3A_948 = tpu.vector_load %arg7[%swap3A_947] {strides = array<i32>} : memref<256xi32, #tpu.memory_space<vmem>>, vector<16xi32>,
        tpu.vector_store %arg7[%swap3A_947], %shift_right_arithmetic3A_946 {strides = array<i32>} : memref<256xi32, #tpu.memory_space<vmem>>, vector<16xi32>,
        %mul3A_949 = arith.constant 256 : i32
        %mul3A_950 = arith.muli %add3A_904, %mul3A_949 : i32
        %add3A_951 = arith.constant 64 : i32
        %add3A_952 = arith.addi %mul3A_950, %add3A_951 : i32
        %get3A_953 = arith.index_cast %add3A_952 : i32 to index
        %get3A_954 = tpu.vector_load %arg5[%get3A_953] {strides = array<i32>} : memref<25600xi32, #tpu.memory_space<vmem>>, vector<16xi32>,
        %shift_right_arithmetic3A_955 = arith.constant 1 : i32
        %shift_right_arithmetic3A_956 = vector.broadcast %shift_right_arithmetic3A_955 : i32 to vector<16xi32>
        %shift_right_arithmetic3A_957 = arith.shrsi %get3A_954, %shift_right_arithmetic3A_956 : vector<16xi32>
        %swap3A_958 = arith.constant 64 : index
        %swap3A_959 = tpu.vector_load %arg7[%swap3A_958] {strides = array<i32>} : memref<256xi32, #tpu.memory_space<vmem>>, vector<16xi32>,
        tpu.vector_store %arg7[%swap3A_958], %shift_right_arithmetic3A_957 {strides = array<i32>} : memref<256xi32, #tpu.memory_space<vmem>>, vector<16xi32>,
        %mul3A_960 = arith.constant 256 : i32
        %mul3A_961 = arith.muli %add3A_904, %mul3A_960 : i32
        %add3A_962 = arith.constant 80 : i32
        %add3A_963 = arith.addi %mul3A_961, %add3A_962 : i32
        %get3A_964 = arith.index_cast %add3A_963 : i32 to index
        %get3A_965 = tpu.vector_load %arg5[%get3A_964] {strides = array<i32>} : memref<25600xi32, #tpu.memory_space<vmem>>, vector<16xi32>,
        %shift_right_arithmetic3A_966 = arith.constant 1 : i32
        %shift_right_arithmetic3A_967 = vector.broadcast %shift_right_arithmetic3A_966 : i32 to vector<16xi32>
        %shift_right_arithmetic3A_968 = arith.shrsi %get3A_965, %shift_right_arithmetic3A_967 : vector<16xi32>
        %swap3A_969 = arith.constant 80 : index
        %swap3A_970 = tpu.vector_load %arg7[%swap3A_969] {strides = array<i32>} : memref<256xi32, #tpu.memory_space<vmem>>, vector<16xi32>,
        tpu.vector_store %arg7[%swap3A_969], %shift_right_arithmetic3A_968 {strides = array<i32>} : memref<256xi32, #tpu.memory_space<vmem>>, vector<16xi32>,
        %mul3A_971 = arith.constant 256 : i32
        %mul3A_972 = arith.muli %add3A_904, %mul3A_971 : i32
        %add3A_973 = arith.constant 96 : i32
        %add3A_974 = arith.addi %mul3A_972, %add3A_973 : i32
        %get3A_975 = arith.index_cast %add3A_974 : i32 to index
        %get3A_976 = tpu.vector_load %arg5[%get3A_975] {strides = array<i32>} : memref<25600xi32, #tpu.memory_space<vmem>>, vector<16xi32>,
        %shift_right_arithmetic3A_977 = arith.constant 1 : i32
        %shift_right_arithmetic3A_978 = vector.broadcast %shift_right_arithmetic3A_977 : i32 to vector<16xi32>
        %shift_right_arithmetic3A_979 = arith.shrsi %get3A_976, %shift_right_arithmetic3A_978 : vector<16xi32>
        %swap3A_980 = arith.constant 96 : index
        %swap3A_981 = tpu.vector_load %arg7[%swap3A_980] {strides = array<i32>} : memref<256xi32, #tpu.memory_space<vmem>>, vector<16xi32>,
        tpu.vector_store %arg7[%swap3A_980], %shift_right_arithmetic3A_979 {strides = array<i32>} : memref<256xi32, #tpu.memory_space<vmem>>, vector<16xi32>,
        %mul3A_982 = arith.constant 256 : i32
        %mul3A_983 = arith.muli %add3A_904, %mul3A_982 : i32
        %add3A_984 = arith.constant 112 : i32
        %add3A_985 = arith.addi %mul3A_983, %add3A_984 : i32
        %get3A_986 = arith.index_cast %add3A_985 : i32 to index
        %get3A_987 = tpu.vector_load %arg5[%get3A_986] {strides = array<i32>} : memref<25600xi32, #tpu.memory_space<vmem>>, vector<16xi32>,
        %shift_right_arithmetic3A_988 = arith.constant 1 : i32
        %shift_right_arithmetic3A_989 = vector.broadcast %shift_right_arithmetic3A_988 : i32 to vector<16xi32>
        %shift_right_arithmetic3A_990 = arith.shrsi %get3A_987, %shift_right_arithmetic3A_989 : vector<16xi32>
        %swap3A_991 = arith.constant 112 : index
        %swap3A_992 = tpu.vector_load %arg7[%swap3A_991] {strides = array<i32>} : memref<256xi32, #tpu.memory_space<vmem>>, vector<16xi32>,
        tpu.vector_store %arg7[%swap3A_991], %shift_right_arithmetic3A_990 {strides = array<i32>} : memref<256xi32, #tpu.memory_space<vmem>>, vector<16xi32>,
        %mul3A_993 = arith.constant 256 : i32
        %mul3A_994 = arith.muli %add3A_904, %mul3A_993 : i32
        %add3A_995 = arith.constant 128 : i32
        %add3A_996 = arith.addi %mul3A_994, %add3A_995 : i32
        %get3A_997 = arith.index_cast %add3A_996 : i32 to index
        %get3A_998 = tpu.vector_load %arg5[%get3A_997] {strides = array<i32>} : memref<25600xi32, #tpu.memory_space<vmem>>, vector<16xi32>,
        %shift_right_arithmetic3A_999 = arith.constant 1 : i32
        %shift_right_arithmetic3A_1000 = vector.broadcast %shift_right_arithmetic3A_999 : i32 to vector<16xi32>
        %shift_right_arithmetic3A_1001 = arith.shrsi %get3A_998, %shift_right_arithmetic3A_1000 : vector<16xi32>
        %swap3A_1002 = arith.constant 128 : index
        %swap3A_1003 = tpu.vector_load %arg7[%swap3A_1002] {strides = array<i32>} : memref<256xi32, #tpu.memory_space<vmem>>, vector<16xi32>,
        tpu.vector_store %arg7[%swap3A_1002], %shift_right_arithmetic3A_1001 {strides = array<i32>} : memref<256xi32, #tpu.memory_space<vmem>>, vector<16xi32>,
        %mul3A_1004 = arith.constant 256 : i32
        %mul3A_1005 = arith.muli %add3A_904, %mul3A_1004 : i32
        %add3A_1006 = arith.constant 144 : i32
        %add3A_1007 = arith.addi %mul3A_1005, %add3A_1006 : i32
        %get3A_1008 = arith.index_cast %add3A_1007 : i32 to index
        %get3A_1009 = tpu.vector_load %arg5[%get3A_1008] {strides = array<i32>} : memref<25600xi32, #tpu.memory_space<vmem>>, vector<16xi32>,
        %shift_right_arithmetic3A_1010 = arith.constant 1 : i32
        %shift_right_arithmetic3A_1011 = vector.broadcast %shift_right_arithmetic3A_1010 : i32 to vector<16xi32>
        %shift_right_arithmetic3A_1012 = arith.shrsi %get3A_1009, %shift_right_arithmetic3A_1011 : vector<16xi32>
        %swap3A_1013 = arith.constant 144 : index
        %swap3A_1014 = tpu.vector_load %arg7[%swap3A_1013] {strides = array<i32>} : memref<256xi32, #tpu.memory_space<vmem>>, vector<16xi32>,
        tpu.vector_store %arg7[%swap3A_1013], %shift_right_arithmetic3A_1012 {strides = array<i32>} : memref<256xi32, #tpu.memory_space<vmem>>, vector<16xi32>,
        %mul3A_1015 = arith.constant 256 : i32
        %mul3A_1016 = arith.muli %add3A_904, %mul3A_1015 : i32
        %add3A_1017 = arith.constant 160 : i32
        %add3A_1018 = arith.addi %mul3A_1016, %add3A_1017 : i32
        %get3A_1019 = arith.index_cast %add3A_1018 : i32 to index
        %get3A_1020 = tpu.vector_load %arg5[%get3A_1019] {strides = array<i32>} : memref<25600xi32, #tpu.memory_space<vmem>>, vector<16xi32>,
        %shift_right_arithmetic3A_1021 = arith.constant 1 : i32
        %shift_right_arithmetic3A_1022 = vector.broadcast %shift_right_arithmetic3A_1021 : i32 to vector<16xi32>
        %shift_right_arithmetic3A_1023 = arith.shrsi %get3A_1020, %shift_right_arithmetic3A_1022 : vector<16xi32>
        %swap3A_1024 = arith.constant 160 : index
        %swap3A_1025 = tpu.vector_load %arg7[%swap3A_1024] {strides = array<i32>} : memref<256xi32, #tpu.memory_space<vmem>>, vector<16xi32>,
        tpu.vector_store %arg7[%swap3A_1024], %shift_right_arithmetic3A_1023 {strides = array<i32>} : memref<256xi32, #tpu.memory_space<vmem>>, vector<16xi32>,
        %mul3A_1026 = arith.constant 256 : i32
        %mul3A_1027 = arith.muli %add3A_904, %mul3A_1026 : i32
        %add3A_1028 = arith.constant 176 : i32
        %add3A_1029 = arith.addi %mul3A_1027, %add3A_1028 : i32
        %get3A_1030 = arith.index_cast %add3A_1029 : i32 to index
        %get3A_1031 = tpu.vector_load %arg5[%get3A_1030] {strides = array<i32>} : memref<25600xi32, #tpu.memory_space<vmem>>, vector<16xi32>,
        %shift_right_arithmetic3A_1032 = arith.constant 1 : i32
        %shift_right_arithmetic3A_1033 = vector.broadcast %shift_right_arithmetic3A_1032 : i32 to vector<16xi32>
        %shift_right_arithmetic3A_1034 = arith.shrsi %get3A_1031, %shift_right_arithmetic3A_1033 : vector<16xi32>
        %swap3A_1035 = arith.constant 176 : index
        %swap3A_1036 = tpu.vector_load %arg7[%swap3A_1035] {strides = array<i32>} : memref<256xi32, #tpu.memory_space<vmem>>, vector<16xi32>,
        tpu.vector_store %arg7[%swap3A_1035], %shift_right_arithmetic3A_1034 {strides = array<i32>} : memref<256xi32, #tpu.memory_space<vmem>>, vector<16xi32>,
        %mul3A_1037 = arith.constant 256 : i32
        %mul3A_1038 = arith.muli %add3A_904, %mul3A_1037 : i32
        %add3A_1039 = arith.constant 192 : i32
        %add3A_1040 = arith.addi %mul3A_1038, %add3A_1039 : i32
        %get3A_1041 = arith.index_cast %add3A_1040 : i32 to index
        %get3A_1042 = tpu.vector_load %arg5[%get3A_1041] {strides = array<i32>} : memref<25600xi32, #tpu.memory_space<vmem>>, vector<16xi32>,
        %shift_right_arithmetic3A_1043 = arith.constant 1 : i32
        %shift_right_arithmetic3A_1044 = vector.broadcast %shift_right_arithmetic3A_1043 : i32 to vector<16xi32>
        %shift_right_arithmetic3A_1045 = arith.shrsi %get3A_1042, %shift_right_arithmetic3A_1044 : vector<16xi32>
        %swap3A_1046 = arith.constant 192 : index
        %swap3A_1047 = tpu.vector_load %arg7[%swap3A_1046] {strides = array<i32>} : memref<256xi32, #tpu.memory_space<vmem>>, vector<16xi32>,
        tpu.vector_store %arg7[%swap3A_1046], %shift_right_arithmetic3A_1045 {strides = array<i32>} : memref<256xi32, #tpu.memory_space<vmem>>, vector<16xi32>,
        %mul3A_1048 = arith.constant 256 : i32
        %mul3A_1049 = arith.muli %add3A_904, %mul3A_1048 : i32
        %add3A_1050 = arith.constant 208 : i32
        %add3A_1051 = arith.addi %mul3A_1049, %add3A_1050 : i32
        %get3A_1052 = arith.index_cast %add3A_1051 : i32 to index
        %get3A_1053 = tpu.vector_load %arg5[%get3A_1052] {strides = array<i32>} : memref<25600xi32, #tpu.memory_space<vmem>>, vector<16xi32>,
        %shift_right_arithmetic3A_1054 = arith.constant 1 : i32
        %shift_right_arithmetic3A_1055 = vector.broadcast %shift_right_arithmetic3A_1054 : i32 to vector<16xi32>
        %shift_right_arithmetic3A_1056 = arith.shrsi %get3A_1053, %shift_right_arithmetic3A_1055 : vector<16xi32>
        %swap3A_1057 = arith.constant 208 : index
        %swap3A_1058 = tpu.vector_load %arg7[%swap3A_1057] {strides = array<i32>} : memref<256xi32, #tpu.memory_space<vmem>>, vector<16xi32>,
        tpu.vector_store %arg7[%swap3A_1057], %shift_right_arithmetic3A_1056 {strides = array<i32>} : memref<256xi32, #tpu.memory_space<vmem>>, vector<16xi32>,
        %mul3A_1059 = arith.constant 256 : i32
        %mul3A_1060 = arith.muli %add3A_904, %mul3A_1059 : i32
        %add3A_1061 = arith.constant 224 : i32
        %add3A_1062 = arith.addi %mul3A_1060, %add3A_1061 : i32
        %get3A_1063 = arith.index_cast %add3A_1062 : i32 to index
        %get3A_1064 = tpu.vector_load %arg5[%get3A_1063] {strides = array<i32>} : memref<25600xi32, #tpu.memory_space<vmem>>, vector<16xi32>,
        %shift_right_arithmetic3A_1065 = arith.constant 1 : i32
        %shift_right_arithmetic3A_1066 = vector.broadcast %shift_right_arithmetic3A_1065 : i32 to vector<16xi32>
        %shift_right_arithmetic3A_1067 = arith.shrsi %get3A_1064, %shift_right_arithmetic3A_1066 : vector<16xi32>
        %swap3A_1068 = arith.constant 224 : index
        %swap3A_1069 = tpu.vector_load %arg7[%swap3A_1068] {strides = array<i32>} : memref<256xi32, #tpu.memory_space<vmem>>, vector<16xi32>,
        tpu.vector_store %arg7[%swap3A_1068], %shift_right_arithmetic3A_1067 {strides = array<i32>} : memref<256xi32, #tpu.memory_space<vmem>>, vector<16xi32>,
        %mul3A_1070 = arith.constant 256 : i32
        %mul3A_1071 = arith.muli %add3A_904, %mul3A_1070 : i32
        %add3A_1072 = arith.constant 240 : i32
        %add3A_1073 = arith.addi %mul3A_1071, %add3A_1072 : i32
        %get3A_1074 = arith.index_cast %add3A_1073 : i32 to index
        %get3A_1075 = tpu.vector_load %arg5[%get3A_1074] {strides = array<i32>} : memref<25600xi32, #tpu.memory_space<vmem>>, vector<16xi32>,
        %shift_right_arithmetic3A_1076 = arith.constant 1 : i32
        %shift_right_arithmetic3A_1077 = vector.broadcast %shift_right_arithmetic3A_1076 : i32 to vector<16xi32>
        %shift_right_arithmetic3A_1078 = arith.shrsi %get3A_1075, %shift_right_arithmetic3A_1077 : vector<16xi32>
        %swap3A_1079 = arith.constant 240 : index
        %swap3A_1080 = tpu.vector_load %arg7[%swap3A_1079] {strides = array<i32>} : memref<256xi32, #tpu.memory_space<vmem>>, vector<16xi32>,
        tpu.vector_store %arg7[%swap3A_1079], %shift_right_arithmetic3A_1078 {strides = array<i32>} : memref<256xi32, #tpu.memory_space<vmem>>, vector<16xi32>,
        %dma_start3A_1081 = arith.constant 0 : i32
        %dma_start3A_1082 = arith.constant 0 : i32
        %dma_start3A_1083 = tpu.memref_slice %arg3[%dma_start3A_1081, %dma_start3A_1082] : memref<500000x128xf32, #tpu.memory_space<hbm>> -> memref<500000x128xf32, #tpu.memory_space<hbm>>
        tpu.enqueue_indirect_dma source(%dma_start3A_1083 : memref<500000x128xf32, #tpu.memory_space<hbm>>) target(%arg9 : memref<256x128xf32, #tpu.memory_space<vmem>>) offsets(%arg7 : memref<256xi32, #tpu.memory_space<vmem>>) semaphore(%arg13 : memref<!tpu.dma_semaphore, #tpu.memory_space<semaphore_mem>>)
      } else {
      }
      %scan3A_902 = arith.constant 0 : i32
      scf.yield %scan3A_902 : i32
    }
    %scan3A_284 = arith.constant 50 : i32
    %add3A_285 = arith.constant 98 : i32
    %add3A_286 = arith.addi %mul3A_2, %add3A_285 : i32
    %jit3A = arith.constant 64 : i32
    %div3A = arith.divsi %add3A_286, %jit3A : i32
    %sign3A = arith.constant 0 : i32
    %sign3A_287 = arith.cmpi sgt, %add3A_286, %sign3A : i32
    %sign3A_288 = arith.extui %sign3A_287 : i1 to i32
    %sign3A_289 = arith.constant 0 : i32
    %sign3A_290 = arith.cmpi slt, %add3A_286, %sign3A_289 : i32
    %sign3A_291 = arith.extui %sign3A_290 : i1 to i32
    %sign3A_292 = arith.subi %sign3A_288, %sign3A_291 : i32
    %sign3A_293 = arith.constant 0 : i32
    %sign3A_294 = arith.cmpi sgt, %jit3A, %sign3A_293 : i32
    %sign3A_295 = arith.extui %sign3A_294 : i1 to i32
    %sign3A_296 = arith.constant 0 : i32
    %sign3A_297 = arith.cmpi slt, %jit3A, %sign3A_296 : i32
    %sign3A_298 = arith.extui %sign3A_297 : i1 to i32
    %sign3A_299 = arith.subi %sign3A_295, %sign3A_298 : i32
    %ne3A = arith.cmpi ne, %sign3A_292, %sign3A_299 : i32
    %rem3A = arith.remsi %add3A_286, %jit3A : i32
    %ne3A_300 = arith.constant 0 : i32
    %ne3A_301 = arith.cmpi ne, %rem3A, %ne3A_300 : i32
    %and3A = arith.andi %ne3A, %ne3A_301 : i1
    %sub3A = arith.constant 1 : i32
    %sub3A_302 = arith.subi %div3A, %sub3A : i32
    %select_n3A = arith.select %and3A, %sub3A_302, %div3A : i32
    %jit3A_303 = arith.constant 64 : i32
    %eq3A = arith.constant 0 : i32
    %eq3A_304 = arith.cmpi eq, %jit3A_303, %eq3A : i32
    %jit3A_305 = arith.constant 1 : i32
    %select_n3A_306 = arith.select %eq3A_304, %jit3A_305, %jit3A_303 : i32
    %rem3A_307 = arith.remsi %add3A_286, %select_n3A_306 : i32
    %ne3A_308 = arith.constant 0 : i32
    %ne3A_309 = arith.cmpi ne, %rem3A_307, %ne3A_308 : i32
    %lt3A = arith.constant 0 : i32
    %lt3A_310 = arith.cmpi slt, %rem3A_307, %lt3A : i32
    %lt3A_311 = arith.constant 0 : i32
    %lt3A_312 = arith.cmpi slt, %select_n3A_306, %lt3A_311 : i32
    %ne3A_313 = arith.xori %lt3A_310, %lt3A_312 : i1
    %and3A_314 = arith.andi %ne3A_313, %ne3A_309 : i1
    %add3A_315 = arith.addi %rem3A_307, %select_n3A_306 : i32
    %select_n3A_316 = arith.select %and3A_314, %add3A_315, %rem3A_307 : i32
    %mul3A_317 = arith.constant 256 : i32
    %mul3A_318 = arith.muli %select_n3A_316, %mul3A_317 : i32
    %dma_wait3A = arith.constant 0 : i32
    %dma_wait3A_319 = tpu.memref_slice %arg4[%select_n3A, %dma_wait3A, %mul3A_318] : memref<50x64x16384xf32, #tpu.memory_space<hbm>> -> memref<1x64x256xf32, #tpu.memory_space<hbm>>
    %dma_wait3A_320 = tpu.memref_squeeze %dma_wait3A_319 : memref<1x64x256xf32, #tpu.memory_space<hbm>> -> memref<64x256xf32, #tpu.memory_space<hbm>>
    %dma_wait3A_321 = arith.constant 0 : i32
    %dma_wait3A_322 = tpu.memref_slice %arg4[%select_n3A, %dma_wait3A_321, %mul3A_318] : memref<50x64x16384xf32, #tpu.memory_space<hbm>> -> memref<1x64x256xf32, #tpu.memory_space<hbm>>
    %dma_wait3A_323 = tpu.memref_squeeze %dma_wait3A_322 : memref<1x64x256xf32, #tpu.memory_space<hbm>> -> memref<64x256xf32, #tpu.memory_space<hbm>>
    tpu.wait_dma2 semaphore(%arg14 : memref<!tpu.dma_semaphore, #tpu.memory_space<semaphore_mem>>) src(%arg10 : memref<64x256xf32, #tpu.memory_space<vmem>>) dst(%dma_wait3A_323 : memref<64x256xf32, #tpu.memory_space<hbm>>)
    %add3A_324 = arith.constant 99 : i32
    %add3A_325 = arith.addi %mul3A_2, %add3A_324 : i32
    %jit3A_326 = arith.constant 64 : i32
    %div3A_327 = arith.divsi %add3A_325, %jit3A_326 : i32
    %sign3A_328 = arith.constant 0 : i32
    %sign3A_329 = arith.cmpi sgt, %add3A_325, %sign3A_328 : i32
    %sign3A_330 = arith.extui %sign3A_329 : i1 to i32
    %sign3A_331 = arith.constant 0 : i32
    %sign3A_332 = arith.cmpi slt, %add3A_325, %sign3A_331 : i32
    %sign3A_333 = arith.extui %sign3A_332 : i1 to i32
    %sign3A_334 = arith.subi %sign3A_330, %sign3A_333 : i32
    %sign3A_335 = arith.constant 0 : i32
    %sign3A_336 = arith.cmpi sgt, %jit3A_326, %sign3A_335 : i32
    %sign3A_337 = arith.extui %sign3A_336 : i1 to i32
    %sign3A_338 = arith.constant 0 : i32
    %sign3A_339 = arith.cmpi slt, %jit3A_326, %sign3A_338 : i32
    %sign3A_340 = arith.extui %sign3A_339 : i1 to i32
    %sign3A_341 = arith.subi %sign3A_337, %sign3A_340 : i32
    %ne3A_342 = arith.cmpi ne, %sign3A_334, %sign3A_341 : i32
    %rem3A_343 = arith.remsi %add3A_325, %jit3A_326 : i32
    %ne3A_344 = arith.constant 0 : i32
    %ne3A_345 = arith.cmpi ne, %rem3A_343, %ne3A_344 : i32
    %and3A_346 = arith.andi %ne3A_342, %ne3A_345 : i1
    %sub3A_347 = arith.constant 1 : i32
    %sub3A_348 = arith.subi %div3A_327, %sub3A_347 : i32
    %select_n3A_349 = arith.select %and3A_346, %sub3A_348, %div3A_327 : i32
    %jit3A_350 = arith.constant 64 : i32
    %eq3A_351 = arith.constant 0 : i32
    %eq3A_352 = arith.cmpi eq, %jit3A_350, %eq3A_351 : i32
    %jit3A_353 = arith.constant 1 : i32
    %select_n3A_354 = arith.select %eq3A_352, %jit3A_353, %jit3A_350 : i32
    %rem3A_355 = arith.remsi %add3A_325, %select_n3A_354 : i32
    %ne3A_356 = arith.constant 0 : i32
    %ne3A_357 = arith.cmpi ne, %rem3A_355, %ne3A_356 : i32
    %lt3A_358 = arith.constant 0 : i32
    %lt3A_359 = arith.cmpi slt, %rem3A_355, %lt3A_358 : i32
    %lt3A_360 = arith.constant 0 : i32
    %lt3A_361 = arith.cmpi slt, %select_n3A_354, %lt3A_360 : i32
    %ne3A_362 = arith.xori %lt3A_359, %lt3A_361 : i1
    %and3A_363 = arith.andi %ne3A_362, %ne3A_357 : i1
    %add3A_364 = arith.addi %rem3A_355, %select_n3A_354 : i32
    %select_n3A_365 = arith.select %and3A_363, %add3A_364, %rem3A_355 : i32
    %mul3A_366 = arith.constant 256 : i32
    %mul3A_367 = arith.muli %select_n3A_365, %mul3A_366 : i32
    %dma_wait3A_368 = arith.constant 0 : i32
    %dma_wait3A_369 = tpu.memref_slice %arg4[%select_n3A_349, %dma_wait3A_368, %mul3A_367] : memref<50x64x16384xf32, #tpu.memory_space<hbm>> -> memref<1x64x256xf32, #tpu.memory_space<hbm>>
    %dma_wait3A_370 = tpu.memref_squeeze %dma_wait3A_369 : memref<1x64x256xf32, #tpu.memory_space<hbm>> -> memref<64x256xf32, #tpu.memory_space<hbm>>
    %dma_wait3A_371 = arith.constant 0 : i32
    %dma_wait3A_372 = tpu.memref_slice %arg4[%select_n3A_349, %dma_wait3A_371, %mul3A_367] : memref<50x64x16384xf32, #tpu.memory_space<hbm>> -> memref<1x64x256xf32, #tpu.memory_space<hbm>>
    %dma_wait3A_373 = tpu.memref_squeeze %dma_wait3A_372 : memref<1x64x256xf32, #tpu.memory_space<hbm>> -> memref<64x256xf32, #tpu.memory_space<hbm>>
    tpu.wait_dma2 semaphore(%arg15 : memref<!tpu.dma_semaphore, #tpu.memory_space<semaphore_mem>>) src(%arg11 : memref<64x256xf32, #tpu.memory_space<vmem>>) dst(%dma_wait3A_373 : memref<64x256xf32, #tpu.memory_space<hbm>>)
    return
  }
}

</mosaic_0001>

<sc_bundles>
// kernel: kernel.3.cloned.1.call-start
scs
__scs_entry_jumppad:
0x0: {  	(pc) =	sbr.rel $0x88, $3  }
0x1: {  	(tag) =	ssettag $0x0;
	lr =	simm.s32 $0x1  }
0x2: {  	[smem:$0x3F9F] =	sst lr;
	_ =	strace $0xD0000000  }
0x3: {  	_ = 	snop  }
0x4: {  	_ = 	snop  }
0x5: {  	_ = 	snop  }
0x6: {  	_ = 	snop  }
0x7: {  	_ = 	snop  }
__scs_overlays_trampoline_lowered:
0x8: {  	[smem:$0x3FAE] =	sst s0  }
0x9: {  	[smem:$0x3FAF] =	sst s1  }
0xa: {  	[smem:$0x3FB0] =	sst s2  }
0xb: {  	[smem:$0x3FB1] =	sst s3  }
0xc: {  	[smem:$0x3FB2] =	sst s4  }
0xd: {  	[smem:$0x3FB3] =	sst s5  }
0xe: {  	[smem:$0x3FB4] =	sst s6  }
0xf: {  	[smem:$0x3FB5] =	sst s7  }
0x10: {  	[smem:$0x3FB6] =	sst s8  }
0x11: {  	[smem:$0x3FB7] =	sst s9;
	s0 =	simm.s32 @!p0 $0x0  }
0x12: {  	s1 =	sld [smem:$0x3F9D];
	s0 =	simm.s32 @p0 $0x1  }
0x13: {  	[smem:$0x3FB8] =	sst s0;
	s0 =	simm.s32 @!p1 $0x0  }
0x14: {  	s2 =	sld [smem:$0x3F9C];
	s0 =	simm.s32 @p1 $0x1  }
0x15: {  	[smem:$0x3FB9] =	sst s0;
	s0 =	simm.s32 @!p2 $0x0  }
0x16: {  	s3 =	sld [smem:$0x3FDB];
	s0 =	simm.s32 @p2 $0x1  }
0x17: {  	s4 =	simm.s32 $0x1BF5;
	[smem:$0x3FBB] =	sst s0  }
0x18: {  	s0 =	sld [smem:$0x3F9E];
	_ =	swait.ge [sflag:s4], $0x0  }
0x19: {  	s7 =	sld [smem:$0x3F9F]  }
0x1a: {  	s8 =	sadd.s32 $0xFFFFE003, lr  }
0x1b: {  	s9 =	sadd.s32 $0xFFFFFEF7, lr;
	s5 =	simm.s32 $0xFFFFFFFF;
	p2 =	slt.u32 s8, $0xFFFFF086  }
0x1c: {  	p1 =	slt.u32 s9, $0xF7A;
	s5 =	simm.s32 @!p2 $0x0  }
0x1d: {  	s5 =	simm.s32 @p1 $0x1;
	p0 =	seq.s32 s7, s2  }
0x1e: {  	s7 =	smul.u32 @!p0 $0xF7A, s2;
	p2 =	seq.s32 @!p0 s5, $0x0  }
0x1f: {  	s9 =	smul.u32 $0xF7A, s1;
	s8 =	simm.s32 @!p0 $0x1BF5;
	p2 =	por !p2, p0  }
0x20: {  	[sflag:s8] =	ssyncset.s32 @!p0 $0xFFFFF086;
	s6 =	sadd.s32 @!p0 s3, s7;
	s7 =	simm.s32 @!p0 $0x108  }
0x21: {  	s3 =	sadd.s32 s3, s9;
	s6 =	sadd.s32 @!p0 $0x88, s6;
	s7 =	simm.s32 @p2 $0x1082  }
0x22: {  	[simem:s7], [sflag:s8] =	dma.local @!p0 [hbm:s6], $0xF7A  }
0x23: {  	s9 =	sor.u32 $0xD0000000, s2;
	s6 =	simm.s32 $0x108;
	_ =	swait.ge @!p0 [sflag:s8], $0x0  }
0x24: {  	s3 =	sadd.s32 $0x88, s3;
	s6 =	simm.s32 @!p1 $0x1082;
	[sflag:s4] =	ssyncset.s32 $0xFFFFF086  }
0x25: {  	[simem:s6], [sflag:s4] =	dma.local [hbm:s3], $0xF7A  }
0x26: {  	[smem:$0x3F9F] =	sst s1;
	(tag) =	ssettag s2;
	_ =	strace s9  }
0x27: {  	s1 =	sld [smem:$0x3FAF]  }
0x28: {  	s2 =	sld [smem:$0x3FB0]  }
0x29: {  	s4 =	sld [smem:$0x3FB2]  }
0x2a: {  	p0 =	seq.s32 s5, $0x0;
	s5 =	sld [smem:$0x3FB3]  }
0x2b: {  	s6 =	sld [smem:$0x3FB4]  }
0x2c: {  	s7 =	sld [smem:$0x3FB5]  }
0x2d: {  	s3 =	simm.s32 $0x108;
	s8 =	sld [smem:$0x3FB6]  }
0x2e: {  	s3 =	simm.s32 @!p0 $0x1082;
	s9 =	sld [smem:$0x3FB7]  }
0x2f: {  	lr =	sadd.s32 s0, s3;
	s0 =	sld [smem:$0x3FAE]  }
0x30: {  	s3 =	sld [smem:$0x3FB1]  }
0x31: {  	[smem:$0x3FBA] =	sst s10  }
0x32: {  	s10 =	sld [smem:$0x3FB8];
	_ =	sdelay $0x3  }
0x33: {  	p0 =	seq.s32 s10, $0x1;
	s10 =	sld [smem:$0x3FBA];
	_ =	sdelay $0x3  }
0x34: {  	[smem:$0x3FBA] =	sst s10  }
0x35: {  	s10 =	sld [smem:$0x3FB9];
	_ =	sdelay $0x3  }
0x36: {  	p1 =	seq.s32 s10, $0x1;
	s10 =	sld [smem:$0x3FBA];
	_ =	sdelay $0x3  }
0x37: {  	[smem:$0x3FBA] =	sst s10  }
0x38: {  	s10 =	sld [smem:$0x3FBB]  }
0x39: {  	_ = 	snop;
	(pc) =	sbr.ind lr, $3  }
0x3a: {  	_ = 	snop  }
0x3b: {  	_ = 	snop  }
0x3c: {  	p2 =	seq.s32 s10, $0x1;
	s10 =	sld [smem:$0x3FBA]  }
0x3d: {  	_ =	shalt  }
0x3e: {  	_ =	shalt  }
0x3f: {  	_ =	shalt  }
0x40: {  	_ =	shalt  }
0x41: {  	_ =	shalt  }
0x42: {  	_ =	shalt  }
0x43: {  	_ =	shalt  }
0x44: {  	_ =	shalt  }
0x45: {  	_ =	shalt  }
0x46: {  	_ =	shalt  }
0x47: {  	_ =	shalt  }
0x48: {  	_ =	shalt  }
0x49: {  	_ =	shalt  }
0x4a: {  	_ =	shalt  }
0x4b: {  	_ =	shalt  }
0x4c: {  	_ =	shalt  }
0x4d: {  	_ =	shalt  }
0x4e: {  	_ =	shalt  }
0x4f: {  	_ =	shalt  }
0x50: {  	_ =	shalt  }
0x51: {  	_ =	shalt  }
0x52: {  	_ =	shalt  }
0x53: {  	_ =	shalt  }
0x54: {  	_ =	shalt  }
0x55: {  	_ =	shalt  }
0x56: {  	_ =	shalt  }
0x57: {  	_ =	shalt  }
0x58: {  	_ =	shalt  }
0x59: {  	_ =	shalt  }
0x5a: {  	_ =	shalt  }
0x5b: {  	_ =	shalt  }
0x5c: {  	_ =	shalt  }
0x5d: {  	_ =	shalt  }
0x5e: {  	_ =	shalt  }
0x5f: {  	_ =	shalt  }
0x60: {  	_ =	shalt  }
0x61: {  	_ =	shalt  }
0x62: {  	_ =	shalt  }
0x63: {  	_ =	shalt  }
0x64: {  	_ =	shalt  }
0x65: {  	_ =	shalt  }
0x66: {  	_ =	shalt  }
0x67: {  	_ =	shalt  }
0x68: {  	_ =	shalt  }
0x69: {  	_ =	shalt  }
0x6a: {  	_ =	shalt  }
0x6b: {  	_ =	shalt  }
0x6c: {  	_ =	shalt  }
0x6d: {  	_ =	shalt  }
0x6e: {  	_ =	shalt  }
0x6f: {  	_ =	shalt  }
0x70: {  	_ =	shalt  }
0x71: {  	_ =	shalt  }
0x72: {  	_ =	shalt  }
0x73: {  	_ =	shalt  }
0x74: {  	_ =	shalt  }
0x75: {  	_ =	shalt  }
0x76: {  	_ =	shalt  }
0x77: {  	_ =	shalt  }
0x78: {  	_ =	shalt  }
0x79: {  	_ =	shalt  }
0x7a: {  	_ =	shalt  }
0x7b: {  	_ =	shalt  }
0x7c: {  	_ =	shalt  }
0x7d: {  	_ =	shalt  }
0x7e: {  	_ =	shalt  }
0x7f: {  	_ =	shalt  }
0x80: {  	_ =	shalt  }
0x81: {  	_ =	shalt  }
0x82: {  	_ =	shalt  }
0x83: {  	_ =	shalt  }
0x84: {  	_ =	shalt  }
0x85: {  	_ =	shalt  }
0x86: {  	_ =	shalt  }
0x87: {  	_ =	shalt  }
.Lfunc_end0:
.L_simem_size_0:
called_computation_lowered:
.L_overlay_start_0:
0x88: {  	s2 =	sld [smem:$0x3FD9]  }
0x89: {  	s3 =	sld [smem:$0x3FFE];
	_ =	sdelay $0x1  }
0x8a: {  	s1 =	srdreg.scid  }
0x8b: {  	s0 =	sand.u32 $0x1, s1  }
0x8c: {  	s17 =	sshll.u32 s0, $0xA;
	s2 =	sadd.s32 s3, s2  }
0x8d: {  	s2 =	sadd.s32 s2, s17  }
0x8e: {  	[smem:$0x3FC6] =	sst s2  }
0x8f: {  	_ = 	snop  }
0x90: {  	s2 =	sld [smem:$0x3FD0];
	(tm) =	ssettm $0x1  }
0x91: {  	s18 =	sld [smem:$0x3FFB];
	_ =	sdelay $0x3  }
0x92: {  	_ =	strace s18  }
0x93: {  	s3 =	sld [smem:$0x3FFC];
	_ =	sdelay $0x3  }
0x94: {  	_ =	strace s3  }
0x95: {  	s3 =	sld [smem:$0x3FFD];
	_ =	sdelay $0x3  }
0x96: {  	_ =	strace s3  }
0x97: {  	_ =	strace $0x8FFFFFFF  }
0x98: {  	s19 =	sld [smem:$0x3FDB];
	_ =	sdelay $0x1  }
0x99: {  	s4 =	simm.s32 $_scs_section_size  }
0x9a: {  	s5 =	simm.s32 $_size__tile_overlayer_lowered;
	s6 =	simm.s32 $_tile_overlayer_lowered  }
0x9b: {  	s22 =	simm.s32 $0x1BFF;
	s21 =	sshll.u32 s6, $0x1;
	s3 =	sadd.s32 s4, s19  }
0x9c: {  	s7 =	simm.s32 $0x0;
	s20 =	sshll.u32 s5, $0x1;
	s5 =	sadd.s32 s21, s3  }
0x9d: {  	[timem:s7], [sflag:s22] =	dma.local [hbm:s5], s20  }
0x9e: {  	_ =	swait.ge [sflag:s22], s20  }
0x9f: {  	s4 =	ssub.s32 $0x0, s20;
	[sflag:s22] =	ssyncset.done $0x0  }
0xa0: {  	[sflag:s22] =	ssyncadd.s32 s4;
	_ =	sdelay $0x1  }
0xa1: {  	s23 =	simm.s32 $0x1B8B  }
0xa2: {  	_ =	swait.ge [sflag:s23], $0x1  }
0xa3: {  	[sflag:s23] =	ssyncset.done $0x0  }
0xa4: {  	s25 =	simm.s32 $0x1B8E;
	s24 =	sld [smem:$0x3FFE];
	[sflag:s23] =	ssyncadd.s32 $0xFFFFFFFF  }
0xa5: {  	s26 =	simm.s32 $execute0_lowered;
	[smem:$0x3FD2] =	sst s25  }
0xa6: {  	s5 =	sshll.u32 s26, $0x1;
	_ =	strace $0x80000046;
	[dreg:$0x1] =	wrdreg $0xFFFFFFFF  }
0xa7: {  	s28 =	simm.s32 $_size_execute0_lowered;
	s3 =	sadd.s32 s3, s5;
	[dreg:$0x0] =	wrdreg $0x0  }
0xa8: {  	s5 =	sshll.u32 s28, $0x1;
	[dreg:$0x2] =	wrdreg s3  }
0xa9: {  	[dreg:$0x3] =	wrdreg s5  }
0xaa: {  	[dreg:$0x4] =	wrdreg $0xC0  }
0xab: {  	_ =	task [dreg:s7], $0x5FFFF  }
0xac: {  	[dreg:$0x1] =	wrdreg $0xFFFFFFFF  }
0xad: {  	[dreg:$0x0] =	wrdreg $0x60  }
0xae: {  	[dreg:$0x2] =	wrdreg s24  }
0xaf: {  	[dreg:$0x3] =	wrdreg s2  }
0xb0: {  	[dreg:$0x4] =	wrdreg $0x9  }
0xb1: {  	_ =	task.clear_ibuf [dreg:s7], $0x5FFFF;
	_ =	strace $0x90000046  }
0xb2: {  	s29 =	simm.s32 $0x9;
	_ =	strace $0x80000048  }
0xb3: {  	_ =	swait.ge [sflag:s29], $0x1  }
0xb4: {  	[sflag:s29] =	ssyncadd.s32 $0xFFFFFFFF  }
0xb5: {  	_ =	strace $0x90000048  }
0xb6: {  	_ =	sfence  }
0xb7: {  	s30 =	sld [smem:$0x0];
	_ =	sdelay $0x2  }
0xb8: {  	s31 =	sshll.u32 s1, $0xD;
	s1 =	sshrl.u32 s1, $0x2  }
0xb9: {  	s3 =	sand.u32 $0x4000, s31;
	s1 =	sadd.s32 s1, s30  }
0xba: {  	s0 =	sor.u32 s3, s0;
	s1 =	sshll.u32 s1, $0x11  }
0xbb: {  	s0 =	sor.u32 s1, s0  }
0xbc: {  	s0 =	sadd.s32 $0x8F2B, s0  }
0xbd: {  	[sflag:s0] =	ssyncadd.remote.s32 $0x1  }
0xbe: {  	_ =	sfence.sel $0xFFFF  }
0xbf: {  	[dreg:$0x0] =	wrdreg $0xFFFFFFFF;
	(pc) =	sbr.abs _section_cstart, $3  }
0xc0: {  	[dreg:$0x1] =	wrdreg $0xFFFFFFFF  }
0xc1: {  	_ =	task.clear_ibuf [dreg:s7], $0x2FFFF;
	_ =	strace $0x9FFFFFFF  }
0xc2: {  	(tm) =	ssettm $0x7FFFFFFF  }
0xc3: {  	_ =	shalt  }
tec
execute0_lowered:
.L_overlay_start_1:
0x0: {  	(tag) =	ssettag $0x1  }
0x1: {  	s4 =	rddreg [dreg:$0x0]  }
0x2: {  	v0 =	vlaneseq.u32;
	s1 =	srdreg.scid;
	s0 =	stileid.u32  }
0x3: {  	s2 =	rddreg [dreg:$0x1];
	s3 =	simm.s32 $0x0;
	s9 =	simm.s32 $0x100;
	v1 =	vmul.u32 $0x80, v0  }
0x4: {  	s10 =	simm.s32 $0x6400;
	s11 =	simm.s32 $0x6600;
	s12 =	simm.s32 $0x6500;
	v17 =	vor.u32 $0x10, v0;
	v18 =	vor.u32 $0x20, v0;
	v19 =	vor.u32 $0x30, v0  }
0x5: {  	s13 =	simm.s32 $0xE600;
	s14 =	simm.s32 $0x1;
	s15 =	simm.s32 $0x16600;
	v20 =	vor.u32 $0x40, v0;
	v21 =	vor.u32 $0x50, v0;
	v22 =	vor.u32 $0x60, v0  }
0x6: {  	s16 =	simm.s32 $0x800;
	s17 =	simm.s32 $0x20000;
	s18 =	simm.s32 $0x2;
	v23 =	vor.u32 $0x70, v0;
	v24 =	vor.u32 $0x400, v0;
	v25 =	vor.u32 $0x410, v0  }
0x7: {  	s19 =	simm.s32 $0x1A600;
	s20 =	simm.s32 $0x3;
	s21 =	simm.s32 $0x4;
	v26 =	vor.u32 $0x420, v0;
	v27 =	vor.u32 $0x430, v0;
	v28 =	vor.u32 $0x440, v0  }
0x8: {  	s22 =	simm.s32 $0x0;
	s5 =	sand.u32 $0x1, s1;
	s6 =	sshll.u32 s0, $0x1;
	v29 =	vor.u32 $0x450, v0;
	v30 =	vor.u32 $0x460, v0;
	v31 =	vor.u32 $0x470, v0  }
.Ltmp0:
0x9: {  	s6 =	sor.u32 s5, s6;
	s5 =	ssub.s32 $0x2, s5;
	v2 =	vor.u32 $0x800, v1;
	v3 =	vor.u32 $0x1000, v1;
	v4 =	vor.u32 $0x1800, v1;
	(pc) =	sbr.rel .LBB2_1-.Ltmp0, $4  }
0xa: {  	[smem:$0x7FF] =	sst s3;
	s7 =	smul.u32 $0xC80, s6;
	v5 =	vor.u32 $0x2000, v1;
	v6 =	vor.u32 $0x2800, v1;
	v7 =	vor.u32 $0x3000, v1;
	s8 =	sshrl.u32 s5, $0x1  }
0xb: {  	s1 =	rddreg [dreg:$0x2];
	_ =	strace $0x80000047;
	v8 =	vor.u32 $0x3800, v1;
	v9 =	vor.u32 $0x4000, v1;
	v10 =	vor.u32 $0x4800, v1;
	s8 =	ssub.s32 s5, s8  }
0xc: {  	v11 =	vor.u32 $0x5000, v1;
	v12 =	vor.u32 $0x5800, v1;
	v13 =	vor.u32 $0x6000, v1;
	s5 =	smul.u32 $0x64, s6;
	s7 =	sadd.s32 s7, s4;
	s4 =	sadd.s32 $0xF42A00, s4  }
0xd: {  	v14 =	vor.u32 $0x6800, v1;
	v15 =	vor.u32 $0x7000, v1;
	v16 =	vor.u32 $0x7800, v1;
	s6 =	sadd.s32 $0x600, s7;
	s7 =	smax.u32 s8, $0x1;
	s8 =	simm.s32 $0x5  }
.LBB2_8:
0xe: {  	s22 =	sadd.s32 $0x1, s22  }
0xf: {  	_ =	swait.ge [sflag:s20], $0x4000;
	p0 =	sne.s32 s22, s7  }
.Ltmp1:
0x10: {  	[sflag:s20] =	ssyncset.done $0x0;
	(pc) =	sbr.rel @!p0 .LBB2_9-.Ltmp1, $4  }
0x11: {  	[sflag:s20] =	ssyncadd.s32 $0xFFFFC000  }
0x12: {  	_ =	swait.ge [sflag:s21], $0x4000  }
0x13: {  	[sflag:s21] =	ssyncset.done $0x0  }
0x14: {  	[sflag:s21] =	ssyncadd.s32 $0xFFFFC000  }
.LBB2_1:
0x15: {  	[tilespmem:s3], [sflag:$0x5] =	stream.linear.gather [hbm4b:s6+s3], $0x6400, $0x38;
	[tilespmem:$0x1E600] =	vst v63  }
0x16: {  	_ =	swait.ge [sflag:s8], $0x6400  }
0x17: {  	[sflag:s8] =	ssyncset.done $0x0  }
0x18: {  	[sflag:s8] =	ssyncadd.s32 $0xFFFF9C00  }
0x19: {  	v32 =	vld [tilespmem:$0x0]  }
0x1a: {  	v33 =	vld [tilespmem:$0x10]  }
0x1b: {  	v34 =	vld [tilespmem:$0x20]  }
0x1c: {  	v35 =	vld [tilespmem:$0x30]  }
0x1d: {  	v36 =	vld [tilespmem:$0x40]  }
0x1e: {  	v37 =	vld [tilespmem:$0x50];
	v32 =	vshra.s32 v32, $0x1  }
0x1f: {  	v58 =	vld [tilespmem:$0x60];
	v57 =	vshra.s32 v33, $0x1;
	[tilespmem:$0x6400] =	vst v32  }
0x20: {  	v60 =	vld [tilespmem:$0x70];
	v59 =	vshra.s32 v34, $0x1;
	[tilespmem:$0x6410] =	vst v57  }
0x21: {  	v62 =	vld [tilespmem:$0x80];
	v61 =	vshra.s32 v35, $0x1;
	[tilespmem:$0x6420] =	vst v59  }
0x22: {  	v40 =	vld [tilespmem:$0x90];
	v63 =	vshra.s32 v36, $0x1;
	[tilespmem:$0x6430] =	vst v61  }
0x23: {  	v42 =	vld [tilespmem:$0xA0];
	v41 =	vshra.s32 v37, $0x1;
	[tilespmem:$0x6440] =	vst v63  }
0x24: {  	v44 =	vld [tilespmem:$0xB0];
	v43 =	vshra.s32 v58, $0x1;
	[tilespmem:$0x6450] =	vst v41  }
0x25: {  	v46 =	vld [tilespmem:$0xC0];
	v45 =	vshra.s32 v60, $0x1;
	[tilespmem:$0x6460] =	vst v43  }
0x26: {  	v48 =	vld [tilespmem:$0xD0];
	v47 =	vshra.s32 v62, $0x1;
	[tilespmem:$0x6470] =	vst v45  }
0x27: {  	v50 =	vld [tilespmem:$0xE0];
	v49 =	vshra.s32 v40, $0x1;
	[tilespmem:$0x6480] =	vst v47  }
0x28: {  	v52 =	vld [tilespmem:$0xF0];
	v51 =	vshra.s32 v42, $0x1;
	[tilespmem:$0x6490] =	vst v49  }
0x29: {  	v53 =	vshra.s32 v44, $0x1;
	[tilespmem:$0x64A0] =	vst v51  }
0x2a: {  	v54 =	vshra.s32 v46, $0x1;
	[tilespmem:$0x64B0] =	vst v53  }
0x2b: {  	v55 =	vshra.s32 v48, $0x1;
	[tilespmem:$0x64C0] =	vst v54  }
0x2c: {  	v56 =	vshra.s32 v50, $0x1;
	[tilespmem:$0x64D0] =	vst v55  }
0x2d: {  	[tilespmem:$0x64E0] =	vst v56;
	v57 =	vshra.s32 v52, $0x1  }
0x2e: {  	[tilespmem:$0x64F0] =	vst v57  }
0x2f: {  	[tilespmem:s11], [sflag:$0x1] =	stream.indirect.gather [hbm4b:s4+s9], $0x80, s10, s9, $0xb8;
	[tilespmem:$0x1E600] =	vst v63  }
0x30: {  	v58 =	vld [tilespmem:$0x100]  }
0x31: {  	v59 =	vld [tilespmem:$0x110]  }
0x32: {  	v60 =	vld [tilespmem:$0x120]  }
0x33: {  	v61 =	vld [tilespmem:$0x130]  }
0x34: {  	v62 =	vld [tilespmem:$0x140]  }
0x35: {  	v63 =	vld [tilespmem:$0x150];
	v32 =	vshra.s32 v58, $0x1  }
0x36: {  	v40 =	vld [tilespmem:$0x160];
	v39 =	vshra.s32 v59, $0x1;
	[tilespmem:$0x6500] =	vst v32  }
0x37: {  	v42 =	vld [tilespmem:$0x170];
	v41 =	vshra.s32 v60, $0x1;
	[tilespmem:$0x6510] =	vst v39  }
0x38: {  	v44 =	vld [tilespmem:$0x180];
	v43 =	vshra.s32 v61, $0x1;
	[tilespmem:$0x6520] =	vst v41  }
0x39: {  	v46 =	vld [tilespmem:$0x190];
	v45 =	vshra.s32 v62, $0x1;
	[tilespmem:$0x6530] =	vst v43  }
0x3a: {  	v48 =	vld [tilespmem:$0x1A0];
	v47 =	vshra.s32 v63, $0x1;
	[tilespmem:$0x6540] =	vst v45  }
0x3b: {  	v50 =	vld [tilespmem:$0x1B0];
	v49 =	vshra.s32 v40, $0x1;
	[tilespmem:$0x6550] =	vst v47  }
0x3c: {  	v52 =	vld [tilespmem:$0x1C0];
	v51 =	vshra.s32 v42, $0x1;
	[tilespmem:$0x6560] =	vst v49  }
0x3d: {  	v54 =	vld [tilespmem:$0x1D0];
	v53 =	vshra.s32 v44, $0x1;
	[tilespmem:$0x6570] =	vst v51  }
0x3e: {  	v56 =	vld [tilespmem:$0x1E0];
	v55 =	vshra.s32 v46, $0x1;
	[tilespmem:$0x6580] =	vst v53  }
0x3f: {  	v57 =	vshra.s32 v48, $0x1;
	v58 =	vld [tilespmem:$0x1F0];
	[tilespmem:$0x6590] =	vst v55  }
0x40: {  	v59 =	vshra.s32 v50, $0x1;
	[tilespmem:$0x65A0] =	vst v57  }
0x41: {  	v60 =	vshra.s32 v52, $0x1;
	[tilespmem:$0x65B0] =	vst v59  }
0x42: {  	v61 =	vshra.s32 v54, $0x1;
	[tilespmem:$0x65C0] =	vst v60  }
0x43: {  	v62 =	vshra.s32 v56, $0x1;
	[tilespmem:$0x65D0] =	vst v61  }
0x44: {  	[tilespmem:$0x65E0] =	vst v62;
	v63 =	vshra.s32 v58, $0x1  }
0x45: {  	s23 =	simm.s32 $0x0;
	[tilespmem:$0x65F0] =	vst v63  }
0x46: {  	[tilespmem:s13], [sflag:$0x2] =	stream.indirect.gather [hbm4b:s4+s9], $0x80, s12, s9, $0xb8;
	[tilespmem:$0x1E600] =	vst v63  }
.LBB2_2:
0x47: {  	_ =	swait.ge [sflag:s14], $0x8000  }
0x48: {  	p0 =	seq.s32 s23, $0x0;
	[sflag:s14] =	ssyncset.done $0x0  }
0x49: {  	s24 =	simm.s32 @!p0 $0x3;
	[sflag:s14] =	ssyncadd.s32 $0xFFFF8000  }
0x4a: {  	_ =	swait.ge @!p0 [sflag:s24], $0x4000  }
0x4b: {  	s25 =	sshll.u32 s23, $0x9;
	[sflag:s24] =	ssyncset.done @!p0 $0x0  }
0x4c: {  	[sflag:s24] =	ssyncadd.s32 @!p0 $0xFFFFC000;
	s24 =	sand.u32 $0x3FFFFE00, s25  }
0x4d: {  	v32 =	vld [tilespmem:s24+$0x0];
	_ =	sdelay $0x2  }
0x4e: {  	v33 =	vld [tilespmem:s24+$0x10]  }
0x4f: {  	v34 =	vld [tilespmem:s24+$0x20]  }
0x50: {  	s26 =	simm.s32 $0x0;
	v35 =	vld [tilespmem:s24+$0x30];
	v32 =	vshll.u32 v32, $0x6  }
0x51: {  	v38 =	vadd.s32 s26, v0;
	v36 =	vld [tilespmem:s24+$0x40];
	v32 =	vand.u32 $0x40, v32  }
0x52: {  	v48 =	vand.u32 $0x3F, v38;
	v37 =	vld [tilespmem:s24+$0x50];
	v32 =	vor.u32 v1, v32  }
0x53: {  	v39 =	vld [tilespmem:s24+$0x60];
	v41 =	vor.u32 v48, v32  }
0x54: {  	v40 =	vld [tilespmem:s24+$0x70]  }
0x55: {  	v44 =	vshll.u32 v38, $0x8;
	v38 =	vshll.u32 v38, $0x7;
	v42 =	vld [tilespmem:s24+$0x80]  }
0x56: {  	v44 =	vand.u32 $0x3800, v44;
	v38 =	vand.u32 $0x380, v38;
	v43 =	vld [tilespmem:s24+$0x90];
	v33 =	vshll.u32 v33, $0x6  }
0x57: {  	v49 =	vor.u32 v38, v44;
	v45 =	vld [tilespmem:s24+$0xA0];
	v33 =	vand.u32 $0x40, v33  }
0x58: {  	v57 =	vor.u32 v0, v49;
	v33 =	vor.u32 v2, v33;
	v56 =	vld.idx.msk [tilespmem:v41+s11+$0x0], $0xffff  }
0x59: {  	v46 =	vld [tilespmem:s24+$0xB0];
	v47 =	vor.u32 v48, v33  }
0x5a: {  	v44 =	vld [tilespmem:s24+$0xC0]  }
0x5b: {  	v50 =	vld [tilespmem:s24+$0xD0]  }
0x5c: {  	v51 =	vld [tilespmem:s24+$0xE0];
	v34 =	vshll.u32 v34, $0x6  }
0x5d: {  	v52 =	vld [tilespmem:s24+$0xF0];
	v34 =	vand.u32 $0x40, v34;
	[tilespmem:v57+s15+$0x0] =	vst.idx.msk $0xffff, v56  }
0x5e: {  	v58 =	vor.u32 v17, v49;
	v34 =	vor.u32 v3, v34;
	v38 =	vld.idx.msk [tilespmem:v47+s11+$0x0], $0xffff  }
0x5f: {  	v59 =	vor.u32 v48, v34;
	_ =	sdelay $0x2  }
0x60: {  	v35 =	vshll.u32 v35, $0x6  }
0x61: {  	v35 =	vand.u32 $0x40, v35;
	[tilespmem:v58+s15+$0x0] =	vst.idx.msk $0xffff, v38  }
0x62: {  	v60 =	vor.u32 v18, v49;
	v35 =	vor.u32 v4, v35;
	v38 =	vld.idx.msk [tilespmem:v59+s11+$0x0], $0xffff  }
0x63: {  	v61 =	vor.u32 v48, v35;
	_ =	sdelay $0x2  }
0x64: {  	v36 =	vshll.u32 v36, $0x6  }
0x65: {  	v36 =	vand.u32 $0x40, v36;
	[tilespmem:v60+s15+$0x0] =	vst.idx.msk $0xffff, v38  }
0x66: {  	v62 =	vor.u32 v19, v49;
	v36 =	vor.u32 v5, v36;
	v38 =	vld.idx.msk [tilespmem:v61+s11+$0x0], $0xffff  }
0x67: {  	v63 =	vor.u32 v48, v36;
	_ =	sdelay $0x2  }
0x68: {  	v37 =	vshll.u32 v37, $0x6  }
0x69: {  	v37 =	vand.u32 $0x40, v37;
	[tilespmem:v62+s15+$0x0] =	vst.idx.msk $0xffff, v38  }
0x6a: {  	v53 =	vor.u32 v20, v49;
	v37 =	vor.u32 v6, v37;
	v38 =	vld.idx.msk [tilespmem:v63+s11+$0x0], $0xffff  }
0x6b: {  	v54 =	vor.u32 v48, v37;
	_ =	sdelay $0x2  }
0x6c: {  	v39 =	vshll.u32 v39, $0x6  }
0x6d: {  	v39 =	vand.u32 $0x40, v39;
	[tilespmem:v53+s15+$0x0] =	vst.idx.msk $0xffff, v38  }
0x6e: {  	v56 =	vor.u32 v21, v49;
	v38 =	vor.u32 v7, v39;
	v55 =	vld.idx.msk [tilespmem:v54+s11+$0x0], $0xffff  }
0x6f: {  	v57 =	vor.u32 v48, v38;
	_ =	sdelay $0x2  }
0x70: {  	v40 =	vshll.u32 v40, $0x6  }
0x71: {  	v40 =	vand.u32 $0x40, v40;
	[tilespmem:v56+s15+$0x0] =	vst.idx.msk $0xffff, v55  }
0x72: {  	v59 =	vor.u32 v22, v49;
	v39 =	vor.u32 v8, v40;
	v58 =	vld.idx.msk [tilespmem:v57+s11+$0x0], $0xffff  }
0x73: {  	v60 =	vor.u32 v48, v39;
	_ =	sdelay $0x2  }
0x74: {  	v42 =	vshll.u32 v42, $0x6  }
0x75: {  	v42 =	vand.u32 $0x40, v42;
	[tilespmem:v59+s15+$0x0] =	vst.idx.msk $0xffff, v58  }
0x76: {  	v61 =	vor.u32 v23, v49;
	v40 =	vor.u32 v9, v42;
	v41 =	vld.idx.msk [tilespmem:v60+s11+$0x0], $0xffff  }
0x77: {  	v62 =	vor.u32 v48, v40;
	_ =	sdelay $0x2  }
0x78: {  	v43 =	vshll.u32 v43, $0x6  }
0x79: {  	v43 =	vand.u32 $0x40, v43;
	[tilespmem:v61+s15+$0x0] =	vst.idx.msk $0xffff, v41  }
0x7a: {  	v63 =	vor.u32 v24, v49;
	v41 =	vor.u32 v10, v43;
	v42 =	vld.idx.msk [tilespmem:v62+s11+$0x0], $0xffff  }
0x7b: {  	v53 =	vor.u32 v48, v41;
	_ =	sdelay $0x2  }
0x7c: {  	v45 =	vshll.u32 v45, $0x6  }
0x7d: {  	v45 =	vand.u32 $0x40, v45;
	[tilespmem:v63+s15+$0x0] =	vst.idx.msk $0xffff, v42  }
0x7e: {  	v54 =	vor.u32 v25, v49;
	v42 =	vor.u32 v11, v45;
	v43 =	vld.idx.msk [tilespmem:v53+s11+$0x0], $0xffff  }
0x7f: {  	v55 =	vor.u32 v48, v42;
	_ =	sdelay $0x2  }
0x80: {  	v46 =	vshll.u32 v46, $0x6  }
0x81: {  	v46 =	vand.u32 $0x40, v46;
	[tilespmem:v54+s15+$0x0] =	vst.idx.msk $0xffff, v43  }
0x82: {  	v56 =	vor.u32 v26, v49;
	v43 =	vor.u32 v12, v46;
	v45 =	vld.idx.msk [tilespmem:v55+s11+$0x0], $0xffff  }
0x83: {  	v57 =	vor.u32 v48, v43;
	_ =	sdelay $0x2  }
0x84: {  	v44 =	vshll.u32 v44, $0x6  }
0x85: {  	v44 =	vand.u32 $0x40, v44;
	[tilespmem:v56+s15+$0x0] =	vst.idx.msk $0xffff, v45  }
0x86: {  	v44 =	vor.u32 v13, v44;
	v58 =	vor.u32 v27, v49;
	v45 =	vld.idx.msk [tilespmem:v57+s11+$0x0], $0xffff  }
0x87: {  	v59 =	vor.u32 v48, v44;
	_ =	sdelay $0x2  }
0x88: {  	v50 =	vshll.u32 v50, $0x6  }
0x89: {  	v50 =	vand.u32 $0x40, v50;
	[tilespmem:v58+s15+$0x0] =	vst.idx.msk $0xffff, v45  }
0x8a: {  	v60 =	vor.u32 v28, v49;
	v45 =	vor.u32 v14, v50;
	v46 =	vld.idx.msk [tilespmem:v59+s11+$0x0], $0xffff  }
0x8b: {  	v50 =	vor.u32 v48, v45;
	_ =	sdelay $0x2  }
0x8c: {  	v51 =	vshll.u32 v51, $0x6  }
0x8d: {  	v51 =	vand.u32 $0x40, v51;
	[tilespmem:v60+s15+$0x0] =	vst.idx.msk $0xffff, v46  }
0x8e: {  	v61 =	vor.u32 v29, v49;
	v46 =	vor.u32 v15, v51;
	v47 =	vld.idx.msk [tilespmem:v50+s11+$0x0], $0xffff  }
0x8f: {  	v51 =	vor.u32 v48, v46;
	_ =	sdelay $0x2  }
0x90: {  	v52 =	vshll.u32 v52, $0x6  }
0x91: {  	v52 =	vand.u32 $0x40, v52;
	[tilespmem:v61+s15+$0x0] =	vst.idx.msk $0xffff, v47  }
0x92: {  	v62 =	vor.u32 v30, v49;
	v47 =	vor.u32 v16, v52;
	v50 =	vld.idx.msk [tilespmem:v51+s11+$0x0], $0xffff  }
0x93: {  	v48 =	vor.u32 v48, v47;
	_ =	sdelay $0x2  }
0x94: {  	s29 =	simm.s32 $0x1  }
0x95: {  	v63 =	vadd.s32 s29, v0;
	[tilespmem:v62+s15+$0x0] =	vst.idx.msk $0xffff, v50  }
0x96: {  	v49 =	vor.u32 v31, v49;
	v51 =	vand.u32 $0x3F, v63;
	v48 =	vld.idx.msk [tilespmem:v48+s11+$0x0], $0xffff  }
0x97: {  	v56 =	vor.u32 v51, v32;
	_ =	sdelay $0x1  }
0x98: {  	v53 =	vshll.u32 v63, $0x8;
	v50 =	vshll.u32 v63, $0x7  }
0x99: {  	v53 =	vand.u32 $0x3800, v53;
	v50 =	vand.u32 $0x380, v50  }
0x9a: {  	[tilespmem:v49+s15+$0x0] =	vst.idx.msk $0xffff, v48;
	v48 =	vor.u32 v50, v53  }
0x9b: {  	v49 =	vld.idx.msk [tilespmem:v56+s11+$0x0], $0xffff;
	v50 =	vor.u32 v0, v48  }
0x9c: {  	v57 =	vor.u32 v51, v33;
	_ =	sdelay $0x3  }
0x9d: {  	[tilespmem:v50+s15+$0x0] =	vst.idx.msk $0xffff, v49  }
0x9e: {  	v58 =	vor.u32 v17, v48;
	v49 =	vld.idx.msk [tilespmem:v57+s11+$0x0], $0xffff  }
0x9f: {  	v59 =	vor.u32 v51, v34;
	_ =	sdelay $0x3  }
0xa0: {  	[tilespmem:v58+s15+$0x0] =	vst.idx.msk $0xffff, v49  }
0xa1: {  	v60 =	vor.u32 v18, v48;
	v49 =	vld.idx.msk [tilespmem:v59+s11+$0x0], $0xffff  }
0xa2: {  	v61 =	vor.u32 v51, v35;
	_ =	sdelay $0x3  }
0xa3: {  	[tilespmem:v60+s15+$0x0] =	vst.idx.msk $0xffff, v49  }
0xa4: {  	v62 =	vor.u32 v19, v48;
	v49 =	vld.idx.msk [tilespmem:v61+s11+$0x0], $0xffff  }
0xa5: {  	v63 =	vor.u32 v51, v36;
	_ =	sdelay $0x3  }
0xa6: {  	[tilespmem:v62+s15+$0x0] =	vst.idx.msk $0xffff, v49  }
0xa7: {  	v56 =	vor.u32 v20, v48;
	v49 =	vld.idx.msk [tilespmem:v63+s11+$0x0], $0xffff  }
0xa8: {  	v57 =	vor.u32 v51, v37;
	_ =	sdelay $0x3  }
0xa9: {  	[tilespmem:v56+s15+$0x0] =	vst.idx.msk $0xffff, v49  }
0xaa: {  	v58 =	vor.u32 v21, v48;
	v49 =	vld.idx.msk [tilespmem:v57+s11+$0x0], $0xffff  }
0xab: {  	v59 =	vor.u32 v51, v38;
	_ =	sdelay $0x3  }
0xac: {  	[tilespmem:v58+s15+$0x0] =	vst.idx.msk $0xffff, v49  }
0xad: {  	v60 =	vor.u32 v22, v48;
	v49 =	vld.idx.msk [tilespmem:v59+s11+$0x0], $0xffff  }
0xae: {  	v61 =	vor.u32 v51, v39;
	_ =	sdelay $0x3  }
0xaf: {  	[tilespmem:v60+s15+$0x0] =	vst.idx.msk $0xffff, v49  }
0xb0: {  	v62 =	vor.u32 v23, v48;
	v49 =	vld.idx.msk [tilespmem:v61+s11+$0x0], $0xffff  }
0xb1: {  	v63 =	vor.u32 v51, v40;
	_ =	sdelay $0x3  }
0xb2: {  	[tilespmem:v62+s15+$0x0] =	vst.idx.msk $0xffff, v49  }
0xb3: {  	v56 =	vor.u32 v24, v48;
	v49 =	vld.idx.msk [tilespmem:v63+s11+$0x0], $0xffff  }
0xb4: {  	v57 =	vor.u32 v51, v41;
	_ =	sdelay $0x3  }
0xb5: {  	[tilespmem:v56+s15+$0x0] =	vst.idx.msk $0xffff, v49  }
0xb6: {  	v58 =	vor.u32 v25, v48;
	v49 =	vld.idx.msk [tilespmem:v57+s11+$0x0], $0xffff  }
0xb7: {  	v59 =	vor.u32 v51, v42;
	_ =	sdelay $0x3  }
0xb8: {  	[tilespmem:v58+s15+$0x0] =	vst.idx.msk $0xffff, v49  }
0xb9: {  	v60 =	vor.u32 v26, v48;
	v49 =	vld.idx.msk [tilespmem:v59+s11+$0x0], $0xffff  }
0xba: {  	v61 =	vor.u32 v51, v43;
	_ =	sdelay $0x3  }
0xbb: {  	[tilespmem:v60+s15+$0x0] =	vst.idx.msk $0xffff, v49  }
0xbc: {  	v62 =	vor.u32 v27, v48;
	v49 =	vld.idx.msk [tilespmem:v61+s11+$0x0], $0xffff  }
0xbd: {  	v63 =	vor.u32 v51, v44;
	_ =	sdelay $0x3  }
0xbe: {  	[tilespmem:v62+s15+$0x0] =	vst.idx.msk $0xffff, v49  }
0xbf: {  	v56 =	vor.u32 v28, v48;
	v49 =	vld.idx.msk [tilespmem:v63+s11+$0x0], $0xffff  }
0xc0: {  	v57 =	vor.u32 v51, v45;
	_ =	sdelay $0x3  }
0xc1: {  	[tilespmem:v56+s15+$0x0] =	vst.idx.msk $0xffff, v49  }
0xc2: {  	v58 =	vor.u32 v29, v48;
	v49 =	vld.idx.msk [tilespmem:v57+s11+$0x0], $0xffff  }
0xc3: {  	v59 =	vor.u32 v51, v46;
	_ =	sdelay $0x3  }
0xc4: {  	[tilespmem:v58+s15+$0x0] =	vst.idx.msk $0xffff, v49  }
0xc5: {  	v60 =	vor.u32 v30, v48;
	v49 =	vld.idx.msk [tilespmem:v59+s11+$0x0], $0xffff  }
0xc6: {  	v51 =	vor.u32 v51, v47;
	_ =	sdelay $0x2  }
0xc7: {  	s30 =	simm.s32 $0x2  }
0xc8: {  	v61 =	vadd.s32 s30, v0;
	[tilespmem:v60+s15+$0x0] =	vst.idx.msk $0xffff, v49  }
0xc9: {  	v48 =	vor.u32 v31, v48;
	v50 =	vld.idx.msk [tilespmem:v51+s11+$0x0], $0xffff;
	v51 =	vand.u32 $0x3F, v61  }
0xca: {  	v62 =	vor.u32 v51, v32;
	_ =	sdelay $0x1  }
0xcb: {  	v63 =	vshll.u32 v61, $0x8;
	v49 =	vshll.u32 v61, $0x7  }
0xcc: {  	v53 =	vand.u32 $0x3800, v63;
	v49 =	vand.u32 $0x380, v49  }
0xcd: {  	[tilespmem:v48+s15+$0x0] =	vst.idx.msk $0xffff, v50;
	v48 =	vor.u32 v49, v53  }
0xce: {  	v56 =	vld.idx.msk [tilespmem:v62+s11+$0x0], $0xffff;
	v57 =	vor.u32 v0, v48  }
0xcf: {  	v58 =	vor.u32 v51, v33;
	_ =	sdelay $0x3  }
0xd0: {  	[tilespmem:v57+s15+$0x0] =	vst.idx.msk $0xffff, v56  }
0xd1: {  	v59 =	vor.u32 v17, v48;
	v49 =	vld.idx.msk [tilespmem:v58+s11+$0x0], $0xffff  }
0xd2: {  	v60 =	vor.u32 v51, v34;
	_ =	sdelay $0x3  }
0xd3: {  	[tilespmem:v59+s15+$0x0] =	vst.idx.msk $0xffff, v49  }
0xd4: {  	v61 =	vor.u32 v18, v48;
	v49 =	vld.idx.msk [tilespmem:v60+s11+$0x0], $0xffff  }
0xd5: {  	v62 =	vor.u32 v51, v35;
	_ =	sdelay $0x3  }
0xd6: {  	[tilespmem:v61+s15+$0x0] =	vst.idx.msk $0xffff, v49  }
0xd7: {  	v63 =	vor.u32 v19, v48;
	v49 =	vld.idx.msk [tilespmem:v62+s11+$0x0], $0xffff  }
0xd8: {  	v56 =	vor.u32 v51, v36;
	_ =	sdelay $0x3  }
0xd9: {  	[tilespmem:v63+s15+$0x0] =	vst.idx.msk $0xffff, v49  }
0xda: {  	v57 =	vor.u32 v20, v48;
	v49 =	vld.idx.msk [tilespmem:v56+s11+$0x0], $0xffff  }
0xdb: {  	v58 =	vor.u32 v51, v37;
	_ =	sdelay $0x3  }
0xdc: {  	[tilespmem:v57+s15+$0x0] =	vst.idx.msk $0xffff, v49  }
0xdd: {  	v59 =	vor.u32 v21, v48;
	v49 =	vld.idx.msk [tilespmem:v58+s11+$0x0], $0xffff  }
0xde: {  	v60 =	vor.u32 v51, v38;
	_ =	sdelay $0x3  }
0xdf: {  	[tilespmem:v59+s15+$0x0] =	vst.idx.msk $0xffff, v49  }
0xe0: {  	v61 =	vor.u32 v22, v48;
	v49 =	vld.idx.msk [tilespmem:v60+s11+$0x0], $0xffff  }
0xe1: {  	v62 =	vor.u32 v51, v39;
	_ =	sdelay $0x3  }
0xe2: {  	[tilespmem:v61+s15+$0x0] =	vst.idx.msk $0xffff, v49  }
0xe3: {  	v63 =	vor.u32 v23, v48;
	v49 =	vld.idx.msk [tilespmem:v62+s11+$0x0], $0xffff  }
0xe4: {  	v56 =	vor.u32 v51, v40;
	_ =	sdelay $0x3  }
0xe5: {  	[tilespmem:v63+s15+$0x0] =	vst.idx.msk $0xffff, v49  }
0xe6: {  	v57 =	vor.u32 v24, v48;
	v49 =	vld.idx.msk [tilespmem:v56+s11+$0x0], $0xffff  }
0xe7: {  	v58 =	vor.u32 v51, v41;
	_ =	sdelay $0x3  }
0xe8: {  	[tilespmem:v57+s15+$0x0] =	vst.idx.msk $0xffff, v49  }
0xe9: {  	v59 =	vor.u32 v25, v48;
	v49 =	vld.idx.msk [tilespmem:v58+s11+$0x0], $0xffff  }
0xea: {  	v60 =	vor.u32 v51, v42;
	_ =	sdelay $0x3  }
0xeb: {  	[tilespmem:v59+s15+$0x0] =	vst.idx.msk $0xffff, v49  }
0xec: {  	v61 =	vor.u32 v26, v48;
	v49 =	vld.idx.msk [tilespmem:v60+s11+$0x0], $0xffff  }
0xed: {  	v62 =	vor.u32 v51, v43;
	_ =	sdelay $0x3  }
0xee: {  	[tilespmem:v61+s15+$0x0] =	vst.idx.msk $0xffff, v49  }
0xef: {  	v63 =	vor.u32 v27, v48;
	v49 =	vld.idx.msk [tilespmem:v62+s11+$0x0], $0xffff  }
0xf0: {  	v56 =	vor.u32 v51, v44;
	_ =	sdelay $0x3  }
0xf1: {  	[tilespmem:v63+s15+$0x0] =	vst.idx.msk $0xffff, v49  }
0xf2: {  	v57 =	vor.u32 v28, v48;
	v49 =	vld.idx.msk [tilespmem:v56+s11+$0x0], $0xffff  }
0xf3: {  	v58 =	vor.u32 v51, v45;
	_ =	sdelay $0x3  }
0xf4: {  	[tilespmem:v57+s15+$0x0] =	vst.idx.msk $0xffff, v49  }
0xf5: {  	v59 =	vor.u32 v29, v48;
	v49 =	vld.idx.msk [tilespmem:v58+s11+$0x0], $0xffff  }
0xf6: {  	v60 =	vor.u32 v51, v46;
	_ =	sdelay $0x3  }
0xf7: {  	[tilespmem:v59+s15+$0x0] =	vst.idx.msk $0xffff, v49  }
0xf8: {  	v61 =	vor.u32 v30, v48;
	v49 =	vld.idx.msk [tilespmem:v60+s11+$0x0], $0xffff  }
0xf9: {  	v51 =	vor.u32 v51, v47;
	_ =	sdelay $0x2  }
0xfa: {  	s31 =	simm.s32 $0x3  }
0xfb: {  	v62 =	vadd.s32 s31, v0;
	[tilespmem:v61+s15+$0x0] =	vst.idx.msk $0xffff, v49  }
0xfc: {  	v48 =	vor.u32 v31, v48;
	v50 =	vld.idx.msk [tilespmem:v51+s11+$0x0], $0xffff;
	v51 =	vand.u32 $0x3F, v62  }
0xfd: {  	v63 =	vor.u32 v51, v32;
	_ =	sdelay $0x1  }
0xfe: {  	v56 =	vshll.u32 v62, $0x8;
	v49 =	vshll.u32 v62, $0x7  }
0xff: {  	v53 =	vand.u32 $0x3800, v56;
	v49 =	vand.u32 $0x380, v49  }
0x100: {  	[tilespmem:v48+s15+$0x0] =	vst.idx.msk $0xffff, v50;
	v48 =	vor.u32 v49, v53  }
0x101: {  	v57 =	vld.idx.msk [tilespmem:v63+s11+$0x0], $0xffff;
	v58 =	vor.u32 v0, v48  }
0x102: {  	v59 =	vor.u32 v51, v33;
	_ =	sdelay $0x3  }
0x103: {  	[tilespmem:v58+s15+$0x0] =	vst.idx.msk $0xffff, v57  }
0x104: {  	v60 =	vor.u32 v17, v48;
	v49 =	vld.idx.msk [tilespmem:v59+s11+$0x0], $0xffff  }
0x105: {  	v61 =	vor.u32 v51, v34;
	_ =	sdelay $0x3  }
0x106: {  	[tilespmem:v60+s15+$0x0] =	vst.idx.msk $0xffff, v49  }
0x107: {  	v62 =	vor.u32 v18, v48;
	v49 =	vld.idx.msk [tilespmem:v61+s11+$0x0], $0xffff  }
0x108: {  	v63 =	vor.u32 v51, v35;
	_ =	sdelay $0x3  }
0x109: {  	[tilespmem:v62+s15+$0x0] =	vst.idx.msk $0xffff, v49  }
0x10a: {  	v56 =	vor.u32 v19, v48;
	v49 =	vld.idx.msk [tilespmem:v63+s11+$0x0], $0xffff  }
0x10b: {  	v57 =	vor.u32 v51, v36;
	_ =	sdelay $0x3  }
0x10c: {  	[tilespmem:v56+s15+$0x0] =	vst.idx.msk $0xffff, v49  }
0x10d: {  	v58 =	vor.u32 v20, v48;
	v49 =	vld.idx.msk [tilespmem:v57+s11+$0x0], $0xffff  }
0x10e: {  	v59 =	vor.u32 v51, v37;
	_ =	sdelay $0x3  }
0x10f: {  	[tilespmem:v58+s15+$0x0] =	vst.idx.msk $0xffff, v49  }
0x110: {  	v60 =	vor.u32 v21, v48;
	v49 =	vld.idx.msk [tilespmem:v59+s11+$0x0], $0xffff  }
0x111: {  	v61 =	vor.u32 v51, v38;
	_ =	sdelay $0x3  }
0x112: {  	[tilespmem:v60+s15+$0x0] =	vst.idx.msk $0xffff, v49  }
0x113: {  	v62 =	vor.u32 v22, v48;
	v49 =	vld.idx.msk [tilespmem:v61+s11+$0x0], $0xffff  }
0x114: {  	v63 =	vor.u32 v51, v39;
	_ =	sdelay $0x3  }
0x115: {  	[tilespmem:v62+s15+$0x0] =	vst.idx.msk $0xffff, v49  }
0x116: {  	v56 =	vor.u32 v23, v48;
	v49 =	vld.idx.msk [tilespmem:v63+s11+$0x0], $0xffff  }
0x117: {  	v57 =	vor.u32 v51, v40;
	_ =	sdelay $0x3  }
0x118: {  	[tilespmem:v56+s15+$0x0] =	vst.idx.msk $0xffff, v49  }
0x119: {  	v58 =	vor.u32 v24, v48;
	v49 =	vld.idx.msk [tilespmem:v57+s11+$0x0], $0xffff  }
0x11a: {  	v59 =	vor.u32 v51, v41;
	_ =	sdelay $0x3  }
0x11b: {  	[tilespmem:v58+s15+$0x0] =	vst.idx.msk $0xffff, v49  }
0x11c: {  	v60 =	vor.u32 v25, v48;
	v49 =	vld.idx.msk [tilespmem:v59+s11+$0x0], $0xffff  }
0x11d: {  	v61 =	vor.u32 v51, v42;
	_ =	sdelay $0x3  }
0x11e: {  	[tilespmem:v60+s15+$0x0] =	vst.idx.msk $0xffff, v49  }
0x11f: {  	v62 =	vor.u32 v26, v48;
	v49 =	vld.idx.msk [tilespmem:v61+s11+$0x0], $0xffff  }
0x120: {  	v63 =	vor.u32 v51, v43;
	_ =	sdelay $0x3  }
0x121: {  	[tilespmem:v62+s15+$0x0] =	vst.idx.msk $0xffff, v49  }
0x122: {  	v56 =	vor.u32 v27, v48;
	v49 =	vld.idx.msk [tilespmem:v63+s11+$0x0], $0xffff  }
0x123: {  	v57 =	vor.u32 v51, v44;
	_ =	sdelay $0x3  }
0x124: {  	[tilespmem:v56+s15+$0x0] =	vst.idx.msk $0xffff, v49  }
0x125: {  	v58 =	vor.u32 v28, v48;
	v49 =	vld.idx.msk [tilespmem:v57+s11+$0x0], $0xffff  }
0x126: {  	v59 =	vor.u32 v51, v45;
	_ =	sdelay $0x3  }
0x127: {  	[tilespmem:v58+s15+$0x0] =	vst.idx.msk $0xffff, v49  }
0x128: {  	v60 =	vor.u32 v29, v48;
	v49 =	vld.idx.msk [tilespmem:v59+s11+$0x0], $0xffff  }
0x129: {  	v61 =	vor.u32 v51, v46;
	_ =	sdelay $0x3  }
0x12a: {  	[tilespmem:v60+s15+$0x0] =	vst.idx.msk $0xffff, v49  }
0x12b: {  	v62 =	vor.u32 v30, v48;
	v49 =	vld.idx.msk [tilespmem:v61+s11+$0x0], $0xffff  }
0x12c: {  	v63 =	vor.u32 v51, v47;
	_ =	sdelay $0x3  }
0x12d: {  	s26 =	simm.s32 $0x4;
	[tilespmem:v62+s15+$0x0] =	vst.idx.msk $0xffff, v49  }
0x12e: {  	s28 =	simm.s32 $0x8;
	s25 =	sshll.u32 s23, $0x1;
	v51 =	vadd.s32 s26, v0;
	v50 =	vld.idx.msk [tilespmem:v63+s11+$0x0], $0xffff  }
.LBB2_3:
0x12f: {  	p1 =	sne.s32 s28, $0x3C;
	v49 =	vand.u32 $0x3F, v51;
	v48 =	vor.u32 v31, v48  }
0x130: {  	v52 =	vor.u32 v49, v32;
	_ =	sdelay $0x2  }
0x131: {  	v53 =	vshll.u32 v51, $0x8;
	v51 =	vshll.u32 v51, $0x7  }
0x132: {  	v53 =	vand.u32 $0x3800, v53;
	v51 =	vand.u32 $0x380, v51;
	[tilespmem:v48+s15+$0x0] =	vst.idx.msk $0xffff, v50  }
0x133: {  	v48 =	vor.u32 v51, v53;
	v50 =	vld.idx.msk [tilespmem:v52+s11+$0x0], $0xffff  }
0x134: {  	v51 =	vor.u32 v0, v48  }
0x135: {  	v52 =	vor.u32 v49, v33;
	_ =	sdelay $0x3  }
0x136: {  	[tilespmem:v51+s15+$0x0] =	vst.idx.msk $0xffff, v50  }
0x137: {  	v50 =	vld.idx.msk [tilespmem:v52+s11+$0x0], $0xffff  }
0x138: {  	v51 =	vor.u32 v17, v48  }
0x139: {  	v52 =	vor.u32 v49, v34;
	_ =	sdelay $0x3  }
0x13a: {  	[tilespmem:v51+s15+$0x0] =	vst.idx.msk $0xffff, v50  }
0x13b: {  	v50 =	vld.idx.msk [tilespmem:v52+s11+$0x0], $0xffff  }
0x13c: {  	v51 =	vor.u32 v18, v48  }
0x13d: {  	v52 =	vor.u32 v49, v35;
	_ =	sdelay $0x3  }
0x13e: {  	[tilespmem:v51+s15+$0x0] =	vst.idx.msk $0xffff, v50  }
0x13f: {  	v50 =	vld.idx.msk [tilespmem:v52+s11+$0x0], $0xffff  }
0x140: {  	v51 =	vor.u32 v19, v48  }
0x141: {  	v52 =	vor.u32 v49, v36;
	_ =	sdelay $0x3  }
0x142: {  	[tilespmem:v51+s15+$0x0] =	vst.idx.msk $0xffff, v50  }
0x143: {  	v50 =	vld.idx.msk [tilespmem:v52+s11+$0x0], $0xffff  }
0x144: {  	v51 =	vor.u32 v20, v48  }
0x145: {  	v52 =	vor.u32 v49, v37;
	_ =	sdelay $0x3  }
0x146: {  	[tilespmem:v51+s15+$0x0] =	vst.idx.msk $0xffff, v50  }
0x147: {  	v50 =	vld.idx.msk [tilespmem:v52+s11+$0x0], $0xffff  }
0x148: {  	v51 =	vor.u32 v21, v48  }
0x149: {  	v52 =	vor.u32 v49, v38;
	_ =	sdelay $0x3  }
0x14a: {  	[tilespmem:v51+s15+$0x0] =	vst.idx.msk $0xffff, v50  }
0x14b: {  	v50 =	vld.idx.msk [tilespmem:v52+s11+$0x0], $0xffff  }
0x14c: {  	v51 =	vor.u32 v22, v48  }
0x14d: {  	v52 =	vor.u32 v49, v39;
	_ =	sdelay $0x3  }
0x14e: {  	[tilespmem:v51+s15+$0x0] =	vst.idx.msk $0xffff, v50  }
0x14f: {  	v50 =	vld.idx.msk [tilespmem:v52+s11+$0x0], $0xffff  }
0x150: {  	v51 =	vor.u32 v23, v48  }
0x151: {  	v52 =	vor.u32 v49, v40;
	_ =	sdelay $0x3  }
0x152: {  	[tilespmem:v51+s15+$0x0] =	vst.idx.msk $0xffff, v50  }
0x153: {  	v50 =	vld.idx.msk [tilespmem:v52+s11+$0x0], $0xffff  }
0x154: {  	v51 =	vor.u32 v24, v48  }
0x155: {  	v52 =	vor.u32 v49, v41;
	_ =	sdelay $0x3  }
0x156: {  	[tilespmem:v51+s15+$0x0] =	vst.idx.msk $0xffff, v50  }
0x157: {  	v50 =	vld.idx.msk [tilespmem:v52+s11+$0x0], $0xffff  }
0x158: {  	v51 =	vor.u32 v25, v48  }
0x159: {  	v52 =	vor.u32 v49, v42;
	_ =	sdelay $0x3  }
0x15a: {  	[tilespmem:v51+s15+$0x0] =	vst.idx.msk $0xffff, v50  }
0x15b: {  	v50 =	vld.idx.msk [tilespmem:v52+s11+$0x0], $0xffff  }
0x15c: {  	v51 =	vor.u32 v26, v48  }
0x15d: {  	v52 =	vor.u32 v49, v43;
	_ =	sdelay $0x3  }
0x15e: {  	[tilespmem:v51+s15+$0x0] =	vst.idx.msk $0xffff, v50  }
0x15f: {  	v50 =	vld.idx.msk [tilespmem:v52+s11+$0x0], $0xffff  }
0x160: {  	v51 =	vor.u32 v27, v48  }
0x161: {  	v52 =	vor.u32 v49, v44;
	_ =	sdelay $0x3  }
0x162: {  	[tilespmem:v51+s15+$0x0] =	vst.idx.msk $0xffff, v50  }
0x163: {  	v50 =	vld.idx.msk [tilespmem:v52+s11+$0x0], $0xffff  }
0x164: {  	v51 =	vor.u32 v28, v48  }
0x165: {  	v52 =	vor.u32 v49, v45;
	_ =	sdelay $0x3  }
0x166: {  	[tilespmem:v51+s15+$0x0] =	vst.idx.msk $0xffff, v50  }
0x167: {  	v50 =	vld.idx.msk [tilespmem:v52+s11+$0x0], $0xffff  }
0x168: {  	v51 =	vor.u32 v29, v48  }
0x169: {  	v52 =	vor.u32 v49, v46;
	_ =	sdelay $0x3  }
0x16a: {  	[tilespmem:v51+s15+$0x0] =	vst.idx.msk $0xffff, v50  }
0x16b: {  	v50 =	vld.idx.msk [tilespmem:v52+s11+$0x0], $0xffff  }
0x16c: {  	v51 =	vor.u32 v30, v48  }
0x16d: {  	v49 =	vor.u32 v49, v47;
	_ =	sdelay $0x3  }
0x16e: {  	s29 =	sadd.s32 $0x1, s26;
	[tilespmem:v51+s15+$0x0] =	vst.idx.msk $0xffff, v50  }
0x16f: {  	v50 =	vadd.s32 s29, v0;
	v49 =	vld.idx.msk [tilespmem:v49+s11+$0x0], $0xffff  }
0x170: {  	v51 =	vor.u32 v31, v48;
	v48 =	vand.u32 $0x3F, v50  }
0x171: {  	v52 =	vor.u32 v48, v32;
	_ =	sdelay $0x2  }
0x172: {  	v53 =	vshll.u32 v50, $0x8;
	v50 =	vshll.u32 v50, $0x7  }
0x173: {  	v50 =	vand.u32 $0x380, v50;
	[tilespmem:v51+s15+$0x0] =	vst.idx.msk $0xffff, v49;
	v49 =	vand.u32 $0x3800, v53  }
0x174: {  	v51 =	vld.idx.msk [tilespmem:v52+s11+$0x0], $0xffff;
	v49 =	vor.u32 v50, v49  }
0x175: {  	v50 =	vor.u32 v0, v49  }
0x176: {  	v52 =	vor.u32 v48, v33;
	_ =	sdelay $0x3  }
0x177: {  	[tilespmem:v50+s15+$0x0] =	vst.idx.msk $0xffff, v51  }
0x178: {  	v50 =	vld.idx.msk [tilespmem:v52+s11+$0x0], $0xffff  }
0x179: {  	v51 =	vor.u32 v17, v49  }
0x17a: {  	v52 =	vor.u32 v48, v34;
	_ =	sdelay $0x3  }
0x17b: {  	[tilespmem:v51+s15+$0x0] =	vst.idx.msk $0xffff, v50  }
0x17c: {  	v50 =	vld.idx.msk [tilespmem:v52+s11+$0x0], $0xffff  }
0x17d: {  	v51 =	vor.u32 v18, v49  }
0x17e: {  	v52 =	vor.u32 v48, v35;
	_ =	sdelay $0x3  }
0x17f: {  	[tilespmem:v51+s15+$0x0] =	vst.idx.msk $0xffff, v50  }
0x180: {  	v50 =	vld.idx.msk [tilespmem:v52+s11+$0x0], $0xffff  }
0x181: {  	v51 =	vor.u32 v19, v49  }
0x182: {  	v52 =	vor.u32 v48, v36;
	_ =	sdelay $0x3  }
0x183: {  	[tilespmem:v51+s15+$0x0] =	vst.idx.msk $0xffff, v50  }
0x184: {  	v50 =	vld.idx.msk [tilespmem:v52+s11+$0x0], $0xffff  }
0x185: {  	v51 =	vor.u32 v20, v49  }
0x186: {  	v52 =	vor.u32 v48, v37;
	_ =	sdelay $0x3  }
0x187: {  	[tilespmem:v51+s15+$0x0] =	vst.idx.msk $0xffff, v50  }
0x188: {  	v50 =	vld.idx.msk [tilespmem:v52+s11+$0x0], $0xffff  }
0x189: {  	v51 =	vor.u32 v21, v49  }
0x18a: {  	v52 =	vor.u32 v48, v38;
	_ =	sdelay $0x3  }
0x18b: {  	[tilespmem:v51+s15+$0x0] =	vst.idx.msk $0xffff, v50  }
0x18c: {  	v50 =	vld.idx.msk [tilespmem:v52+s11+$0x0], $0xffff  }
0x18d: {  	v51 =	vor.u32 v22, v49  }
0x18e: {  	v52 =	vor.u32 v48, v39;
	_ =	sdelay $0x3  }
0x18f: {  	[tilespmem:v51+s15+$0x0] =	vst.idx.msk $0xffff, v50  }
0x190: {  	v50 =	vld.idx.msk [tilespmem:v52+s11+$0x0], $0xffff  }
0x191: {  	v51 =	vor.u32 v23, v49  }
0x192: {  	v52 =	vor.u32 v48, v40;
	_ =	sdelay $0x3  }
0x193: {  	[tilespmem:v51+s15+$0x0] =	vst.idx.msk $0xffff, v50  }
0x194: {  	v50 =	vld.idx.msk [tilespmem:v52+s11+$0x0], $0xffff  }
0x195: {  	v51 =	vor.u32 v24, v49  }
0x196: {  	v52 =	vor.u32 v48, v41;
	_ =	sdelay $0x3  }
0x197: {  	[tilespmem:v51+s15+$0x0] =	vst.idx.msk $0xffff, v50  }
0x198: {  	v50 =	vld.idx.msk [tilespmem:v52+s11+$0x0], $0xffff  }
0x199: {  	v51 =	vor.u32 v25, v49  }
0x19a: {  	v52 =	vor.u32 v48, v42;
	_ =	sdelay $0x3  }
0x19b: {  	[tilespmem:v51+s15+$0x0] =	vst.idx.msk $0xffff, v50  }
0x19c: {  	v50 =	vld.idx.msk [tilespmem:v52+s11+$0x0], $0xffff  }
0x19d: {  	v51 =	vor.u32 v26, v49  }
0x19e: {  	v52 =	vor.u32 v48, v43;
	_ =	sdelay $0x3  }
0x19f: {  	[tilespmem:v51+s15+$0x0] =	vst.idx.msk $0xffff, v50  }
0x1a0: {  	v50 =	vld.idx.msk [tilespmem:v52+s11+$0x0], $0xffff  }
0x1a1: {  	v51 =	vor.u32 v27, v49  }
0x1a2: {  	v52 =	vor.u32 v48, v44;
	_ =	sdelay $0x3  }
0x1a3: {  	[tilespmem:v51+s15+$0x0] =	vst.idx.msk $0xffff, v50  }
0x1a4: {  	v50 =	vld.idx.msk [tilespmem:v52+s11+$0x0], $0xffff  }
0x1a5: {  	v51 =	vor.u32 v28, v49  }
0x1a6: {  	v52 =	vor.u32 v48, v45;
	_ =	sdelay $0x3  }
0x1a7: {  	[tilespmem:v51+s15+$0x0] =	vst.idx.msk $0xffff, v50  }
0x1a8: {  	v50 =	vld.idx.msk [tilespmem:v52+s11+$0x0], $0xffff  }
0x1a9: {  	v51 =	vor.u32 v29, v49  }
0x1aa: {  	v52 =	vor.u32 v48, v46;
	_ =	sdelay $0x3  }
0x1ab: {  	[tilespmem:v51+s15+$0x0] =	vst.idx.msk $0xffff, v50  }
0x1ac: {  	v50 =	vld.idx.msk [tilespmem:v52+s11+$0x0], $0xffff  }
0x1ad: {  	v51 =	vor.u32 v30, v49  }
0x1ae: {  	v48 =	vor.u32 v48, v47;
	_ =	sdelay $0x3  }
0x1af: {  	s29 =	sadd.s32 $0x2, s26;
	[tilespmem:v51+s15+$0x0] =	vst.idx.msk $0xffff, v50  }
0x1b0: {  	v51 =	vadd.s32 s29, v0;
	v50 =	vld.idx.msk [tilespmem:v48+s11+$0x0], $0xffff  }
0x1b1: {  	v49 =	vor.u32 v31, v49;
	v48 =	vand.u32 $0x3F, v51  }
0x1b2: {  	v52 =	vor.u32 v48, v32;
	_ =	sdelay $0x2  }
0x1b3: {  	v53 =	vshll.u32 v51, $0x8;
	v51 =	vshll.u32 v51, $0x7  }
0x1b4: {  	[tilespmem:v49+s15+$0x0] =	vst.idx.msk $0xffff, v50;
	v49 =	vand.u32 $0x3800, v53;
	v50 =	vand.u32 $0x380, v51  }
0x1b5: {  	v51 =	vld.idx.msk [tilespmem:v52+s11+$0x0], $0xffff;
	v49 =	vor.u32 v50, v49  }
0x1b6: {  	v50 =	vor.u32 v0, v49  }
0x1b7: {  	v52 =	vor.u32 v48, v33;
	_ =	sdelay $0x3  }
0x1b8: {  	[tilespmem:v50+s15+$0x0] =	vst.idx.msk $0xffff, v51  }
0x1b9: {  	v50 =	vld.idx.msk [tilespmem:v52+s11+$0x0], $0xffff  }
0x1ba: {  	v51 =	vor.u32 v17, v49  }
0x1bb: {  	v52 =	vor.u32 v48, v34;
	_ =	sdelay $0x3  }
0x1bc: {  	[tilespmem:v51+s15+$0x0] =	vst.idx.msk $0xffff, v50  }
0x1bd: {  	v50 =	vld.idx.msk [tilespmem:v52+s11+$0x0], $0xffff  }
0x1be: {  	v51 =	vor.u32 v18, v49  }
0x1bf: {  	v52 =	vor.u32 v48, v35;
	_ =	sdelay $0x3  }
0x1c0: {  	[tilespmem:v51+s15+$0x0] =	vst.idx.msk $0xffff, v50  }
0x1c1: {  	v50 =	vld.idx.msk [tilespmem:v52+s11+$0x0], $0xffff  }
0x1c2: {  	v51 =	vor.u32 v19, v49  }
0x1c3: {  	v52 =	vor.u32 v48, v36;
	_ =	sdelay $0x3  }
0x1c4: {  	[tilespmem:v51+s15+$0x0] =	vst.idx.msk $0xffff, v50  }
0x1c5: {  	v50 =	vld.idx.msk [tilespmem:v52+s11+$0x0], $0xffff  }
0x1c6: {  	v51 =	vor.u32 v20, v49  }
0x1c7: {  	v52 =	vor.u32 v48, v37;
	_ =	sdelay $0x3  }
0x1c8: {  	[tilespmem:v51+s15+$0x0] =	vst.idx.msk $0xffff, v50  }
0x1c9: {  	v50 =	vld.idx.msk [tilespmem:v52+s11+$0x0], $0xffff  }
0x1ca: {  	v51 =	vor.u32 v21, v49  }
0x1cb: {  	v52 =	vor.u32 v48, v38;
	_ =	sdelay $0x3  }
0x1cc: {  	[tilespmem:v51+s15+$0x0] =	vst.idx.msk $0xffff, v50  }
0x1cd: {  	v50 =	vld.idx.msk [tilespmem:v52+s11+$0x0], $0xffff  }
0x1ce: {  	v51 =	vor.u32 v22, v49  }
0x1cf: {  	v52 =	vor.u32 v48, v39;
	_ =	sdelay $0x3  }
0x1d0: {  	[tilespmem:v51+s15+$0x0] =	vst.idx.msk $0xffff, v50  }
0x1d1: {  	v50 =	vld.idx.msk [tilespmem:v52+s11+$0x0], $0xffff  }
0x1d2: {  	v51 =	vor.u32 v23, v49  }
0x1d3: {  	v52 =	vor.u32 v48, v40;
	_ =	sdelay $0x3  }
0x1d4: {  	[tilespmem:v51+s15+$0x0] =	vst.idx.msk $0xffff, v50  }
0x1d5: {  	v50 =	vld.idx.msk [tilespmem:v52+s11+$0x0], $0xffff  }
0x1d6: {  	v51 =	vor.u32 v24, v49  }
0x1d7: {  	v52 =	vor.u32 v48, v41;
	_ =	sdelay $0x3  }
0x1d8: {  	[tilespmem:v51+s15+$0x0] =	vst.idx.msk $0xffff, v50  }
0x1d9: {  	v50 =	vld.idx.msk [tilespmem:v52+s11+$0x0], $0xffff  }
0x1da: {  	v51 =	vor.u32 v25, v49  }
0x1db: {  	v52 =	vor.u32 v48, v42;
	_ =	sdelay $0x3  }
0x1dc: {  	[tilespmem:v51+s15+$0x0] =	vst.idx.msk $0xffff, v50  }
0x1dd: {  	v50 =	vld.idx.msk [tilespmem:v52+s11+$0x0], $0xffff  }
0x1de: {  	v51 =	vor.u32 v26, v49  }
0x1df: {  	v52 =	vor.u32 v48, v43;
	_ =	sdelay $0x3  }
0x1e0: {  	[tilespmem:v51+s15+$0x0] =	vst.idx.msk $0xffff, v50  }
0x1e1: {  	v50 =	vld.idx.msk [tilespmem:v52+s11+$0x0], $0xffff  }
0x1e2: {  	v51 =	vor.u32 v27, v49  }
0x1e3: {  	v52 =	vor.u32 v48, v44;
	_ =	sdelay $0x3  }
0x1e4: {  	[tilespmem:v51+s15+$0x0] =	vst.idx.msk $0xffff, v50  }
0x1e5: {  	v50 =	vld.idx.msk [tilespmem:v52+s11+$0x0], $0xffff  }
0x1e6: {  	v51 =	vor.u32 v28, v49  }
0x1e7: {  	v52 =	vor.u32 v48, v45;
	_ =	sdelay $0x3  }
0x1e8: {  	[tilespmem:v51+s15+$0x0] =	vst.idx.msk $0xffff, v50  }
0x1e9: {  	v50 =	vld.idx.msk [tilespmem:v52+s11+$0x0], $0xffff  }
0x1ea: {  	v51 =	vor.u32 v29, v49  }
0x1eb: {  	v52 =	vor.u32 v48, v46;
	_ =	sdelay $0x3  }
0x1ec: {  	[tilespmem:v51+s15+$0x0] =	vst.idx.msk $0xffff, v50  }
0x1ed: {  	v50 =	vld.idx.msk [tilespmem:v52+s11+$0x0], $0xffff  }
0x1ee: {  	v51 =	vor.u32 v30, v49  }
0x1ef: {  	v48 =	vor.u32 v48, v47;
	_ =	sdelay $0x3  }
0x1f0: {  	s29 =	sadd.s32 $0x3, s26;
	s26 =	smov.u32 s28;
	[tilespmem:v51+s15+$0x0] =	vst.idx.msk $0xffff, v50  }
0x1f1: {  	v50 =	vadd.s32 s29, v0;
	v48 =	vld.idx.msk [tilespmem:v48+s11+$0x0], $0xffff  }
0x1f2: {  	v51 =	vor.u32 v31, v49;
	v49 =	vand.u32 $0x3F, v50  }
0x1f3: {  	v52 =	vor.u32 v49, v32;
	_ =	sdelay $0x2  }
0x1f4: {  	v53 =	vshll.u32 v50, $0x8;
	v50 =	vshll.u32 v50, $0x7  }
0x1f5: {  	v50 =	vand.u32 $0x380, v50;
	[tilespmem:v51+s15+$0x0] =	vst.idx.msk $0xffff, v48;
	v48 =	vand.u32 $0x3800, v53  }
0x1f6: {  	v51 =	vld.idx.msk [tilespmem:v52+s11+$0x0], $0xffff;
	v48 =	vor.u32 v50, v48  }
0x1f7: {  	v50 =	vor.u32 v0, v48  }
0x1f8: {  	v52 =	vor.u32 v49, v33;
	_ =	sdelay $0x3  }
0x1f9: {  	[tilespmem:v50+s15+$0x0] =	vst.idx.msk $0xffff, v51  }
0x1fa: {  	v50 =	vld.idx.msk [tilespmem:v52+s11+$0x0], $0xffff  }
0x1fb: {  	v51 =	vor.u32 v17, v48  }
0x1fc: {  	v52 =	vor.u32 v49, v34;
	_ =	sdelay $0x3  }
0x1fd: {  	[tilespmem:v51+s15+$0x0] =	vst.idx.msk $0xffff, v50  }
0x1fe: {  	v50 =	vld.idx.msk [tilespmem:v52+s11+$0x0], $0xffff  }
0x1ff: {  	v51 =	vor.u32 v18, v48  }
0x200: {  	v52 =	vor.u32 v49, v35;
	_ =	sdelay $0x3  }
0x201: {  	[tilespmem:v51+s15+$0x0] =	vst.idx.msk $0xffff, v50  }
0x202: {  	v50 =	vld.idx.msk [tilespmem:v52+s11+$0x0], $0xffff  }
0x203: {  	v51 =	vor.u32 v19, v48  }
0x204: {  	v52 =	vor.u32 v49, v36;
	_ =	sdelay $0x3  }
0x205: {  	[tilespmem:v51+s15+$0x0] =	vst.idx.msk $0xffff, v50  }
0x206: {  	v50 =	vld.idx.msk [tilespmem:v52+s11+$0x0], $0xffff  }
0x207: {  	v51 =	vor.u32 v20, v48  }
0x208: {  	v52 =	vor.u32 v49, v37;
	_ =	sdelay $0x3  }
0x209: {  	[tilespmem:v51+s15+$0x0] =	vst.idx.msk $0xffff, v50  }
0x20a: {  	v50 =	vld.idx.msk [tilespmem:v52+s11+$0x0], $0xffff  }
0x20b: {  	v51 =	vor.u32 v21, v48  }
0x20c: {  	v52 =	vor.u32 v49, v38;
	_ =	sdelay $0x3  }
0x20d: {  	[tilespmem:v51+s15+$0x0] =	vst.idx.msk $0xffff, v50  }
0x20e: {  	v50 =	vld.idx.msk [tilespmem:v52+s11+$0x0], $0xffff  }
0x20f: {  	v51 =	vor.u32 v22, v48  }
0x210: {  	v52 =	vor.u32 v49, v39;
	_ =	sdelay $0x3  }
0x211: {  	[tilespmem:v51+s15+$0x0] =	vst.idx.msk $0xffff, v50  }
0x212: {  	v50 =	vld.idx.msk [tilespmem:v52+s11+$0x0], $0xffff  }
0x213: {  	v51 =	vor.u32 v23, v48  }
0x214: {  	v52 =	vor.u32 v49, v40;
	_ =	sdelay $0x3  }
0x215: {  	[tilespmem:v51+s15+$0x0] =	vst.idx.msk $0xffff, v50  }
0x216: {  	v50 =	vld.idx.msk [tilespmem:v52+s11+$0x0], $0xffff  }
0x217: {  	v51 =	vor.u32 v24, v48  }
0x218: {  	v52 =	vor.u32 v49, v41;
	_ =	sdelay $0x3  }
0x219: {  	[tilespmem:v51+s15+$0x0] =	vst.idx.msk $0xffff, v50  }
0x21a: {  	v50 =	vld.idx.msk [tilespmem:v52+s11+$0x0], $0xffff  }
0x21b: {  	v51 =	vor.u32 v25, v48  }
0x21c: {  	v52 =	vor.u32 v49, v42;
	_ =	sdelay $0x3  }
0x21d: {  	[tilespmem:v51+s15+$0x0] =	vst.idx.msk $0xffff, v50  }
0x21e: {  	v50 =	vld.idx.msk [tilespmem:v52+s11+$0x0], $0xffff  }
0x21f: {  	v51 =	vor.u32 v26, v48  }
0x220: {  	v52 =	vor.u32 v49, v43;
	_ =	sdelay $0x3  }
0x221: {  	[tilespmem:v51+s15+$0x0] =	vst.idx.msk $0xffff, v50  }
0x222: {  	v50 =	vld.idx.msk [tilespmem:v52+s11+$0x0], $0xffff  }
0x223: {  	v51 =	vor.u32 v27, v48  }
0x224: {  	v52 =	vor.u32 v49, v44;
	_ =	sdelay $0x3  }
0x225: {  	[tilespmem:v51+s15+$0x0] =	vst.idx.msk $0xffff, v50  }
0x226: {  	v50 =	vld.idx.msk [tilespmem:v52+s11+$0x0], $0xffff  }
0x227: {  	v51 =	vor.u32 v28, v48  }
0x228: {  	v52 =	vor.u32 v49, v45;
	_ =	sdelay $0x3  }
0x229: {  	[tilespmem:v51+s15+$0x0] =	vst.idx.msk $0xffff, v50  }
0x22a: {  	v50 =	vld.idx.msk [tilespmem:v52+s11+$0x0], $0xffff  }
0x22b: {  	v51 =	vor.u32 v29, v48  }
0x22c: {  	v52 =	vor.u32 v49, v46;
	_ =	sdelay $0x3  }
0x22d: {  	[tilespmem:v51+s15+$0x0] =	vst.idx.msk $0xffff, v50  }
0x22e: {  	v50 =	vld.idx.msk [tilespmem:v52+s11+$0x0], $0xffff  }
0x22f: {  	v51 =	vor.u32 v30, v48  }
0x230: {  	v49 =	vor.u32 v49, v47  }
.Ltmp2:
0x231: {  	(pc) =	sbr.rel @p1 .LBB2_3-.Ltmp2, $3  }
0x232: {  	_ =	sdelay $0x1  }
0x233: {  	[tilespmem:v51+s15+$0x0] =	vst.idx.msk $0xffff, v50  }
0x234: {  	s28 =	sadd.s32 $0x4, s28;
	v51 =	vadd.s32 s26, v0;
	v50 =	vld.idx.msk [tilespmem:v49+s11+$0x0], $0xffff  }
0x235: {  	v49 =	vand.u32 $0x3F, v51;
	v48 =	vor.u32 v31, v48  }
0x236: {  	v52 =	vor.u32 v49, v32;
	_ =	sdelay $0x1  }
0x237: {  	v53 =	vshll.u32 v51, $0x8;
	v63 =	vshll.u32 v51, $0x7  }
0x238: {  	v53 =	vand.u32 $0x3800, v53;
	v51 =	vand.u32 $0x380, v63  }
0x239: {  	[tilespmem:v48+s15+$0x0] =	vst.idx.msk $0xffff, v50;
	v48 =	vor.u32 v51, v53  }
0x23a: {  	v50 =	vld.idx.msk [tilespmem:v52+s11+$0x0], $0xffff;
	v51 =	vor.u32 v0, v48  }
0x23b: {  	v56 =	vor.u32 v49, v33;
	_ =	sdelay $0x3  }
0x23c: {  	[tilespmem:v51+s15+$0x0] =	vst.idx.msk $0xffff, v50  }
0x23d: {  	v57 =	vor.u32 v17, v48;
	v50 =	vld.idx.msk [tilespmem:v56+s11+$0x0], $0xffff  }
0x23e: {  	v58 =	vor.u32 v49, v34;
	_ =	sdelay $0x3  }
0x23f: {  	[tilespmem:v57+s15+$0x0] =	vst.idx.msk $0xffff, v50  }
0x240: {  	v59 =	vor.u32 v18, v48;
	v50 =	vld.idx.msk [tilespmem:v58+s11+$0x0], $0xffff  }
0x241: {  	v60 =	vor.u32 v49, v35;
	_ =	sdelay $0x3  }
0x242: {  	[tilespmem:v59+s15+$0x0] =	vst.idx.msk $0xffff, v50  }
0x243: {  	v61 =	vor.u32 v19, v48;
	v50 =	vld.idx.msk [tilespmem:v60+s11+$0x0], $0xffff  }
0x244: {  	v62 =	vor.u32 v49, v36;
	_ =	sdelay $0x3  }
0x245: {  	[tilespmem:v61+s15+$0x0] =	vst.idx.msk $0xffff, v50  }
0x246: {  	v63 =	vor.u32 v20, v48;
	v50 =	vld.idx.msk [tilespmem:v62+s11+$0x0], $0xffff  }
0x247: {  	v56 =	vor.u32 v49, v37;
	_ =	sdelay $0x3  }
0x248: {  	[tilespmem:v63+s15+$0x0] =	vst.idx.msk $0xffff, v50  }
0x249: {  	v57 =	vor.u32 v21, v48;
	v50 =	vld.idx.msk [tilespmem:v56+s11+$0x0], $0xffff  }
0x24a: {  	v58 =	vor.u32 v49, v38;
	_ =	sdelay $0x3  }
0x24b: {  	[tilespmem:v57+s15+$0x0] =	vst.idx.msk $0xffff, v50  }
0x24c: {  	v59 =	vor.u32 v22, v48;
	v50 =	vld.idx.msk [tilespmem:v58+s11+$0x0], $0xffff  }
0x24d: {  	v60 =	vor.u32 v49, v39;
	_ =	sdelay $0x3  }
0x24e: {  	[tilespmem:v59+s15+$0x0] =	vst.idx.msk $0xffff, v50  }
0x24f: {  	v61 =	vor.u32 v23, v48;
	v50 =	vld.idx.msk [tilespmem:v60+s11+$0x0], $0xffff  }
0x250: {  	v62 =	vor.u32 v49, v40;
	_ =	sdelay $0x3  }
0x251: {  	[tilespmem:v61+s15+$0x0] =	vst.idx.msk $0xffff, v50  }
0x252: {  	v63 =	vor.u32 v24, v48;
	v50 =	vld.idx.msk [tilespmem:v62+s11+$0x0], $0xffff  }
0x253: {  	v56 =	vor.u32 v49, v41;
	_ =	sdelay $0x3  }
0x254: {  	[tilespmem:v63+s15+$0x0] =	vst.idx.msk $0xffff, v50  }
0x255: {  	v57 =	vor.u32 v25, v48;
	v50 =	vld.idx.msk [tilespmem:v56+s11+$0x0], $0xffff  }
0x256: {  	v58 =	vor.u32 v49, v42;
	_ =	sdelay $0x3  }
0x257: {  	[tilespmem:v57+s15+$0x0] =	vst.idx.msk $0xffff, v50  }
0x258: {  	v59 =	vor.u32 v26, v48;
	v50 =	vld.idx.msk [tilespmem:v58+s11+$0x0], $0xffff  }
0x259: {  	v60 =	vor.u32 v49, v43;
	_ =	sdelay $0x3  }
0x25a: {  	[tilespmem:v59+s15+$0x0] =	vst.idx.msk $0xffff, v50  }
0x25b: {  	v61 =	vor.u32 v27, v48;
	v50 =	vld.idx.msk [tilespmem:v60+s11+$0x0], $0xffff  }
0x25c: {  	v62 =	vor.u32 v49, v44;
	_ =	sdelay $0x3  }
0x25d: {  	[tilespmem:v61+s15+$0x0] =	vst.idx.msk $0xffff, v50  }
0x25e: {  	v63 =	vor.u32 v28, v48;
	v50 =	vld.idx.msk [tilespmem:v62+s11+$0x0], $0xffff  }
0x25f: {  	v56 =	vor.u32 v49, v45;
	_ =	sdelay $0x3  }
0x260: {  	[tilespmem:v63+s15+$0x0] =	vst.idx.msk $0xffff, v50  }
0x261: {  	v57 =	vor.u32 v29, v48;
	v50 =	vld.idx.msk [tilespmem:v56+s11+$0x0], $0xffff  }
0x262: {  	v58 =	vor.u32 v49, v46;
	_ =	sdelay $0x3  }
0x263: {  	[tilespmem:v57+s15+$0x0] =	vst.idx.msk $0xffff, v50  }
0x264: {  	v59 =	vor.u32 v30, v48;
	v50 =	vld.idx.msk [tilespmem:v58+s11+$0x0], $0xffff  }
0x265: {  	v49 =	vor.u32 v49, v47;
	_ =	sdelay $0x2  }
0x266: {  	s28 =	sadd.s32 $0x1, s26  }
0x267: {  	v60 =	vadd.s32 s28, v0;
	[tilespmem:v59+s15+$0x0] =	vst.idx.msk $0xffff, v50  }
0x268: {  	v48 =	vor.u32 v31, v48;
	v51 =	vand.u32 $0x3F, v60;
	v49 =	vld.idx.msk [tilespmem:v49+s11+$0x0], $0xffff  }
0x269: {  	v61 =	vor.u32 v51, v32;
	_ =	sdelay $0x1  }
0x26a: {  	v62 =	vshll.u32 v60, $0x8;
	v50 =	vshll.u32 v60, $0x7  }
0x26b: {  	v53 =	vand.u32 $0x3800, v62;
	v50 =	vand.u32 $0x380, v50  }
0x26c: {  	[tilespmem:v48+s15+$0x0] =	vst.idx.msk $0xffff, v49;
	v48 =	vor.u32 v50, v53  }
0x26d: {  	v49 =	vld.idx.msk [tilespmem:v61+s11+$0x0], $0xffff;
	v50 =	vor.u32 v0, v48  }
0x26e: {  	v63 =	vor.u32 v51, v33;
	_ =	sdelay $0x3  }
0x26f: {  	[tilespmem:v50+s15+$0x0] =	vst.idx.msk $0xffff, v49  }
0x270: {  	v56 =	vor.u32 v17, v48;
	v49 =	vld.idx.msk [tilespmem:v63+s11+$0x0], $0xffff  }
0x271: {  	v57 =	vor.u32 v51, v34;
	_ =	sdelay $0x3  }
0x272: {  	[tilespmem:v56+s15+$0x0] =	vst.idx.msk $0xffff, v49  }
0x273: {  	v58 =	vor.u32 v18, v48;
	v49 =	vld.idx.msk [tilespmem:v57+s11+$0x0], $0xffff  }
0x274: {  	v59 =	vor.u32 v51, v35;
	_ =	sdelay $0x3  }
0x275: {  	[tilespmem:v58+s15+$0x0] =	vst.idx.msk $0xffff, v49  }
0x276: {  	v60 =	vor.u32 v19, v48;
	v49 =	vld.idx.msk [tilespmem:v59+s11+$0x0], $0xffff  }
0x277: {  	v61 =	vor.u32 v51, v36;
	_ =	sdelay $0x3  }
0x278: {  	[tilespmem:v60+s15+$0x0] =	vst.idx.msk $0xffff, v49  }
0x279: {  	v62 =	vor.u32 v20, v48;
	v49 =	vld.idx.msk [tilespmem:v61+s11+$0x0], $0xffff  }
0x27a: {  	v63 =	vor.u32 v51, v37;
	_ =	sdelay $0x3  }
0x27b: {  	[tilespmem:v62+s15+$0x0] =	vst.idx.msk $0xffff, v49  }
0x27c: {  	v56 =	vor.u32 v21, v48;
	v49 =	vld.idx.msk [tilespmem:v63+s11+$0x0], $0xffff  }
0x27d: {  	v57 =	vor.u32 v51, v38;
	_ =	sdelay $0x3  }
0x27e: {  	[tilespmem:v56+s15+$0x0] =	vst.idx.msk $0xffff, v49  }
0x27f: {  	v58 =	vor.u32 v22, v48;
	v49 =	vld.idx.msk [tilespmem:v57+s11+$0x0], $0xffff  }
0x280: {  	v59 =	vor.u32 v51, v39;
	_ =	sdelay $0x3  }
0x281: {  	[tilespmem:v58+s15+$0x0] =	vst.idx.msk $0xffff, v49  }
0x282: {  	v60 =	vor.u32 v23, v48;
	v49 =	vld.idx.msk [tilespmem:v59+s11+$0x0], $0xffff  }
0x283: {  	v61 =	vor.u32 v51, v40;
	_ =	sdelay $0x3  }
0x284: {  	[tilespmem:v60+s15+$0x0] =	vst.idx.msk $0xffff, v49  }
0x285: {  	v62 =	vor.u32 v24, v48;
	v49 =	vld.idx.msk [tilespmem:v61+s11+$0x0], $0xffff  }
0x286: {  	v63 =	vor.u32 v51, v41;
	_ =	sdelay $0x3  }
0x287: {  	[tilespmem:v62+s15+$0x0] =	vst.idx.msk $0xffff, v49  }
0x288: {  	v56 =	vor.u32 v25, v48;
	v49 =	vld.idx.msk [tilespmem:v63+s11+$0x0], $0xffff  }
0x289: {  	v57 =	vor.u32 v51, v42;
	_ =	sdelay $0x3  }
0x28a: {  	[tilespmem:v56+s15+$0x0] =	vst.idx.msk $0xffff, v49  }
0x28b: {  	v58 =	vor.u32 v26, v48;
	v49 =	vld.idx.msk [tilespmem:v57+s11+$0x0], $0xffff  }
0x28c: {  	v59 =	vor.u32 v51, v43;
	_ =	sdelay $0x3  }
0x28d: {  	[tilespmem:v58+s15+$0x0] =	vst.idx.msk $0xffff, v49  }
0x28e: {  	v60 =	vor.u32 v27, v48;
	v49 =	vld.idx.msk [tilespmem:v59+s11+$0x0], $0xffff  }
0x28f: {  	v61 =	vor.u32 v51, v44;
	_ =	sdelay $0x3  }
0x290: {  	[tilespmem:v60+s15+$0x0] =	vst.idx.msk $0xffff, v49  }
0x291: {  	v62 =	vor.u32 v28, v48;
	v49 =	vld.idx.msk [tilespmem:v61+s11+$0x0], $0xffff  }
0x292: {  	v63 =	vor.u32 v51, v45;
	_ =	sdelay $0x3  }
0x293: {  	[tilespmem:v62+s15+$0x0] =	vst.idx.msk $0xffff, v49  }
0x294: {  	v56 =	vor.u32 v29, v48;
	v49 =	vld.idx.msk [tilespmem:v63+s11+$0x0], $0xffff  }
0x295: {  	v57 =	vor.u32 v51, v46;
	_ =	sdelay $0x3  }
0x296: {  	[tilespmem:v56+s15+$0x0] =	vst.idx.msk $0xffff, v49  }
0x297: {  	v58 =	vor.u32 v30, v48;
	v49 =	vld.idx.msk [tilespmem:v57+s11+$0x0], $0xffff  }
0x298: {  	v51 =	vor.u32 v51, v47;
	_ =	sdelay $0x2  }
0x299: {  	s28 =	sadd.s32 $0x2, s26  }
0x29a: {  	v59 =	vadd.s32 s28, v0;
	[tilespmem:v58+s15+$0x0] =	vst.idx.msk $0xffff, v49  }
0x29b: {  	v48 =	vor.u32 v31, v48;
	v50 =	vld.idx.msk [tilespmem:v51+s11+$0x0], $0xffff;
	v51 =	vand.u32 $0x3F, v59  }
0x29c: {  	v60 =	vor.u32 v51, v32;
	_ =	sdelay $0x1  }
0x29d: {  	v61 =	vshll.u32 v59, $0x8;
	v49 =	vshll.u32 v59, $0x7  }
0x29e: {  	v53 =	vand.u32 $0x3800, v61;
	v49 =	vand.u32 $0x380, v49  }
0x29f: {  	[tilespmem:v48+s15+$0x0] =	vst.idx.msk $0xffff, v50;
	v48 =	vor.u32 v49, v53  }
0x2a0: {  	v62 =	vld.idx.msk [tilespmem:v60+s11+$0x0], $0xffff;
	v63 =	vor.u32 v0, v48  }
0x2a1: {  	v56 =	vor.u32 v51, v33;
	_ =	sdelay $0x3  }
0x2a2: {  	[tilespmem:v63+s15+$0x0] =	vst.idx.msk $0xffff, v62  }
0x2a3: {  	v57 =	vor.u32 v17, v48;
	v49 =	vld.idx.msk [tilespmem:v56+s11+$0x0], $0xffff  }
0x2a4: {  	v58 =	vor.u32 v51, v34;
	_ =	sdelay $0x3  }
0x2a5: {  	[tilespmem:v57+s15+$0x0] =	vst.idx.msk $0xffff, v49  }
0x2a6: {  	v59 =	vor.u32 v18, v48;
	v49 =	vld.idx.msk [tilespmem:v58+s11+$0x0], $0xffff  }
0x2a7: {  	v60 =	vor.u32 v51, v35;
	_ =	sdelay $0x3  }
0x2a8: {  	[tilespmem:v59+s15+$0x0] =	vst.idx.msk $0xffff, v49  }
0x2a9: {  	v61 =	vor.u32 v19, v48;
	v49 =	vld.idx.msk [tilespmem:v60+s11+$0x0], $0xffff  }
0x2aa: {  	v62 =	vor.u32 v51, v36;
	_ =	sdelay $0x3  }
0x2ab: {  	[tilespmem:v61+s15+$0x0] =	vst.idx.msk $0xffff, v49  }
0x2ac: {  	v63 =	vor.u32 v20, v48;
	v49 =	vld.idx.msk [tilespmem:v62+s11+$0x0], $0xffff  }
0x2ad: {  	v56 =	vor.u32 v51, v37;
	_ =	sdelay $0x3  }
0x2ae: {  	[tilespmem:v63+s15+$0x0] =	vst.idx.msk $0xffff, v49  }
0x2af: {  	v57 =	vor.u32 v21, v48;
	v49 =	vld.idx.msk [tilespmem:v56+s11+$0x0], $0xffff  }
0x2b0: {  	v58 =	vor.u32 v51, v38;
	_ =	sdelay $0x3  }
0x2b1: {  	[tilespmem:v57+s15+$0x0] =	vst.idx.msk $0xffff, v49  }
0x2b2: {  	v59 =	vor.u32 v22, v48;
	v49 =	vld.idx.msk [tilespmem:v58+s11+$0x0], $0xffff  }
0x2b3: {  	v60 =	vor.u32 v51, v39;
	_ =	sdelay $0x3  }
0x2b4: {  	[tilespmem:v59+s15+$0x0] =	vst.idx.msk $0xffff, v49  }
0x2b5: {  	v61 =	vor.u32 v23, v48;
	v49 =	vld.idx.msk [tilespmem:v60+s11+$0x0], $0xffff  }
0x2b6: {  	v62 =	vor.u32 v51, v40;
	_ =	sdelay $0x3  }
0x2b7: {  	[tilespmem:v61+s15+$0x0] =	vst.idx.msk $0xffff, v49  }
0x2b8: {  	v63 =	vor.u32 v24, v48;
	v49 =	vld.idx.msk [tilespmem:v62+s11+$0x0], $0xffff  }
0x2b9: {  	v56 =	vor.u32 v51, v41;
	_ =	sdelay $0x3  }
0x2ba: {  	[tilespmem:v63+s15+$0x0] =	vst.idx.msk $0xffff, v49  }
0x2bb: {  	v57 =	vor.u32 v25, v48;
	v49 =	vld.idx.msk [tilespmem:v56+s11+$0x0], $0xffff  }
0x2bc: {  	v58 =	vor.u32 v51, v42;
	_ =	sdelay $0x3  }
0x2bd: {  	[tilespmem:v57+s15+$0x0] =	vst.idx.msk $0xffff, v49  }
0x2be: {  	v59 =	vor.u32 v26, v48;
	v49 =	vld.idx.msk [tilespmem:v58+s11+$0x0], $0xffff  }
0x2bf: {  	v60 =	vor.u32 v51, v43;
	_ =	sdelay $0x3  }
0x2c0: {  	[tilespmem:v59+s15+$0x0] =	vst.idx.msk $0xffff, v49  }
0x2c1: {  	v61 =	vor.u32 v27, v48;
	v49 =	vld.idx.msk [tilespmem:v60+s11+$0x0], $0xffff  }
0x2c2: {  	v62 =	vor.u32 v51, v44;
	_ =	sdelay $0x3  }
0x2c3: {  	[tilespmem:v61+s15+$0x0] =	vst.idx.msk $0xffff, v49  }
0x2c4: {  	v63 =	vor.u32 v28, v48;
	v49 =	vld.idx.msk [tilespmem:v62+s11+$0x0], $0xffff  }
0x2c5: {  	v56 =	vor.u32 v51, v45;
	_ =	sdelay $0x3  }
0x2c6: {  	[tilespmem:v63+s15+$0x0] =	vst.idx.msk $0xffff, v49  }
0x2c7: {  	v57 =	vor.u32 v29, v48;
	v49 =	vld.idx.msk [tilespmem:v56+s11+$0x0], $0xffff  }
0x2c8: {  	v58 =	vor.u32 v51, v46;
	_ =	sdelay $0x3  }
0x2c9: {  	[tilespmem:v57+s15+$0x0] =	vst.idx.msk $0xffff, v49  }
0x2ca: {  	v59 =	vor.u32 v30, v48;
	v49 =	vld.idx.msk [tilespmem:v58+s11+$0x0], $0xffff  }
0x2cb: {  	v51 =	vor.u32 v51, v47;
	_ =	sdelay $0x2  }
0x2cc: {  	s29 =	sadd.s32 $0x3, s26  }
0x2cd: {  	v60 =	vadd.s32 s29, v0;
	[tilespmem:v59+s15+$0x0] =	vst.idx.msk $0xffff, v49  }
0x2ce: {  	v48 =	vor.u32 v31, v48;
	v50 =	vld.idx.msk [tilespmem:v51+s11+$0x0], $0xffff;
	v51 =	vand.u32 $0x3F, v60  }
0x2cf: {  	v61 =	vor.u32 v51, v32;
	_ =	sdelay $0x1  }
0x2d0: {  	v62 =	vshll.u32 v60, $0x8;
	v49 =	vshll.u32 v60, $0x7  }
0x2d1: {  	v52 =	vand.u32 $0x3800, v62;
	v49 =	vand.u32 $0x380, v49  }
0x2d2: {  	[tilespmem:v48+s15+$0x0] =	vst.idx.msk $0xffff, v50;
	v48 =	vor.u32 v49, v52  }
0x2d3: {  	v32 =	vld.idx.msk [tilespmem:v61+s11+$0x0], $0xffff;
	v49 =	vor.u32 v0, v48  }
0x2d4: {  	v63 =	vor.u32 v51, v33;
	_ =	sdelay $0x3  }
0x2d5: {  	[tilespmem:v49+s15+$0x0] =	vst.idx.msk $0xffff, v32  }
0x2d6: {  	v49 =	vor.u32 v17, v48;
	v32 =	vld.idx.msk [tilespmem:v63+s11+$0x0], $0xffff  }
0x2d7: {  	v50 =	vor.u32 v51, v34;
	_ =	sdelay $0x3  }
0x2d8: {  	[tilespmem:v49+s15+$0x0] =	vst.idx.msk $0xffff, v32  }
0x2d9: {  	v52 =	vor.u32 v18, v48;
	v32 =	vld.idx.msk [tilespmem:v50+s11+$0x0], $0xffff  }
0x2da: {  	v53 =	vor.u32 v51, v35;
	_ =	sdelay $0x3  }
0x2db: {  	[tilespmem:v52+s15+$0x0] =	vst.idx.msk $0xffff, v32  }
0x2dc: {  	v54 =	vor.u32 v19, v48;
	v32 =	vld.idx.msk [tilespmem:v53+s11+$0x0], $0xffff  }
0x2dd: {  	v55 =	vor.u32 v51, v36;
	_ =	sdelay $0x3  }
0x2de: {  	[tilespmem:v54+s15+$0x0] =	vst.idx.msk $0xffff, v32  }
0x2df: {  	v56 =	vor.u32 v20, v48;
	v32 =	vld.idx.msk [tilespmem:v55+s11+$0x0], $0xffff  }
0x2e0: {  	v57 =	vor.u32 v51, v37;
	_ =	sdelay $0x3  }
0x2e1: {  	[tilespmem:v56+s15+$0x0] =	vst.idx.msk $0xffff, v32  }
0x2e2: {  	v58 =	vor.u32 v21, v48;
	v32 =	vld.idx.msk [tilespmem:v57+s11+$0x0], $0xffff  }
0x2e3: {  	v59 =	vor.u32 v51, v38;
	_ =	sdelay $0x3  }
0x2e4: {  	[tilespmem:v58+s15+$0x0] =	vst.idx.msk $0xffff, v32  }
0x2e5: {  	v60 =	vor.u32 v22, v48;
	v32 =	vld.idx.msk [tilespmem:v59+s11+$0x0], $0xffff  }
0x2e6: {  	v61 =	vor.u32 v51, v39;
	_ =	sdelay $0x3  }
0x2e7: {  	[tilespmem:v60+s15+$0x0] =	vst.idx.msk $0xffff, v32  }
0x2e8: {  	v62 =	vor.u32 v23, v48;
	v32 =	vld.idx.msk [tilespmem:v61+s11+$0x0], $0xffff  }
0x2e9: {  	v63 =	vor.u32 v51, v40;
	_ =	sdelay $0x3  }
0x2ea: {  	[tilespmem:v62+s15+$0x0] =	vst.idx.msk $0xffff, v32  }
0x2eb: {  	v36 =	vor.u32 v24, v48;
	v32 =	vld.idx.msk [tilespmem:v63+s11+$0x0], $0xffff  }
0x2ec: {  	v37 =	vor.u32 v51, v41;
	_ =	sdelay $0x3  }
0x2ed: {  	[tilespmem:v36+s15+$0x0] =	vst.idx.msk $0xffff, v32  }
0x2ee: {  	v38 =	vor.u32 v25, v48;
	v32 =	vld.idx.msk [tilespmem:v37+s11+$0x0], $0xffff  }
0x2ef: {  	v39 =	vor.u32 v51, v42;
	_ =	sdelay $0x3  }
0x2f0: {  	[tilespmem:v38+s15+$0x0] =	vst.idx.msk $0xffff, v32  }
0x2f1: {  	v40 =	vor.u32 v26, v48;
	v32 =	vld.idx.msk [tilespmem:v39+s11+$0x0], $0xffff  }
0x2f2: {  	v41 =	vor.u32 v51, v43;
	_ =	sdelay $0x3  }
0x2f3: {  	[tilespmem:v40+s15+$0x0] =	vst.idx.msk $0xffff, v32  }
0x2f4: {  	v42 =	vor.u32 v27, v48;
	v32 =	vld.idx.msk [tilespmem:v41+s11+$0x0], $0xffff  }
0x2f5: {  	v43 =	vor.u32 v51, v44;
	_ =	sdelay $0x3  }
0x2f6: {  	[tilespmem:v42+s15+$0x0] =	vst.idx.msk $0xffff, v32  }
0x2f7: {  	v44 =	vor.u32 v28, v48;
	v32 =	vld.idx.msk [tilespmem:v43+s11+$0x0], $0xffff  }
0x2f8: {  	v49 =	vor.u32 v51, v45;
	_ =	sdelay $0x3  }
0x2f9: {  	[tilespmem:v44+s15+$0x0] =	vst.idx.msk $0xffff, v32  }
0x2fa: {  	v50 =	vor.u32 v29, v48;
	v32 =	vld.idx.msk [tilespmem:v49+s11+$0x0], $0xffff  }
0x2fb: {  	v52 =	vor.u32 v51, v46;
	_ =	sdelay $0x3  }
0x2fc: {  	[tilespmem:v50+s15+$0x0] =	vst.idx.msk $0xffff, v32  }
0x2fd: {  	v53 =	vor.u32 v30, v48;
	v32 =	vld.idx.msk [tilespmem:v52+s11+$0x0], $0xffff  }
0x2fe: {  	v54 =	vor.u32 v51, v47;
	_ =	sdelay $0x3  }
0x2ff: {  	[tilespmem:v53+s15+$0x0] =	vst.idx.msk $0xffff, v32  }
0x300: {  	v55 =	vor.u32 v31, v48;
	v32 =	vld.idx.msk [tilespmem:v54+s11+$0x0], $0xffff  }
0x301: {  	s30 =	sadd.s32 s5, s25  }
0x302: {  	s28 =	sshll.u32 s30, $0x8  }
0x303: {  	s26 =	sshll.u32 s30, $0xB;
	s28 =	sand.u32 $0x3E00, s28  }
0x304: {  	s26 =	sand.u32 $0xFFE0000, s26;
	s28 =	sadd.s32 s2, s28  }
0x305: {  	p1 =	seq.s32 s23, $0x31;
	s26 =	sadd.s32 s26, s28;
	[tilespmem:v55+s15+$0x0] =	vst.idx.msk $0xffff, v32  }
0x306: {  	[hbm4b:s26+s16] =	stream.strided.scatter [tilespmem:s15], [sflag:$0x3], $0x4000, s17, s16, $0x38;
	[tilespmem:$0x1E600] =	vst v63  }
0x307: {  	v32 =	vld @!p1 [tilespmem:s24+$0x200];
	_ =	sdelay $0x4  }
0x308: {  	v32 =	vshra.s32 @!p1 v32, $0x1  }
0x309: {  	[tilespmem:$0x6400] =	vst @!p1 v32  }
0x30a: {  	v32 =	vld @!p1 [tilespmem:s24+$0x210];
	_ =	sdelay $0x4  }
0x30b: {  	v32 =	vshra.s32 @!p1 v32, $0x1  }
0x30c: {  	[tilespmem:$0x6410] =	vst @!p1 v32  }
0x30d: {  	v32 =	vld @!p1 [tilespmem:s24+$0x220];
	_ =	sdelay $0x4  }
0x30e: {  	v32 =	vshra.s32 @!p1 v32, $0x1  }
0x30f: {  	[tilespmem:$0x6420] =	vst @!p1 v32  }
0x310: {  	v32 =	vld @!p1 [tilespmem:s24+$0x230];
	_ =	sdelay $0x4  }
0x311: {  	v32 =	vshra.s32 @!p1 v32, $0x1  }
0x312: {  	[tilespmem:$0x6430] =	vst @!p1 v32  }
0x313: {  	v32 =	vld @!p1 [tilespmem:s24+$0x240];
	_ =	sdelay $0x4  }
0x314: {  	v32 =	vshra.s32 @!p1 v32, $0x1  }
0x315: {  	[tilespmem:$0x6440] =	vst @!p1 v32  }
0x316: {  	v32 =	vld @!p1 [tilespmem:s24+$0x250];
	_ =	sdelay $0x4  }
0x317: {  	v32 =	vshra.s32 @!p1 v32, $0x1  }
0x318: {  	[tilespmem:$0x6450] =	vst @!p1 v32  }
0x319: {  	v32 =	vld @!p1 [tilespmem:s24+$0x260];
	_ =	sdelay $0x4  }
0x31a: {  	v32 =	vshra.s32 @!p1 v32, $0x1  }
0x31b: {  	[tilespmem:$0x6460] =	vst @!p1 v32  }
0x31c: {  	v32 =	vld @!p1 [tilespmem:s24+$0x270];
	_ =	sdelay $0x4  }
0x31d: {  	v32 =	vshra.s32 @!p1 v32, $0x1  }
0x31e: {  	[tilespmem:$0x6470] =	vst @!p1 v32  }
0x31f: {  	v32 =	vld @!p1 [tilespmem:s24+$0x280];
	_ =	sdelay $0x4  }
0x320: {  	v32 =	vshra.s32 @!p1 v32, $0x1  }
0x321: {  	[tilespmem:$0x6480] =	vst @!p1 v32  }
0x322: {  	v32 =	vld @!p1 [tilespmem:s24+$0x290];
	_ =	sdelay $0x4  }
0x323: {  	v32 =	vshra.s32 @!p1 v32, $0x1  }
0x324: {  	[tilespmem:$0x6490] =	vst @!p1 v32  }
0x325: {  	v32 =	vld @!p1 [tilespmem:s24+$0x2A0];
	_ =	sdelay $0x4  }
0x326: {  	v32 =	vshra.s32 @!p1 v32, $0x1  }
0x327: {  	[tilespmem:$0x64A0] =	vst @!p1 v32  }
0x328: {  	v32 =	vld @!p1 [tilespmem:s24+$0x2B0];
	_ =	sdelay $0x4  }
0x329: {  	v32 =	vshra.s32 @!p1 v32, $0x1  }
0x32a: {  	[tilespmem:$0x64B0] =	vst @!p1 v32  }
0x32b: {  	v32 =	vld @!p1 [tilespmem:s24+$0x2C0];
	_ =	sdelay $0x4  }
0x32c: {  	v32 =	vshra.s32 @!p1 v32, $0x1  }
0x32d: {  	[tilespmem:$0x64C0] =	vst @!p1 v32  }
0x32e: {  	v32 =	vld @!p1 [tilespmem:s24+$0x2D0];
	_ =	sdelay $0x4  }
0x32f: {  	v32 =	vshra.s32 @!p1 v32, $0x1  }
0x330: {  	[tilespmem:$0x64D0] =	vst @!p1 v32  }
0x331: {  	v32 =	vld @!p1 [tilespmem:s24+$0x2E0];
	_ =	sdelay $0x4  }
0x332: {  	v32 =	vshra.s32 @!p1 v32, $0x1  }
0x333: {  	[tilespmem:$0x64E0] =	vst @!p1 v32  }
0x334: {  	v32 =	vld @!p1 [tilespmem:s24+$0x2F0];
	_ =	sdelay $0x4  }
0x335: {  	v32 =	vshra.s32 @!p1 v32, $0x1  }
0x336: {  	s28 =	simm.s32 @!p1 $0x6400;
	s29 =	simm.s32 @!p1 $0x6600;
	s26 =	simm.s32 @!p1 $0x100;
	[tilespmem:$0x64F0] =	vst @!p1 v32  }
0x337: {  	[tilespmem:s29], [sflag:$0x1] =	stream.indirect.gather @!p1 [hbm4b:s4+s26], $0x80, s28, s26, $0xb8;
	[tilespmem:$0x1E600] =	vst v63  }
0x338: {  	_ =	swait.ge [sflag:s18], $0x8000  }
0x339: {  	[sflag:s18] =	ssyncset.done $0x0  }
0x33a: {  	s26 =	simm.s32 @!p0 $0x4;
	[sflag:s18] =	ssyncadd.s32 $0xFFFF8000  }
0x33b: {  	s25 =	sor.u32 $0x1, s25;
	_ =	swait.ge @!p0 [sflag:s26], $0x4000  }
0x33c: {  	s28 =	sshll.u32 s25, $0x8;
	[sflag:s26] =	ssyncset.done @!p0 $0x0  }
0x33d: {  	s31 =	sand.u32 $0x3FFFFF00, s28;
	[sflag:s26] =	ssyncadd.s32 @!p0 $0xFFFFC000  }
0x33e: {  	v56 =	vld [tilespmem:s31+$0x0];
	_ =	sdelay $0x2  }
0x33f: {  	v57 =	vld [tilespmem:s31+$0x10]  }
0x340: {  	v58 =	vld [tilespmem:s31+$0x20]  }
0x341: {  	s28 =	simm.s32 $0x0;
	v35 =	vld [tilespmem:s31+$0x30];
	v32 =	vshll.u32 v56, $0x6  }
0x342: {  	v59 =	vadd.s32 s28, v0;
	v36 =	vld [tilespmem:s31+$0x40];
	v32 =	vand.u32 $0x40, v32  }
0x343: {  	v48 =	vand.u32 $0x3F, v59;
	v37 =	vld [tilespmem:s31+$0x50];
	v32 =	vor.u32 v1, v32  }
0x344: {  	v39 =	vld [tilespmem:s31+$0x60];
	v60 =	vor.u32 v48, v32  }
0x345: {  	v40 =	vld [tilespmem:s31+$0x70]  }
0x346: {  	v61 =	vshll.u32 v59, $0x8;
	v38 =	vshll.u32 v59, $0x7;
	v42 =	vld [tilespmem:s31+$0x80]  }
0x347: {  	v44 =	vand.u32 $0x3800, v61;
	v38 =	vand.u32 $0x380, v38;
	v43 =	vld [tilespmem:s31+$0x90];
	v33 =	vshll.u32 v57, $0x6  }
0x348: {  	v49 =	vor.u32 v38, v44;
	v45 =	vld [tilespmem:s31+$0xA0];
	v33 =	vand.u32 $0x40, v33  }
0x349: {  	v63 =	vor.u32 v0, v49;
	v33 =	vor.u32 v2, v33;
	v62 =	vld.idx.msk [tilespmem:v60+s13+$0x0], $0xffff  }
0x34a: {  	v46 =	vld [tilespmem:s31+$0xB0];
	v56 =	vor.u32 v48, v33  }
0x34b: {  	v44 =	vld [tilespmem:s31+$0xC0]  }
0x34c: {  	v50 =	vld [tilespmem:s31+$0xD0]  }
0x34d: {  	v51 =	vld [tilespmem:s31+$0xE0];
	v34 =	vshll.u32 v58, $0x6  }
0x34e: {  	v52 =	vld [tilespmem:s31+$0xF0];
	v34 =	vand.u32 $0x40, v34;
	[tilespmem:v63+s19+$0x0] =	vst.idx.msk $0xffff, v62  }
0x34f: {  	v57 =	vor.u32 v17, v49;
	v34 =	vor.u32 v3, v34;
	v38 =	vld.idx.msk [tilespmem:v56+s13+$0x0], $0xffff  }
0x350: {  	v58 =	vor.u32 v48, v34;
	_ =	sdelay $0x2  }
0x351: {  	v35 =	vshll.u32 v35, $0x6  }
0x352: {  	v35 =	vand.u32 $0x40, v35;
	[tilespmem:v57+s19+$0x0] =	vst.idx.msk $0xffff, v38  }
0x353: {  	v59 =	vor.u32 v18, v49;
	v35 =	vor.u32 v4, v35;
	v38 =	vld.idx.msk [tilespmem:v58+s13+$0x0], $0xffff  }
0x354: {  	v60 =	vor.u32 v48, v35;
	_ =	sdelay $0x2  }
0x355: {  	v36 =	vshll.u32 v36, $0x6  }
0x356: {  	v36 =	vand.u32 $0x40, v36;
	[tilespmem:v59+s19+$0x0] =	vst.idx.msk $0xffff, v38  }
0x357: {  	v61 =	vor.u32 v19, v49;
	v36 =	vor.u32 v5, v36;
	v38 =	vld.idx.msk [tilespmem:v60+s13+$0x0], $0xffff  }
0x358: {  	v62 =	vor.u32 v48, v36;
	_ =	sdelay $0x2  }
0x359: {  	v37 =	vshll.u32 v37, $0x6  }
0x35a: {  	v37 =	vand.u32 $0x40, v37;
	[tilespmem:v61+s19+$0x0] =	vst.idx.msk $0xffff, v38  }
0x35b: {  	v37 =	vor.u32 v6, v37;
	v63 =	vor.u32 v20, v49;
	v38 =	vld.idx.msk [tilespmem:v62+s13+$0x0], $0xffff  }
0x35c: {  	v53 =	vor.u32 v48, v37;
	_ =	sdelay $0x2  }
0x35d: {  	v39 =	vshll.u32 v39, $0x6  }
0x35e: {  	v39 =	vand.u32 $0x40, v39;
	[tilespmem:v63+s19+$0x0] =	vst.idx.msk $0xffff, v38  }
0x35f: {  	v55 =	vor.u32 v21, v49;
	v38 =	vor.u32 v7, v39;
	v54 =	vld.idx.msk [tilespmem:v53+s13+$0x0], $0xffff  }
0x360: {  	v56 =	vor.u32 v48, v38;
	_ =	sdelay $0x2  }
0x361: {  	v40 =	vshll.u32 v40, $0x6  }
0x362: {  	v40 =	vand.u32 $0x40, v40;
	[tilespmem:v55+s19+$0x0] =	vst.idx.msk $0xffff, v54  }
0x363: {  	v58 =	vor.u32 v22, v49;
	v39 =	vor.u32 v8, v40;
	v57 =	vld.idx.msk [tilespmem:v56+s13+$0x0], $0xffff  }
0x364: {  	v59 =	vor.u32 v48, v39;
	_ =	sdelay $0x2  }
0x365: {  	v42 =	vshll.u32 v42, $0x6  }
0x366: {  	v42 =	vand.u32 $0x40, v42;
	[tilespmem:v58+s19+$0x0] =	vst.idx.msk $0xffff, v57  }
0x367: {  	v60 =	vor.u32 v23, v49;
	v40 =	vor.u32 v9, v42;
	v41 =	vld.idx.msk [tilespmem:v59+s13+$0x0], $0xffff  }
0x368: {  	v61 =	vor.u32 v48, v40;
	_ =	sdelay $0x2  }
0x369: {  	v43 =	vshll.u32 v43, $0x6  }
0x36a: {  	v43 =	vand.u32 $0x40, v43;
	[tilespmem:v60+s19+$0x0] =	vst.idx.msk $0xffff, v41  }
0x36b: {  	v62 =	vor.u32 v24, v49;
	v41 =	vor.u32 v10, v43;
	v42 =	vld.idx.msk [tilespmem:v61+s13+$0x0], $0xffff  }
0x36c: {  	v63 =	vor.u32 v48, v41;
	_ =	sdelay $0x2  }
0x36d: {  	v45 =	vshll.u32 v45, $0x6  }
0x36e: {  	v45 =	vand.u32 $0x40, v45;
	[tilespmem:v62+s19+$0x0] =	vst.idx.msk $0xffff, v42  }
0x36f: {  	v53 =	vor.u32 v25, v49;
	v42 =	vor.u32 v11, v45;
	v43 =	vld.idx.msk [tilespmem:v63+s13+$0x0], $0xffff  }
0x370: {  	v54 =	vor.u32 v48, v42;
	_ =	sdelay $0x2  }
0x371: {  	v46 =	vshll.u32 v46, $0x6  }
0x372: {  	v46 =	vand.u32 $0x40, v46;
	[tilespmem:v53+s19+$0x0] =	vst.idx.msk $0xffff, v43  }
0x373: {  	v55 =	vor.u32 v26, v49;
	v43 =	vor.u32 v12, v46;
	v45 =	vld.idx.msk [tilespmem:v54+s13+$0x0], $0xffff  }
0x374: {  	v56 =	vor.u32 v48, v43;
	_ =	sdelay $0x2  }
0x375: {  	v44 =	vshll.u32 v44, $0x6  }
0x376: {  	v44 =	vand.u32 $0x40, v44;
	[tilespmem:v55+s19+$0x0] =	vst.idx.msk $0xffff, v45  }
0x377: {  	v44 =	vor.u32 v13, v44;
	v57 =	vor.u32 v27, v49;
	v45 =	vld.idx.msk [tilespmem:v56+s13+$0x0], $0xffff  }
0x378: {  	v58 =	vor.u32 v48, v44;
	_ =	sdelay $0x2  }
0x379: {  	v50 =	vshll.u32 v50, $0x6  }
0x37a: {  	v50 =	vand.u32 $0x40, v50;
	[tilespmem:v57+s19+$0x0] =	vst.idx.msk $0xffff, v45  }
0x37b: {  	v59 =	vor.u32 v28, v49;
	v45 =	vor.u32 v14, v50;
	v46 =	vld.idx.msk [tilespmem:v58+s13+$0x0], $0xffff  }
0x37c: {  	v50 =	vor.u32 v48, v45;
	_ =	sdelay $0x2  }
0x37d: {  	v51 =	vshll.u32 v51, $0x6  }
0x37e: {  	v51 =	vand.u32 $0x40, v51;
	[tilespmem:v59+s19+$0x0] =	vst.idx.msk $0xffff, v46  }
0x37f: {  	v60 =	vor.u32 v29, v49;
	v46 =	vor.u32 v15, v51;
	v47 =	vld.idx.msk [tilespmem:v50+s13+$0x0], $0xffff  }
0x380: {  	v51 =	vor.u32 v48, v46;
	_ =	sdelay $0x2  }
0x381: {  	v52 =	vshll.u32 v52, $0x6  }
0x382: {  	v52 =	vand.u32 $0x40, v52;
	[tilespmem:v60+s19+$0x0] =	vst.idx.msk $0xffff, v47  }
0x383: {  	v61 =	vor.u32 v30, v49;
	v47 =	vor.u32 v16, v52;
	v50 =	vld.idx.msk [tilespmem:v51+s13+$0x0], $0xffff  }
0x384: {  	v48 =	vor.u32 v48, v47;
	_ =	sdelay $0x2  }
0x385: {  	s29 =	simm.s32 $0x1  }
0x386: {  	v62 =	vadd.s32 s29, v0;
	[tilespmem:v61+s19+$0x0] =	vst.idx.msk $0xffff, v50  }
0x387: {  	v49 =	vor.u32 v31, v49;
	v51 =	vand.u32 $0x3F, v62;
	v48 =	vld.idx.msk [tilespmem:v48+s13+$0x0], $0xffff  }
0x388: {  	v63 =	vor.u32 v51, v32;
	_ =	sdelay $0x1  }
0x389: {  	v56 =	vshll.u32 v62, $0x8;
	v50 =	vshll.u32 v62, $0x7  }
0x38a: {  	v53 =	vand.u32 $0x3800, v56;
	v50 =	vand.u32 $0x380, v50  }
0x38b: {  	[tilespmem:v49+s19+$0x0] =	vst.idx.msk $0xffff, v48;
	v48 =	vor.u32 v50, v53  }
0x38c: {  	v49 =	vld.idx.msk [tilespmem:v63+s13+$0x0], $0xffff;
	v50 =	vor.u32 v0, v48  }
0x38d: {  	v57 =	vor.u32 v51, v33;
	_ =	sdelay $0x3  }
0x38e: {  	[tilespmem:v50+s19+$0x0] =	vst.idx.msk $0xffff, v49  }
0x38f: {  	v58 =	vor.u32 v17, v48;
	v49 =	vld.idx.msk [tilespmem:v57+s13+$0x0], $0xffff  }
0x390: {  	v59 =	vor.u32 v51, v34;
	_ =	sdelay $0x3  }
0x391: {  	[tilespmem:v58+s19+$0x0] =	vst.idx.msk $0xffff, v49  }
0x392: {  	v60 =	vor.u32 v18, v48;
	v49 =	vld.idx.msk [tilespmem:v59+s13+$0x0], $0xffff  }
0x393: {  	v61 =	vor.u32 v51, v35;
	_ =	sdelay $0x3  }
0x394: {  	[tilespmem:v60+s19+$0x0] =	vst.idx.msk $0xffff, v49  }
0x395: {  	v62 =	vor.u32 v19, v48;
	v49 =	vld.idx.msk [tilespmem:v61+s13+$0x0], $0xffff  }
0x396: {  	v63 =	vor.u32 v51, v36;
	_ =	sdelay $0x3  }
0x397: {  	[tilespmem:v62+s19+$0x0] =	vst.idx.msk $0xffff, v49  }
0x398: {  	v56 =	vor.u32 v20, v48;
	v49 =	vld.idx.msk [tilespmem:v63+s13+$0x0], $0xffff  }
0x399: {  	v57 =	vor.u32 v51, v37;
	_ =	sdelay $0x3  }
0x39a: {  	[tilespmem:v56+s19+$0x0] =	vst.idx.msk $0xffff, v49  }
0x39b: {  	v58 =	vor.u32 v21, v48;
	v49 =	vld.idx.msk [tilespmem:v57+s13+$0x0], $0xffff  }
0x39c: {  	v59 =	vor.u32 v51, v38;
	_ =	sdelay $0x3  }
0x39d: {  	[tilespmem:v58+s19+$0x0] =	vst.idx.msk $0xffff, v49  }
0x39e: {  	v60 =	vor.u32 v22, v48;
	v49 =	vld.idx.msk [tilespmem:v59+s13+$0x0], $0xffff  }
0x39f: {  	v61 =	vor.u32 v51, v39;
	_ =	sdelay $0x3  }
0x3a0: {  	[tilespmem:v60+s19+$0x0] =	vst.idx.msk $0xffff, v49  }
0x3a1: {  	v62 =	vor.u32 v23, v48;
	v49 =	vld.idx.msk [tilespmem:v61+s13+$0x0], $0xffff  }
0x3a2: {  	v63 =	vor.u32 v51, v40;
	_ =	sdelay $0x3  }
0x3a3: {  	[tilespmem:v62+s19+$0x0] =	vst.idx.msk $0xffff, v49  }
0x3a4: {  	v56 =	vor.u32 v24, v48;
	v49 =	vld.idx.msk [tilespmem:v63+s13+$0x0], $0xffff  }
0x3a5: {  	v57 =	vor.u32 v51, v41;
	_ =	sdelay $0x3  }
0x3a6: {  	[tilespmem:v56+s19+$0x0] =	vst.idx.msk $0xffff, v49  }
0x3a7: {  	v58 =	vor.u32 v25, v48;
	v49 =	vld.idx.msk [tilespmem:v57+s13+$0x0], $0xffff  }
0x3a8: {  	v59 =	vor.u32 v51, v42;
	_ =	sdelay $0x3  }
0x3a9: {  	[tilespmem:v58+s19+$0x0] =	vst.idx.msk $0xffff, v49  }
0x3aa: {  	v60 =	vor.u32 v26, v48;
	v49 =	vld.idx.msk [tilespmem:v59+s13+$0x0], $0xffff  }
0x3ab: {  	v61 =	vor.u32 v51, v43;
	_ =	sdelay $0x3  }
0x3ac: {  	[tilespmem:v60+s19+$0x0] =	vst.idx.msk $0xffff, v49  }
0x3ad: {  	v62 =	vor.u32 v27, v48;
	v49 =	vld.idx.msk [tilespmem:v61+s13+$0x0], $0xffff  }
0x3ae: {  	v63 =	vor.u32 v51, v44;
	_ =	sdelay $0x3  }
0x3af: {  	[tilespmem:v62+s19+$0x0] =	vst.idx.msk $0xffff, v49  }
0x3b0: {  	v56 =	vor.u32 v28, v48;
	v49 =	vld.idx.msk [tilespmem:v63+s13+$0x0], $0xffff  }
0x3b1: {  	v57 =	vor.u32 v51, v45;
	_ =	sdelay $0x3  }
0x3b2: {  	[tilespmem:v56+s19+$0x0] =	vst.idx.msk $0xffff, v49  }
0x3b3: {  	v58 =	vor.u32 v29, v48;
	v49 =	vld.idx.msk [tilespmem:v57+s13+$0x0], $0xffff  }
0x3b4: {  	v59 =	vor.u32 v51, v46;
	_ =	sdelay $0x3  }
0x3b5: {  	[tilespmem:v58+s19+$0x0] =	vst.idx.msk $0xffff, v49  }
0x3b6: {  	v60 =	vor.u32 v30, v48;
	v49 =	vld.idx.msk [tilespmem:v59+s13+$0x0], $0xffff  }
0x3b7: {  	v51 =	vor.u32 v51, v47;
	_ =	sdelay $0x2  }
0x3b8: {  	s30 =	simm.s32 $0x2  }
0x3b9: {  	v61 =	vadd.s32 s30, v0;
	[tilespmem:v60+s19+$0x0] =	vst.idx.msk $0xffff, v49  }
0x3ba: {  	v48 =	vor.u32 v31, v48;
	v50 =	vld.idx.msk [tilespmem:v51+s13+$0x0], $0xffff;
	v51 =	vand.u32 $0x3F, v61  }
0x3bb: {  	v62 =	vor.u32 v51, v32;
	_ =	sdelay $0x1  }
0x3bc: {  	v63 =	vshll.u32 v61, $0x8;
	v49 =	vshll.u32 v61, $0x7  }
0x3bd: {  	v53 =	vand.u32 $0x3800, v63;
	v49 =	vand.u32 $0x380, v49  }
0x3be: {  	[tilespmem:v48+s19+$0x0] =	vst.idx.msk $0xffff, v50;
	v48 =	vor.u32 v49, v53  }
0x3bf: {  	v56 =	vld.idx.msk [tilespmem:v62+s13+$0x0], $0xffff;
	v57 =	vor.u32 v0, v48  }
0x3c0: {  	v58 =	vor.u32 v51, v33;
	_ =	sdelay $0x3  }
0x3c1: {  	[tilespmem:v57+s19+$0x0] =	vst.idx.msk $0xffff, v56  }
0x3c2: {  	v59 =	vor.u32 v17, v48;
	v49 =	vld.idx.msk [tilespmem:v58+s13+$0x0], $0xffff  }
0x3c3: {  	v60 =	vor.u32 v51, v34;
	_ =	sdelay $0x3  }
0x3c4: {  	[tilespmem:v59+s19+$0x0] =	vst.idx.msk $0xffff, v49  }
0x3c5: {  	v61 =	vor.u32 v18, v48;
	v49 =	vld.idx.msk [tilespmem:v60+s13+$0x0], $0xffff  }
0x3c6: {  	v62 =	vor.u32 v51, v35;
	_ =	sdelay $0x3  }
0x3c7: {  	[tilespmem:v61+s19+$0x0] =	vst.idx.msk $0xffff, v49  }
0x3c8: {  	v63 =	vor.u32 v19, v48;
	v49 =	vld.idx.msk [tilespmem:v62+s13+$0x0], $0xffff  }
0x3c9: {  	v56 =	vor.u32 v51, v36;
	_ =	sdelay $0x3  }
0x3ca: {  	[tilespmem:v63+s19+$0x0] =	vst.idx.msk $0xffff, v49  }
0x3cb: {  	v57 =	vor.u32 v20, v48;
	v49 =	vld.idx.msk [tilespmem:v56+s13+$0x0], $0xffff  }
0x3cc: {  	v58 =	vor.u32 v51, v37;
	_ =	sdelay $0x3  }
0x3cd: {  	[tilespmem:v57+s19+$0x0] =	vst.idx.msk $0xffff, v49  }
0x3ce: {  	v59 =	vor.u32 v21, v48;
	v49 =	vld.idx.msk [tilespmem:v58+s13+$0x0], $0xffff  }
0x3cf: {  	v60 =	vor.u32 v51, v38;
	_ =	sdelay $0x3  }
0x3d0: {  	[tilespmem:v59+s19+$0x0] =	vst.idx.msk $0xffff, v49  }
0x3d1: {  	v61 =	vor.u32 v22, v48;
	v49 =	vld.idx.msk [tilespmem:v60+s13+$0x0], $0xffff  }
0x3d2: {  	v62 =	vor.u32 v51, v39;
	_ =	sdelay $0x3  }
0x3d3: {  	[tilespmem:v61+s19+$0x0] =	vst.idx.msk $0xffff, v49  }
0x3d4: {  	v63 =	vor.u32 v23, v48;
	v49 =	vld.idx.msk [tilespmem:v62+s13+$0x0], $0xffff  }
0x3d5: {  	v56 =	vor.u32 v51, v40;
	_ =	sdelay $0x3  }
0x3d6: {  	[tilespmem:v63+s19+$0x0] =	vst.idx.msk $0xffff, v49  }
0x3d7: {  	v57 =	vor.u32 v24, v48;
	v49 =	vld.idx.msk [tilespmem:v56+s13+$0x0], $0xffff  }
0x3d8: {  	v58 =	vor.u32 v51, v41;
	_ =	sdelay $0x3  }
0x3d9: {  	[tilespmem:v57+s19+$0x0] =	vst.idx.msk $0xffff, v49  }
0x3da: {  	v59 =	vor.u32 v25, v48;
	v49 =	vld.idx.msk [tilespmem:v58+s13+$0x0], $0xffff  }
0x3db: {  	v60 =	vor.u32 v51, v42;
	_ =	sdelay $0x3  }
0x3dc: {  	[tilespmem:v59+s19+$0x0] =	vst.idx.msk $0xffff, v49  }
0x3dd: {  	v61 =	vor.u32 v26, v48;
	v49 =	vld.idx.msk [tilespmem:v60+s13+$0x0], $0xffff  }
0x3de: {  	v62 =	vor.u32 v51, v43;
	_ =	sdelay $0x3  }
0x3df: {  	[tilespmem:v61+s19+$0x0] =	vst.idx.msk $0xffff, v49  }
0x3e0: {  	v63 =	vor.u32 v27, v48;
	v49 =	vld.idx.msk [tilespmem:v62+s13+$0x0], $0xffff  }
0x3e1: {  	v56 =	vor.u32 v51, v44;
	_ =	sdelay $0x3  }
0x3e2: {  	[tilespmem:v63+s19+$0x0] =	vst.idx.msk $0xffff, v49  }
0x3e3: {  	v57 =	vor.u32 v28, v48;
	v49 =	vld.idx.msk [tilespmem:v56+s13+$0x0], $0xffff  }
0x3e4: {  	v58 =	vor.u32 v51, v45;
	_ =	sdelay $0x3  }
0x3e5: {  	[tilespmem:v57+s19+$0x0] =	vst.idx.msk $0xffff, v49  }
0x3e6: {  	v59 =	vor.u32 v29, v48;
	v49 =	vld.idx.msk [tilespmem:v58+s13+$0x0], $0xffff  }
0x3e7: {  	v60 =	vor.u32 v51, v46;
	_ =	sdelay $0x3  }
0x3e8: {  	[tilespmem:v59+s19+$0x0] =	vst.idx.msk $0xffff, v49  }
0x3e9: {  	v61 =	vor.u32 v30, v48;
	v49 =	vld.idx.msk [tilespmem:v60+s13+$0x0], $0xffff  }
0x3ea: {  	v51 =	vor.u32 v51, v47;
	_ =	sdelay $0x2  }
0x3eb: {  	s31 =	simm.s32 $0x3  }
0x3ec: {  	v62 =	vadd.s32 s31, v0;
	[tilespmem:v61+s19+$0x0] =	vst.idx.msk $0xffff, v49  }
0x3ed: {  	v48 =	vor.u32 v31, v48;
	v50 =	vld.idx.msk [tilespmem:v51+s13+$0x0], $0xffff;
	v51 =	vand.u32 $0x3F, v62  }
0x3ee: {  	v63 =	vor.u32 v51, v32;
	_ =	sdelay $0x1  }
0x3ef: {  	v56 =	vshll.u32 v62, $0x8;
	v49 =	vshll.u32 v62, $0x7  }
0x3f0: {  	v53 =	vand.u32 $0x3800, v56;
	v49 =	vand.u32 $0x380, v49  }
0x3f1: {  	[tilespmem:v48+s19+$0x0] =	vst.idx.msk $0xffff, v50;
	v48 =	vor.u32 v49, v53  }
0x3f2: {  	v57 =	vld.idx.msk [tilespmem:v63+s13+$0x0], $0xffff;
	v58 =	vor.u32 v0, v48  }
0x3f3: {  	v59 =	vor.u32 v51, v33;
	_ =	sdelay $0x3  }
0x3f4: {  	[tilespmem:v58+s19+$0x0] =	vst.idx.msk $0xffff, v57  }
0x3f5: {  	v60 =	vor.u32 v17, v48;
	v49 =	vld.idx.msk [tilespmem:v59+s13+$0x0], $0xffff  }
0x3f6: {  	v61 =	vor.u32 v51, v34;
	_ =	sdelay $0x3  }
0x3f7: {  	[tilespmem:v60+s19+$0x0] =	vst.idx.msk $0xffff, v49  }
0x3f8: {  	v62 =	vor.u32 v18, v48;
	v49 =	vld.idx.msk [tilespmem:v61+s13+$0x0], $0xffff  }
0x3f9: {  	v63 =	vor.u32 v51, v35;
	_ =	sdelay $0x3  }
0x3fa: {  	[tilespmem:v62+s19+$0x0] =	vst.idx.msk $0xffff, v49  }
0x3fb: {  	v56 =	vor.u32 v19, v48;
	v49 =	vld.idx.msk [tilespmem:v63+s13+$0x0], $0xffff  }
0x3fc: {  	v57 =	vor.u32 v51, v36;
	_ =	sdelay $0x3  }
0x3fd: {  	[tilespmem:v56+s19+$0x0] =	vst.idx.msk $0xffff, v49  }
0x3fe: {  	v58 =	vor.u32 v20, v48;
	v49 =	vld.idx.msk [tilespmem:v57+s13+$0x0], $0xffff  }
0x3ff: {  	v59 =	vor.u32 v51, v37;
	_ =	sdelay $0x3  }
0x400: {  	[tilespmem:v58+s19+$0x0] =	vst.idx.msk $0xffff, v49  }
0x401: {  	v60 =	vor.u32 v21, v48;
	v49 =	vld.idx.msk [tilespmem:v59+s13+$0x0], $0xffff  }
0x402: {  	v61 =	vor.u32 v51, v38;
	_ =	sdelay $0x3  }
0x403: {  	[tilespmem:v60+s19+$0x0] =	vst.idx.msk $0xffff, v49  }
0x404: {  	v62 =	vor.u32 v22, v48;
	v49 =	vld.idx.msk [tilespmem:v61+s13+$0x0], $0xffff  }
0x405: {  	v63 =	vor.u32 v51, v39;
	_ =	sdelay $0x3  }
0x406: {  	[tilespmem:v62+s19+$0x0] =	vst.idx.msk $0xffff, v49  }
0x407: {  	v56 =	vor.u32 v23, v48;
	v49 =	vld.idx.msk [tilespmem:v63+s13+$0x0], $0xffff  }
0x408: {  	v57 =	vor.u32 v51, v40;
	_ =	sdelay $0x3  }
0x409: {  	[tilespmem:v56+s19+$0x0] =	vst.idx.msk $0xffff, v49  }
0x40a: {  	v58 =	vor.u32 v24, v48;
	v49 =	vld.idx.msk [tilespmem:v57+s13+$0x0], $0xffff  }
0x40b: {  	v59 =	vor.u32 v51, v41;
	_ =	sdelay $0x3  }
0x40c: {  	[tilespmem:v58+s19+$0x0] =	vst.idx.msk $0xffff, v49  }
0x40d: {  	v60 =	vor.u32 v25, v48;
	v49 =	vld.idx.msk [tilespmem:v59+s13+$0x0], $0xffff  }
0x40e: {  	v61 =	vor.u32 v51, v42;
	_ =	sdelay $0x3  }
0x40f: {  	[tilespmem:v60+s19+$0x0] =	vst.idx.msk $0xffff, v49  }
0x410: {  	v62 =	vor.u32 v26, v48;
	v49 =	vld.idx.msk [tilespmem:v61+s13+$0x0], $0xffff  }
0x411: {  	v63 =	vor.u32 v51, v43;
	_ =	sdelay $0x3  }
0x412: {  	[tilespmem:v62+s19+$0x0] =	vst.idx.msk $0xffff, v49  }
0x413: {  	v56 =	vor.u32 v27, v48;
	v49 =	vld.idx.msk [tilespmem:v63+s13+$0x0], $0xffff  }
0x414: {  	v57 =	vor.u32 v51, v44;
	_ =	sdelay $0x3  }
0x415: {  	[tilespmem:v56+s19+$0x0] =	vst.idx.msk $0xffff, v49  }
0x416: {  	v58 =	vor.u32 v28, v48;
	v49 =	vld.idx.msk [tilespmem:v57+s13+$0x0], $0xffff  }
0x417: {  	v59 =	vor.u32 v51, v45;
	_ =	sdelay $0x3  }
0x418: {  	[tilespmem:v58+s19+$0x0] =	vst.idx.msk $0xffff, v49  }
0x419: {  	v60 =	vor.u32 v29, v48;
	v49 =	vld.idx.msk [tilespmem:v59+s13+$0x0], $0xffff  }
0x41a: {  	v61 =	vor.u32 v51, v46;
	_ =	sdelay $0x3  }
0x41b: {  	[tilespmem:v60+s19+$0x0] =	vst.idx.msk $0xffff, v49  }
0x41c: {  	v62 =	vor.u32 v30, v48;
	v49 =	vld.idx.msk [tilespmem:v61+s13+$0x0], $0xffff  }
0x41d: {  	v63 =	vor.u32 v51, v47;
	_ =	sdelay $0x3  }
0x41e: {  	s26 =	simm.s32 $0x4;
	[tilespmem:v62+s19+$0x0] =	vst.idx.msk $0xffff, v49  }
0x41f: {  	s28 =	simm.s32 $0x8;
	v51 =	vadd.s32 s26, v0;
	v50 =	vld.idx.msk [tilespmem:v63+s13+$0x0], $0xffff  }
.LBB2_5:
0x420: {  	p0 =	sne.s32 s28, $0x3C;
	v49 =	vand.u32 $0x3F, v51;
	v48 =	vor.u32 v31, v48  }
0x421: {  	v52 =	vor.u32 v49, v32;
	_ =	sdelay $0x2  }
0x422: {  	v53 =	vshll.u32 v51, $0x8;
	v51 =	vshll.u32 v51, $0x7  }
0x423: {  	v53 =	vand.u32 $0x3800, v53;
	v51 =	vand.u32 $0x380, v51;
	[tilespmem:v48+s19+$0x0] =	vst.idx.msk $0xffff, v50  }
0x424: {  	v48 =	vor.u32 v51, v53;
	v50 =	vld.idx.msk [tilespmem:v52+s13+$0x0], $0xffff  }
0x425: {  	v51 =	vor.u32 v0, v48  }
0x426: {  	v52 =	vor.u32 v49, v33;
	_ =	sdelay $0x3  }
0x427: {  	[tilespmem:v51+s19+$0x0] =	vst.idx.msk $0xffff, v50  }
0x428: {  	v50 =	vld.idx.msk [tilespmem:v52+s13+$0x0], $0xffff  }
0x429: {  	v51 =	vor.u32 v17, v48  }
0x42a: {  	v52 =	vor.u32 v49, v34;
	_ =	sdelay $0x3  }
0x42b: {  	[tilespmem:v51+s19+$0x0] =	vst.idx.msk $0xffff, v50  }
0x42c: {  	v50 =	vld.idx.msk [tilespmem:v52+s13+$0x0], $0xffff  }
0x42d: {  	v51 =	vor.u32 v18, v48  }
0x42e: {  	v52 =	vor.u32 v49, v35;
	_ =	sdelay $0x3  }
0x42f: {  	[tilespmem:v51+s19+$0x0] =	vst.idx.msk $0xffff, v50  }
0x430: {  	v50 =	vld.idx.msk [tilespmem:v52+s13+$0x0], $0xffff  }
0x431: {  	v51 =	vor.u32 v19, v48  }
0x432: {  	v52 =	vor.u32 v49, v36;
	_ =	sdelay $0x3  }
0x433: {  	[tilespmem:v51+s19+$0x0] =	vst.idx.msk $0xffff, v50  }
0x434: {  	v50 =	vld.idx.msk [tilespmem:v52+s13+$0x0], $0xffff  }
0x435: {  	v51 =	vor.u32 v20, v48  }
0x436: {  	v52 =	vor.u32 v49, v37;
	_ =	sdelay $0x3  }
0x437: {  	[tilespmem:v51+s19+$0x0] =	vst.idx.msk $0xffff, v50  }
0x438: {  	v50 =	vld.idx.msk [tilespmem:v52+s13+$0x0], $0xffff  }
0x439: {  	v51 =	vor.u32 v21, v48  }
0x43a: {  	v52 =	vor.u32 v49, v38;
	_ =	sdelay $0x3  }
0x43b: {  	[tilespmem:v51+s19+$0x0] =	vst.idx.msk $0xffff, v50  }
0x43c: {  	v50 =	vld.idx.msk [tilespmem:v52+s13+$0x0], $0xffff  }
0x43d: {  	v51 =	vor.u32 v22, v48  }
0x43e: {  	v52 =	vor.u32 v49, v39;
	_ =	sdelay $0x3  }
0x43f: {  	[tilespmem:v51+s19+$0x0] =	vst.idx.msk $0xffff, v50  }
0x440: {  	v50 =	vld.idx.msk [tilespmem:v52+s13+$0x0], $0xffff  }
0x441: {  	v51 =	vor.u32 v23, v48  }
0x442: {  	v52 =	vor.u32 v49, v40;
	_ =	sdelay $0x3  }
0x443: {  	[tilespmem:v51+s19+$0x0] =	vst.idx.msk $0xffff, v50  }
0x444: {  	v50 =	vld.idx.msk [tilespmem:v52+s13+$0x0], $0xffff  }
0x445: {  	v51 =	vor.u32 v24, v48  }
0x446: {  	v52 =	vor.u32 v49, v41;
	_ =	sdelay $0x3  }
0x447: {  	[tilespmem:v51+s19+$0x0] =	vst.idx.msk $0xffff, v50  }
0x448: {  	v50 =	vld.idx.msk [tilespmem:v52+s13+$0x0], $0xffff  }
0x449: {  	v51 =	vor.u32 v25, v48  }
0x44a: {  	v52 =	vor.u32 v49, v42;
	_ =	sdelay $0x3  }
0x44b: {  	[tilespmem:v51+s19+$0x0] =	vst.idx.msk $0xffff, v50  }
0x44c: {  	v50 =	vld.idx.msk [tilespmem:v52+s13+$0x0], $0xffff  }
0x44d: {  	v51 =	vor.u32 v26, v48  }
0x44e: {  	v52 =	vor.u32 v49, v43;
	_ =	sdelay $0x3  }
0x44f: {  	[tilespmem:v51+s19+$0x0] =	vst.idx.msk $0xffff, v50  }
0x450: {  	v50 =	vld.idx.msk [tilespmem:v52+s13+$0x0], $0xffff  }
0x451: {  	v51 =	vor.u32 v27, v48  }
0x452: {  	v52 =	vor.u32 v49, v44;
	_ =	sdelay $0x3  }
0x453: {  	[tilespmem:v51+s19+$0x0] =	vst.idx.msk $0xffff, v50  }
0x454: {  	v50 =	vld.idx.msk [tilespmem:v52+s13+$0x0], $0xffff  }
0x455: {  	v51 =	vor.u32 v28, v48  }
0x456: {  	v52 =	vor.u32 v49, v45;
	_ =	sdelay $0x3  }
0x457: {  	[tilespmem:v51+s19+$0x0] =	vst.idx.msk $0xffff, v50  }
0x458: {  	v50 =	vld.idx.msk [tilespmem:v52+s13+$0x0], $0xffff  }
0x459: {  	v51 =	vor.u32 v29, v48  }
0x45a: {  	v52 =	vor.u32 v49, v46;
	_ =	sdelay $0x3  }
0x45b: {  	[tilespmem:v51+s19+$0x0] =	vst.idx.msk $0xffff, v50  }
0x45c: {  	v50 =	vld.idx.msk [tilespmem:v52+s13+$0x0], $0xffff  }
0x45d: {  	v51 =	vor.u32 v30, v48  }
0x45e: {  	v49 =	vor.u32 v49, v47;
	_ =	sdelay $0x3  }
0x45f: {  	s29 =	sadd.s32 $0x1, s26;
	[tilespmem:v51+s19+$0x0] =	vst.idx.msk $0xffff, v50  }
0x460: {  	v50 =	vadd.s32 s29, v0;
	v49 =	vld.idx.msk [tilespmem:v49+s13+$0x0], $0xffff  }
0x461: {  	v51 =	vor.u32 v31, v48;
	v48 =	vand.u32 $0x3F, v50  }
0x462: {  	v52 =	vor.u32 v48, v32;
	_ =	sdelay $0x2  }
0x463: {  	v53 =	vshll.u32 v50, $0x8;
	v50 =	vshll.u32 v50, $0x7  }
0x464: {  	v50 =	vand.u32 $0x380, v50;
	[tilespmem:v51+s19+$0x0] =	vst.idx.msk $0xffff, v49;
	v49 =	vand.u32 $0x3800, v53  }
0x465: {  	v51 =	vld.idx.msk [tilespmem:v52+s13+$0x0], $0xffff;
	v49 =	vor.u32 v50, v49  }
0x466: {  	v50 =	vor.u32 v0, v49  }
0x467: {  	v52 =	vor.u32 v48, v33;
	_ =	sdelay $0x3  }
0x468: {  	[tilespmem:v50+s19+$0x0] =	vst.idx.msk $0xffff, v51  }
0x469: {  	v50 =	vld.idx.msk [tilespmem:v52+s13+$0x0], $0xffff  }
0x46a: {  	v51 =	vor.u32 v17, v49  }
0x46b: {  	v52 =	vor.u32 v48, v34;
	_ =	sdelay $0x3  }
0x46c: {  	[tilespmem:v51+s19+$0x0] =	vst.idx.msk $0xffff, v50  }
0x46d: {  	v50 =	vld.idx.msk [tilespmem:v52+s13+$0x0], $0xffff  }
0x46e: {  	v51 =	vor.u32 v18, v49  }
0x46f: {  	v52 =	vor.u32 v48, v35;
	_ =	sdelay $0x3  }
0x470: {  	[tilespmem:v51+s19+$0x0] =	vst.idx.msk $0xffff, v50  }
0x471: {  	v50 =	vld.idx.msk [tilespmem:v52+s13+$0x0], $0xffff  }
0x472: {  	v51 =	vor.u32 v19, v49  }
0x473: {  	v52 =	vor.u32 v48, v36;
	_ =	sdelay $0x3  }
0x474: {  	[tilespmem:v51+s19+$0x0] =	vst.idx.msk $0xffff, v50  }
0x475: {  	v50 =	vld.idx.msk [tilespmem:v52+s13+$0x0], $0xffff  }
0x476: {  	v51 =	vor.u32 v20, v49  }
0x477: {  	v52 =	vor.u32 v48, v37;
	_ =	sdelay $0x3  }
0x478: {  	[tilespmem:v51+s19+$0x0] =	vst.idx.msk $0xffff, v50  }
0x479: {  	v50 =	vld.idx.msk [tilespmem:v52+s13+$0x0], $0xffff  }
0x47a: {  	v51 =	vor.u32 v21, v49  }
0x47b: {  	v52 =	vor.u32 v48, v38;
	_ =	sdelay $0x3  }
0x47c: {  	[tilespmem:v51+s19+$0x0] =	vst.idx.msk $0xffff, v50  }
0x47d: {  	v50 =	vld.idx.msk [tilespmem:v52+s13+$0x0], $0xffff  }
0x47e: {  	v51 =	vor.u32 v22, v49  }
0x47f: {  	v52 =	vor.u32 v48, v39;
	_ =	sdelay $0x3  }
0x480: {  	[tilespmem:v51+s19+$0x0] =	vst.idx.msk $0xffff, v50  }
0x481: {  	v50 =	vld.idx.msk [tilespmem:v52+s13+$0x0], $0xffff  }
0x482: {  	v51 =	vor.u32 v23, v49  }
0x483: {  	v52 =	vor.u32 v48, v40;
	_ =	sdelay $0x3  }
0x484: {  	[tilespmem:v51+s19+$0x0] =	vst.idx.msk $0xffff, v50  }
0x485: {  	v50 =	vld.idx.msk [tilespmem:v52+s13+$0x0], $0xffff  }
0x486: {  	v51 =	vor.u32 v24, v49  }
0x487: {  	v52 =	vor.u32 v48, v41;
	_ =	sdelay $0x3  }
0x488: {  	[tilespmem:v51+s19+$0x0] =	vst.idx.msk $0xffff, v50  }
0x489: {  	v50 =	vld.idx.msk [tilespmem:v52+s13+$0x0], $0xffff  }
0x48a: {  	v51 =	vor.u32 v25, v49  }
0x48b: {  	v52 =	vor.u32 v48, v42;
	_ =	sdelay $0x3  }
0x48c: {  	[tilespmem:v51+s19+$0x0] =	vst.idx.msk $0xffff, v50  }
0x48d: {  	v50 =	vld.idx.msk [tilespmem:v52+s13+$0x0], $0xffff  }
0x48e: {  	v51 =	vor.u32 v26, v49  }
0x48f: {  	v52 =	vor.u32 v48, v43;
	_ =	sdelay $0x3  }
0x490: {  	[tilespmem:v51+s19+$0x0] =	vst.idx.msk $0xffff, v50  }
0x491: {  	v50 =	vld.idx.msk [tilespmem:v52+s13+$0x0], $0xffff  }
0x492: {  	v51 =	vor.u32 v27, v49  }
0x493: {  	v52 =	vor.u32 v48, v44;
	_ =	sdelay $0x3  }
0x494: {  	[tilespmem:v51+s19+$0x0] =	vst.idx.msk $0xffff, v50  }
0x495: {  	v50 =	vld.idx.msk [tilespmem:v52+s13+$0x0], $0xffff  }
0x496: {  	v51 =	vor.u32 v28, v49  }
0x497: {  	v52 =	vor.u32 v48, v45;
	_ =	sdelay $0x3  }
0x498: {  	[tilespmem:v51+s19+$0x0] =	vst.idx.msk $0xffff, v50  }
0x499: {  	v50 =	vld.idx.msk [tilespmem:v52+s13+$0x0], $0xffff  }
0x49a: {  	v51 =	vor.u32 v29, v49  }
0x49b: {  	v52 =	vor.u32 v48, v46;
	_ =	sdelay $0x3  }
0x49c: {  	[tilespmem:v51+s19+$0x0] =	vst.idx.msk $0xffff, v50  }
0x49d: {  	v50 =	vld.idx.msk [tilespmem:v52+s13+$0x0], $0xffff  }
0x49e: {  	v51 =	vor.u32 v30, v49  }
0x49f: {  	v48 =	vor.u32 v48, v47;
	_ =	sdelay $0x3  }
0x4a0: {  	s29 =	sadd.s32 $0x2, s26;
	[tilespmem:v51+s19+$0x0] =	vst.idx.msk $0xffff, v50  }
0x4a1: {  	v51 =	vadd.s32 s29, v0;
	v50 =	vld.idx.msk [tilespmem:v48+s13+$0x0], $0xffff  }
0x4a2: {  	v49 =	vor.u32 v31, v49;
	v48 =	vand.u32 $0x3F, v51  }
0x4a3: {  	v52 =	vor.u32 v48, v32;
	_ =	sdelay $0x2  }
0x4a4: {  	v53 =	vshll.u32 v51, $0x8;
	v51 =	vshll.u32 v51, $0x7  }
0x4a5: {  	[tilespmem:v49+s19+$0x0] =	vst.idx.msk $0xffff, v50;
	v49 =	vand.u32 $0x3800, v53;
	v50 =	vand.u32 $0x380, v51  }
0x4a6: {  	v51 =	vld.idx.msk [tilespmem:v52+s13+$0x0], $0xffff;
	v49 =	vor.u32 v50, v49  }
0x4a7: {  	v50 =	vor.u32 v0, v49  }
0x4a8: {  	v52 =	vor.u32 v48, v33;
	_ =	sdelay $0x3  }
0x4a9: {  	[tilespmem:v50+s19+$0x0] =	vst.idx.msk $0xffff, v51  }
0x4aa: {  	v50 =	vld.idx.msk [tilespmem:v52+s13+$0x0], $0xffff  }
0x4ab: {  	v51 =	vor.u32 v17, v49  }
0x4ac: {  	v52 =	vor.u32 v48, v34;
	_ =	sdelay $0x3  }
0x4ad: {  	[tilespmem:v51+s19+$0x0] =	vst.idx.msk $0xffff, v50  }
0x4ae: {  	v50 =	vld.idx.msk [tilespmem:v52+s13+$0x0], $0xffff  }
0x4af: {  	v51 =	vor.u32 v18, v49  }
0x4b0: {  	v52 =	vor.u32 v48, v35;
	_ =	sdelay $0x3  }
0x4b1: {  	[tilespmem:v51+s19+$0x0] =	vst.idx.msk $0xffff, v50  }
0x4b2: {  	v50 =	vld.idx.msk [tilespmem:v52+s13+$0x0], $0xffff  }
0x4b3: {  	v51 =	vor.u32 v19, v49  }
0x4b4: {  	v52 =	vor.u32 v48, v36;
	_ =	sdelay $0x3  }
0x4b5: {  	[tilespmem:v51+s19+$0x0] =	vst.idx.msk $0xffff, v50  }
0x4b6: {  	v50 =	vld.idx.msk [tilespmem:v52+s13+$0x0], $0xffff  }
0x4b7: {  	v51 =	vor.u32 v20, v49  }
0x4b8: {  	v52 =	vor.u32 v48, v37;
	_ =	sdelay $0x3  }
0x4b9: {  	[tilespmem:v51+s19+$0x0] =	vst.idx.msk $0xffff, v50  }
0x4ba: {  	v50 =	vld.idx.msk [tilespmem:v52+s13+$0x0], $0xffff  }
0x4bb: {  	v51 =	vor.u32 v21, v49  }
0x4bc: {  	v52 =	vor.u32 v48, v38;
	_ =	sdelay $0x3  }
0x4bd: {  	[tilespmem:v51+s19+$0x0] =	vst.idx.msk $0xffff, v50  }
0x4be: {  	v50 =	vld.idx.msk [tilespmem:v52+s13+$0x0], $0xffff  }
0x4bf: {  	v51 =	vor.u32 v22, v49  }
0x4c0: {  	v52 =	vor.u32 v48, v39;
	_ =	sdelay $0x3  }
0x4c1: {  	[tilespmem:v51+s19+$0x0] =	vst.idx.msk $0xffff, v50  }
0x4c2: {  	v50 =	vld.idx.msk [tilespmem:v52+s13+$0x0], $0xffff  }
0x4c3: {  	v51 =	vor.u32 v23, v49  }
0x4c4: {  	v52 =	vor.u32 v48, v40;
	_ =	sdelay $0x3  }
0x4c5: {  	[tilespmem:v51+s19+$0x0] =	vst.idx.msk $0xffff, v50  }
0x4c6: {  	v50 =	vld.idx.msk [tilespmem:v52+s13+$0x0], $0xffff  }
0x4c7: {  	v51 =	vor.u32 v24, v49  }
0x4c8: {  	v52 =	vor.u32 v48, v41;
	_ =	sdelay $0x3  }
0x4c9: {  	[tilespmem:v51+s19+$0x0] =	vst.idx.msk $0xffff, v50  }
0x4ca: {  	v50 =	vld.idx.msk [tilespmem:v52+s13+$0x0], $0xffff  }
0x4cb: {  	v51 =	vor.u32 v25, v49  }
0x4cc: {  	v52 =	vor.u32 v48, v42;
	_ =	sdelay $0x3  }
0x4cd: {  	[tilespmem:v51+s19+$0x0] =	vst.idx.msk $0xffff, v50  }
0x4ce: {  	v50 =	vld.idx.msk [tilespmem:v52+s13+$0x0], $0xffff  }
0x4cf: {  	v51 =	vor.u32 v26, v49  }
0x4d0: {  	v52 =	vor.u32 v48, v43;
	_ =	sdelay $0x3  }
0x4d1: {  	[tilespmem:v51+s19+$0x0] =	vst.idx.msk $0xffff, v50  }
0x4d2: {  	v50 =	vld.idx.msk [tilespmem:v52+s13+$0x0], $0xffff  }
0x4d3: {  	v51 =	vor.u32 v27, v49  }
0x4d4: {  	v52 =	vor.u32 v48, v44;
	_ =	sdelay $0x3  }
0x4d5: {  	[tilespmem:v51+s19+$0x0] =	vst.idx.msk $0xffff, v50  }
0x4d6: {  	v50 =	vld.idx.msk [tilespmem:v52+s13+$0x0], $0xffff  }
0x4d7: {  	v51 =	vor.u32 v28, v49  }
0x4d8: {  	v52 =	vor.u32 v48, v45;
	_ =	sdelay $0x3  }
0x4d9: {  	[tilespmem:v51+s19+$0x0] =	vst.idx.msk $0xffff, v50  }
0x4da: {  	v50 =	vld.idx.msk [tilespmem:v52+s13+$0x0], $0xffff  }
0x4db: {  	v51 =	vor.u32 v29, v49  }
0x4dc: {  	v52 =	vor.u32 v48, v46;
	_ =	sdelay $0x3  }
0x4dd: {  	[tilespmem:v51+s19+$0x0] =	vst.idx.msk $0xffff, v50  }
0x4de: {  	v50 =	vld.idx.msk [tilespmem:v52+s13+$0x0], $0xffff  }
0x4df: {  	v51 =	vor.u32 v30, v49  }
0x4e0: {  	v48 =	vor.u32 v48, v47;
	_ =	sdelay $0x3  }
0x4e1: {  	s29 =	sadd.s32 $0x3, s26;
	s26 =	smov.u32 s28;
	[tilespmem:v51+s19+$0x0] =	vst.idx.msk $0xffff, v50  }
0x4e2: {  	v50 =	vadd.s32 s29, v0;
	v48 =	vld.idx.msk [tilespmem:v48+s13+$0x0], $0xffff  }
0x4e3: {  	v51 =	vor.u32 v31, v49;
	v49 =	vand.u32 $0x3F, v50  }
0x4e4: {  	v52 =	vor.u32 v49, v32;
	_ =	sdelay $0x2  }
0x4e5: {  	v53 =	vshll.u32 v50, $0x8;
	v50 =	vshll.u32 v50, $0x7  }
0x4e6: {  	v50 =	vand.u32 $0x380, v50;
	[tilespmem:v51+s19+$0x0] =	vst.idx.msk $0xffff, v48;
	v48 =	vand.u32 $0x3800, v53  }
0x4e7: {  	v51 =	vld.idx.msk [tilespmem:v52+s13+$0x0], $0xffff;
	v48 =	vor.u32 v50, v48  }
0x4e8: {  	v50 =	vor.u32 v0, v48  }
0x4e9: {  	v52 =	vor.u32 v49, v33;
	_ =	sdelay $0x3  }
0x4ea: {  	[tilespmem:v50+s19+$0x0] =	vst.idx.msk $0xffff, v51  }
0x4eb: {  	v50 =	vld.idx.msk [tilespmem:v52+s13+$0x0], $0xffff  }
0x4ec: {  	v51 =	vor.u32 v17, v48  }
0x4ed: {  	v52 =	vor.u32 v49, v34;
	_ =	sdelay $0x3  }
0x4ee: {  	[tilespmem:v51+s19+$0x0] =	vst.idx.msk $0xffff, v50  }
0x4ef: {  	v50 =	vld.idx.msk [tilespmem:v52+s13+$0x0], $0xffff  }
0x4f0: {  	v51 =	vor.u32 v18, v48  }
0x4f1: {  	v52 =	vor.u32 v49, v35;
	_ =	sdelay $0x3  }
0x4f2: {  	[tilespmem:v51+s19+$0x0] =	vst.idx.msk $0xffff, v50  }
0x4f3: {  	v50 =	vld.idx.msk [tilespmem:v52+s13+$0x0], $0xffff  }
0x4f4: {  	v51 =	vor.u32 v19, v48  }
0x4f5: {  	v52 =	vor.u32 v49, v36;
	_ =	sdelay $0x3  }
0x4f6: {  	[tilespmem:v51+s19+$0x0] =	vst.idx.msk $0xffff, v50  }
0x4f7: {  	v50 =	vld.idx.msk [tilespmem:v52+s13+$0x0], $0xffff  }
0x4f8: {  	v51 =	vor.u32 v20, v48  }
0x4f9: {  	v52 =	vor.u32 v49, v37;
	_ =	sdelay $0x3  }
0x4fa: {  	[tilespmem:v51+s19+$0x0] =	vst.idx.msk $0xffff, v50  }
0x4fb: {  	v50 =	vld.idx.msk [tilespmem:v52+s13+$0x0], $0xffff  }
0x4fc: {  	v51 =	vor.u32 v21, v48  }
0x4fd: {  	v52 =	vor.u32 v49, v38;
	_ =	sdelay $0x3  }
0x4fe: {  	[tilespmem:v51+s19+$0x0] =	vst.idx.msk $0xffff, v50  }
0x4ff: {  	v50 =	vld.idx.msk [tilespmem:v52+s13+$0x0], $0xffff  }
0x500: {  	v51 =	vor.u32 v22, v48  }
0x501: {  	v52 =	vor.u32 v49, v39;
	_ =	sdelay $0x3  }
0x502: {  	[tilespmem:v51+s19+$0x0] =	vst.idx.msk $0xffff, v50  }
0x503: {  	v50 =	vld.idx.msk [tilespmem:v52+s13+$0x0], $0xffff  }
0x504: {  	v51 =	vor.u32 v23, v48  }
0x505: {  	v52 =	vor.u32 v49, v40;
	_ =	sdelay $0x3  }
0x506: {  	[tilespmem:v51+s19+$0x0] =	vst.idx.msk $0xffff, v50  }
0x507: {  	v50 =	vld.idx.msk [tilespmem:v52+s13+$0x0], $0xffff  }
0x508: {  	v51 =	vor.u32 v24, v48  }
0x509: {  	v52 =	vor.u32 v49, v41;
	_ =	sdelay $0x3  }
0x50a: {  	[tilespmem:v51+s19+$0x0] =	vst.idx.msk $0xffff, v50  }
0x50b: {  	v50 =	vld.idx.msk [tilespmem:v52+s13+$0x0], $0xffff  }
0x50c: {  	v51 =	vor.u32 v25, v48  }
0x50d: {  	v52 =	vor.u32 v49, v42;
	_ =	sdelay $0x3  }
0x50e: {  	[tilespmem:v51+s19+$0x0] =	vst.idx.msk $0xffff, v50  }
0x50f: {  	v50 =	vld.idx.msk [tilespmem:v52+s13+$0x0], $0xffff  }
0x510: {  	v51 =	vor.u32 v26, v48  }
0x511: {  	v52 =	vor.u32 v49, v43;
	_ =	sdelay $0x3  }
0x512: {  	[tilespmem:v51+s19+$0x0] =	vst.idx.msk $0xffff, v50  }
0x513: {  	v50 =	vld.idx.msk [tilespmem:v52+s13+$0x0], $0xffff  }
0x514: {  	v51 =	vor.u32 v27, v48  }
0x515: {  	v52 =	vor.u32 v49, v44;
	_ =	sdelay $0x3  }
0x516: {  	[tilespmem:v51+s19+$0x0] =	vst.idx.msk $0xffff, v50  }
0x517: {  	v50 =	vld.idx.msk [tilespmem:v52+s13+$0x0], $0xffff  }
0x518: {  	v51 =	vor.u32 v28, v48  }
0x519: {  	v52 =	vor.u32 v49, v45;
	_ =	sdelay $0x3  }
0x51a: {  	[tilespmem:v51+s19+$0x0] =	vst.idx.msk $0xffff, v50  }
0x51b: {  	v50 =	vld.idx.msk [tilespmem:v52+s13+$0x0], $0xffff  }
0x51c: {  	v51 =	vor.u32 v29, v48  }
0x51d: {  	v52 =	vor.u32 v49, v46;
	_ =	sdelay $0x3  }
0x51e: {  	[tilespmem:v51+s19+$0x0] =	vst.idx.msk $0xffff, v50  }
0x51f: {  	v50 =	vld.idx.msk [tilespmem:v52+s13+$0x0], $0xffff  }
0x520: {  	v51 =	vor.u32 v30, v48  }
0x521: {  	v49 =	vor.u32 v49, v47  }
.Ltmp3:
0x522: {  	(pc) =	sbr.rel @p0 .LBB2_5-.Ltmp3, $3  }
0x523: {  	_ =	sdelay $0x1  }
0x524: {  	[tilespmem:v51+s19+$0x0] =	vst.idx.msk $0xffff, v50  }
0x525: {  	s28 =	sadd.s32 $0x4, s28;
	v51 =	vadd.s32 s26, v0;
	v50 =	vld.idx.msk [tilespmem:v49+s13+$0x0], $0xffff  }
0x526: {  	v49 =	vand.u32 $0x3F, v51;
	v48 =	vor.u32 v31, v48  }
0x527: {  	v52 =	vor.u32 v49, v32;
	_ =	sdelay $0x1  }
0x528: {  	v53 =	vshll.u32 v51, $0x8;
	v56 =	vshll.u32 v51, $0x7  }
0x529: {  	v53 =	vand.u32 $0x3800, v53;
	v51 =	vand.u32 $0x380, v56  }
0x52a: {  	[tilespmem:v48+s19+$0x0] =	vst.idx.msk $0xffff, v50;
	v48 =	vor.u32 v51, v53  }
0x52b: {  	v50 =	vld.idx.msk [tilespmem:v52+s13+$0x0], $0xffff;
	v51 =	vor.u32 v0, v48  }
0x52c: {  	v57 =	vor.u32 v49, v33;
	_ =	sdelay $0x3  }
0x52d: {  	[tilespmem:v51+s19+$0x0] =	vst.idx.msk $0xffff, v50  }
0x52e: {  	v58 =	vor.u32 v17, v48;
	v50 =	vld.idx.msk [tilespmem:v57+s13+$0x0], $0xffff  }
0x52f: {  	v59 =	vor.u32 v49, v34;
	_ =	sdelay $0x3  }
0x530: {  	[tilespmem:v58+s19+$0x0] =	vst.idx.msk $0xffff, v50  }
0x531: {  	v60 =	vor.u32 v18, v48;
	v50 =	vld.idx.msk [tilespmem:v59+s13+$0x0], $0xffff  }
0x532: {  	v61 =	vor.u32 v49, v35;
	_ =	sdelay $0x3  }
0x533: {  	[tilespmem:v60+s19+$0x0] =	vst.idx.msk $0xffff, v50  }
0x534: {  	v62 =	vor.u32 v19, v48;
	v50 =	vld.idx.msk [tilespmem:v61+s13+$0x0], $0xffff  }
0x535: {  	v63 =	vor.u32 v49, v36;
	_ =	sdelay $0x3  }
0x536: {  	[tilespmem:v62+s19+$0x0] =	vst.idx.msk $0xffff, v50  }
0x537: {  	v56 =	vor.u32 v20, v48;
	v50 =	vld.idx.msk [tilespmem:v63+s13+$0x0], $0xffff  }
0x538: {  	v57 =	vor.u32 v49, v37;
	_ =	sdelay $0x3  }
0x539: {  	[tilespmem:v56+s19+$0x0] =	vst.idx.msk $0xffff, v50  }
0x53a: {  	v58 =	vor.u32 v21, v48;
	v50 =	vld.idx.msk [tilespmem:v57+s13+$0x0], $0xffff  }
0x53b: {  	v59 =	vor.u32 v49, v38;
	_ =	sdelay $0x3  }
0x53c: {  	[tilespmem:v58+s19+$0x0] =	vst.idx.msk $0xffff, v50  }
0x53d: {  	v60 =	vor.u32 v22, v48;
	v50 =	vld.idx.msk [tilespmem:v59+s13+$0x0], $0xffff  }
0x53e: {  	v61 =	vor.u32 v49, v39;
	_ =	sdelay $0x3  }
0x53f: {  	[tilespmem:v60+s19+$0x0] =	vst.idx.msk $0xffff, v50  }
0x540: {  	v62 =	vor.u32 v23, v48;
	v50 =	vld.idx.msk [tilespmem:v61+s13+$0x0], $0xffff  }
0x541: {  	v63 =	vor.u32 v49, v40;
	_ =	sdelay $0x3  }
0x542: {  	[tilespmem:v62+s19+$0x0] =	vst.idx.msk $0xffff, v50  }
0x543: {  	v56 =	vor.u32 v24, v48;
	v50 =	vld.idx.msk [tilespmem:v63+s13+$0x0], $0xffff  }
0x544: {  	v57 =	vor.u32 v49, v41;
	_ =	sdelay $0x3  }
0x545: {  	[tilespmem:v56+s19+$0x0] =	vst.idx.msk $0xffff, v50  }
0x546: {  	v58 =	vor.u32 v25, v48;
	v50 =	vld.idx.msk [tilespmem:v57+s13+$0x0], $0xffff  }
0x547: {  	v59 =	vor.u32 v49, v42;
	_ =	sdelay $0x3  }
0x548: {  	[tilespmem:v58+s19+$0x0] =	vst.idx.msk $0xffff, v50  }
0x549: {  	v60 =	vor.u32 v26, v48;
	v50 =	vld.idx.msk [tilespmem:v59+s13+$0x0], $0xffff  }
0x54a: {  	v61 =	vor.u32 v49, v43;
	_ =	sdelay $0x3  }
0x54b: {  	[tilespmem:v60+s19+$0x0] =	vst.idx.msk $0xffff, v50  }
0x54c: {  	v62 =	vor.u32 v27, v48;
	v50 =	vld.idx.msk [tilespmem:v61+s13+$0x0], $0xffff  }
0x54d: {  	v63 =	vor.u32 v49, v44;
	_ =	sdelay $0x3  }
0x54e: {  	[tilespmem:v62+s19+$0x0] =	vst.idx.msk $0xffff, v50  }
0x54f: {  	v56 =	vor.u32 v28, v48;
	v50 =	vld.idx.msk [tilespmem:v63+s13+$0x0], $0xffff  }
0x550: {  	v57 =	vor.u32 v49, v45;
	_ =	sdelay $0x3  }
0x551: {  	[tilespmem:v56+s19+$0x0] =	vst.idx.msk $0xffff, v50  }
0x552: {  	v58 =	vor.u32 v29, v48;
	v50 =	vld.idx.msk [tilespmem:v57+s13+$0x0], $0xffff  }
0x553: {  	v59 =	vor.u32 v49, v46;
	_ =	sdelay $0x3  }
0x554: {  	[tilespmem:v58+s19+$0x0] =	vst.idx.msk $0xffff, v50  }
0x555: {  	v60 =	vor.u32 v30, v48;
	v50 =	vld.idx.msk [tilespmem:v59+s13+$0x0], $0xffff  }
0x556: {  	v49 =	vor.u32 v49, v47;
	_ =	sdelay $0x2  }
0x557: {  	s28 =	sadd.s32 $0x1, s26  }
0x558: {  	v61 =	vadd.s32 s28, v0;
	[tilespmem:v60+s19+$0x0] =	vst.idx.msk $0xffff, v50  }
0x559: {  	v48 =	vor.u32 v31, v48;
	v51 =	vand.u32 $0x3F, v61;
	v49 =	vld.idx.msk [tilespmem:v49+s13+$0x0], $0xffff  }
0x55a: {  	v62 =	vor.u32 v51, v32;
	_ =	sdelay $0x1  }
0x55b: {  	v63 =	vshll.u32 v61, $0x8;
	v50 =	vshll.u32 v61, $0x7  }
0x55c: {  	v53 =	vand.u32 $0x3800, v63;
	v50 =	vand.u32 $0x380, v50  }
0x55d: {  	[tilespmem:v48+s19+$0x0] =	vst.idx.msk $0xffff, v49;
	v48 =	vor.u32 v50, v53  }
0x55e: {  	v49 =	vld.idx.msk [tilespmem:v62+s13+$0x0], $0xffff;
	v50 =	vor.u32 v0, v48  }
0x55f: {  	v56 =	vor.u32 v51, v33;
	_ =	sdelay $0x3  }
0x560: {  	[tilespmem:v50+s19+$0x0] =	vst.idx.msk $0xffff, v49  }
0x561: {  	v57 =	vor.u32 v17, v48;
	v49 =	vld.idx.msk [tilespmem:v56+s13+$0x0], $0xffff  }
0x562: {  	v58 =	vor.u32 v51, v34;
	_ =	sdelay $0x3  }
0x563: {  	[tilespmem:v57+s19+$0x0] =	vst.idx.msk $0xffff, v49  }
0x564: {  	v59 =	vor.u32 v18, v48;
	v49 =	vld.idx.msk [tilespmem:v58+s13+$0x0], $0xffff  }
0x565: {  	v60 =	vor.u32 v51, v35;
	_ =	sdelay $0x3  }
0x566: {  	[tilespmem:v59+s19+$0x0] =	vst.idx.msk $0xffff, v49  }
0x567: {  	v61 =	vor.u32 v19, v48;
	v49 =	vld.idx.msk [tilespmem:v60+s13+$0x0], $0xffff  }
0x568: {  	v62 =	vor.u32 v51, v36;
	_ =	sdelay $0x3  }
0x569: {  	[tilespmem:v61+s19+$0x0] =	vst.idx.msk $0xffff, v49  }
0x56a: {  	v63 =	vor.u32 v20, v48;
	v49 =	vld.idx.msk [tilespmem:v62+s13+$0x0], $0xffff  }
0x56b: {  	v56 =	vor.u32 v51, v37;
	_ =	sdelay $0x3  }
0x56c: {  	[tilespmem:v63+s19+$0x0] =	vst.idx.msk $0xffff, v49  }
0x56d: {  	v57 =	vor.u32 v21, v48;
	v49 =	vld.idx.msk [tilespmem:v56+s13+$0x0], $0xffff  }
0x56e: {  	v58 =	vor.u32 v51, v38;
	_ =	sdelay $0x3  }
0x56f: {  	[tilespmem:v57+s19+$0x0] =	vst.idx.msk $0xffff, v49  }
0x570: {  	v59 =	vor.u32 v22, v48;
	v49 =	vld.idx.msk [tilespmem:v58+s13+$0x0], $0xffff  }
0x571: {  	v60 =	vor.u32 v51, v39;
	_ =	sdelay $0x3  }
0x572: {  	[tilespmem:v59+s19+$0x0] =	vst.idx.msk $0xffff, v49  }
0x573: {  	v61 =	vor.u32 v23, v48;
	v49 =	vld.idx.msk [tilespmem:v60+s13+$0x0], $0xffff  }
0x574: {  	v62 =	vor.u32 v51, v40;
	_ =	sdelay $0x3  }
0x575: {  	[tilespmem:v61+s19+$0x0] =	vst.idx.msk $0xffff, v49  }
0x576: {  	v63 =	vor.u32 v24, v48;
	v49 =	vld.idx.msk [tilespmem:v62+s13+$0x0], $0xffff  }
0x577: {  	v56 =	vor.u32 v51, v41;
	_ =	sdelay $0x3  }
0x578: {  	[tilespmem:v63+s19+$0x0] =	vst.idx.msk $0xffff, v49  }
0x579: {  	v57 =	vor.u32 v25, v48;
	v49 =	vld.idx.msk [tilespmem:v56+s13+$0x0], $0xffff  }
0x57a: {  	v58 =	vor.u32 v51, v42;
	_ =	sdelay $0x3  }
0x57b: {  	[tilespmem:v57+s19+$0x0] =	vst.idx.msk $0xffff, v49  }
0x57c: {  	v59 =	vor.u32 v26, v48;
	v49 =	vld.idx.msk [tilespmem:v58+s13+$0x0], $0xffff  }
0x57d: {  	v60 =	vor.u32 v51, v43;
	_ =	sdelay $0x3  }
0x57e: {  	[tilespmem:v59+s19+$0x0] =	vst.idx.msk $0xffff, v49  }
0x57f: {  	v61 =	vor.u32 v27, v48;
	v49 =	vld.idx.msk [tilespmem:v60+s13+$0x0], $0xffff  }
0x580: {  	v62 =	vor.u32 v51, v44;
	_ =	sdelay $0x3  }
0x581: {  	[tilespmem:v61+s19+$0x0] =	vst.idx.msk $0xffff, v49  }
0x582: {  	v63 =	vor.u32 v28, v48;
	v49 =	vld.idx.msk [tilespmem:v62+s13+$0x0], $0xffff  }
0x583: {  	v56 =	vor.u32 v51, v45;
	_ =	sdelay $0x3  }
0x584: {  	[tilespmem:v63+s19+$0x0] =	vst.idx.msk $0xffff, v49  }
0x585: {  	v57 =	vor.u32 v29, v48;
	v49 =	vld.idx.msk [tilespmem:v56+s13+$0x0], $0xffff  }
0x586: {  	v58 =	vor.u32 v51, v46;
	_ =	sdelay $0x3  }
0x587: {  	[tilespmem:v57+s19+$0x0] =	vst.idx.msk $0xffff, v49  }
0x588: {  	v59 =	vor.u32 v30, v48;
	v49 =	vld.idx.msk [tilespmem:v58+s13+$0x0], $0xffff  }
0x589: {  	v51 =	vor.u32 v51, v47;
	_ =	sdelay $0x2  }
0x58a: {  	s29 =	sadd.s32 $0x2, s26  }
0x58b: {  	v60 =	vadd.s32 s29, v0;
	[tilespmem:v59+s19+$0x0] =	vst.idx.msk $0xffff, v49  }
0x58c: {  	v48 =	vor.u32 v31, v48;
	v50 =	vld.idx.msk [tilespmem:v51+s13+$0x0], $0xffff;
	v51 =	vand.u32 $0x3F, v60  }
0x58d: {  	v61 =	vor.u32 v51, v32;
	_ =	sdelay $0x1  }
0x58e: {  	v62 =	vshll.u32 v60, $0x8;
	v49 =	vshll.u32 v60, $0x7  }
0x58f: {  	v53 =	vand.u32 $0x3800, v62;
	v49 =	vand.u32 $0x380, v49  }
0x590: {  	[tilespmem:v48+s19+$0x0] =	vst.idx.msk $0xffff, v50;
	v48 =	vor.u32 v49, v53  }
0x591: {  	v63 =	vld.idx.msk [tilespmem:v61+s13+$0x0], $0xffff;
	v56 =	vor.u32 v0, v48  }
0x592: {  	v57 =	vor.u32 v51, v33;
	_ =	sdelay $0x3  }
0x593: {  	[tilespmem:v56+s19+$0x0] =	vst.idx.msk $0xffff, v63  }
0x594: {  	v58 =	vor.u32 v17, v48;
	v49 =	vld.idx.msk [tilespmem:v57+s13+$0x0], $0xffff  }
0x595: {  	v59 =	vor.u32 v51, v34;
	_ =	sdelay $0x3  }
0x596: {  	[tilespmem:v58+s19+$0x0] =	vst.idx.msk $0xffff, v49  }
0x597: {  	v60 =	vor.u32 v18, v48;
	v49 =	vld.idx.msk [tilespmem:v59+s13+$0x0], $0xffff  }
0x598: {  	v61 =	vor.u32 v51, v35;
	_ =	sdelay $0x3  }
0x599: {  	[tilespmem:v60+s19+$0x0] =	vst.idx.msk $0xffff, v49  }
0x59a: {  	v62 =	vor.u32 v19, v48;
	v49 =	vld.idx.msk [tilespmem:v61+s13+$0x0], $0xffff  }
0x59b: {  	v63 =	vor.u32 v51, v36;
	_ =	sdelay $0x3  }
0x59c: {  	[tilespmem:v62+s19+$0x0] =	vst.idx.msk $0xffff, v49  }
0x59d: {  	v56 =	vor.u32 v20, v48;
	v49 =	vld.idx.msk [tilespmem:v63+s13+$0x0], $0xffff  }
0x59e: {  	v57 =	vor.u32 v51, v37;
	_ =	sdelay $0x3  }
0x59f: {  	[tilespmem:v56+s19+$0x0] =	vst.idx.msk $0xffff, v49  }
0x5a0: {  	v58 =	vor.u32 v21, v48;
	v49 =	vld.idx.msk [tilespmem:v57+s13+$0x0], $0xffff  }
0x5a1: {  	v59 =	vor.u32 v51, v38;
	_ =	sdelay $0x3  }
0x5a2: {  	[tilespmem:v58+s19+$0x0] =	vst.idx.msk $0xffff, v49  }
0x5a3: {  	v60 =	vor.u32 v22, v48;
	v49 =	vld.idx.msk [tilespmem:v59+s13+$0x0], $0xffff  }
0x5a4: {  	v61 =	vor.u32 v51, v39;
	_ =	sdelay $0x3  }
0x5a5: {  	[tilespmem:v60+s19+$0x0] =	vst.idx.msk $0xffff, v49  }
0x5a6: {  	v62 =	vor.u32 v23, v48;
	v49 =	vld.idx.msk [tilespmem:v61+s13+$0x0], $0xffff  }
0x5a7: {  	v63 =	vor.u32 v51, v40;
	_ =	sdelay $0x3  }
0x5a8: {  	[tilespmem:v62+s19+$0x0] =	vst.idx.msk $0xffff, v49  }
0x5a9: {  	v56 =	vor.u32 v24, v48;
	v49 =	vld.idx.msk [tilespmem:v63+s13+$0x0], $0xffff  }
0x5aa: {  	v57 =	vor.u32 v51, v41;
	_ =	sdelay $0x3  }
0x5ab: {  	[tilespmem:v56+s19+$0x0] =	vst.idx.msk $0xffff, v49  }
0x5ac: {  	v58 =	vor.u32 v25, v48;
	v49 =	vld.idx.msk [tilespmem:v57+s13+$0x0], $0xffff  }
0x5ad: {  	v59 =	vor.u32 v51, v42;
	_ =	sdelay $0x3  }
0x5ae: {  	[tilespmem:v58+s19+$0x0] =	vst.idx.msk $0xffff, v49  }
0x5af: {  	v60 =	vor.u32 v26, v48;
	v49 =	vld.idx.msk [tilespmem:v59+s13+$0x0], $0xffff  }
0x5b0: {  	v61 =	vor.u32 v51, v43;
	_ =	sdelay $0x3  }
0x5b1: {  	[tilespmem:v60+s19+$0x0] =	vst.idx.msk $0xffff, v49  }
0x5b2: {  	v62 =	vor.u32 v27, v48;
	v49 =	vld.idx.msk [tilespmem:v61+s13+$0x0], $0xffff  }
0x5b3: {  	v63 =	vor.u32 v51, v44;
	_ =	sdelay $0x3  }
0x5b4: {  	[tilespmem:v62+s19+$0x0] =	vst.idx.msk $0xffff, v49  }
0x5b5: {  	v56 =	vor.u32 v28, v48;
	v49 =	vld.idx.msk [tilespmem:v63+s13+$0x0], $0xffff  }
0x5b6: {  	v57 =	vor.u32 v51, v45;
	_ =	sdelay $0x3  }
0x5b7: {  	[tilespmem:v56+s19+$0x0] =	vst.idx.msk $0xffff, v49  }
0x5b8: {  	v58 =	vor.u32 v29, v48;
	v49 =	vld.idx.msk [tilespmem:v57+s13+$0x0], $0xffff  }
0x5b9: {  	v59 =	vor.u32 v51, v46;
	_ =	sdelay $0x3  }
0x5ba: {  	[tilespmem:v58+s19+$0x0] =	vst.idx.msk $0xffff, v49  }
0x5bb: {  	v60 =	vor.u32 v30, v48;
	v49 =	vld.idx.msk [tilespmem:v59+s13+$0x0], $0xffff  }
0x5bc: {  	v51 =	vor.u32 v51, v47;
	_ =	sdelay $0x2  }
0x5bd: {  	s30 =	sadd.s32 $0x3, s26  }
0x5be: {  	v61 =	vadd.s32 s30, v0;
	[tilespmem:v60+s19+$0x0] =	vst.idx.msk $0xffff, v49  }
0x5bf: {  	v48 =	vor.u32 v31, v48;
	v50 =	vld.idx.msk [tilespmem:v51+s13+$0x0], $0xffff;
	v51 =	vand.u32 $0x3F, v61  }
0x5c0: {  	v62 =	vor.u32 v51, v32;
	_ =	sdelay $0x1  }
0x5c1: {  	v63 =	vshll.u32 v61, $0x8;
	v49 =	vshll.u32 v61, $0x7  }
0x5c2: {  	v52 =	vand.u32 $0x3800, v63;
	v49 =	vand.u32 $0x380, v49  }
0x5c3: {  	[tilespmem:v48+s19+$0x0] =	vst.idx.msk $0xffff, v50;
	v48 =	vor.u32 v49, v52  }
0x5c4: {  	v32 =	vld.idx.msk [tilespmem:v62+s13+$0x0], $0xffff;
	v49 =	vor.u32 v0, v48  }
0x5c5: {  	v53 =	vor.u32 v51, v33;
	_ =	sdelay $0x3  }
0x5c6: {  	[tilespmem:v49+s19+$0x0] =	vst.idx.msk $0xffff, v32  }
0x5c7: {  	v54 =	vor.u32 v17, v48;
	v32 =	vld.idx.msk [tilespmem:v53+s13+$0x0], $0xffff  }
0x5c8: {  	v55 =	vor.u32 v51, v34;
	_ =	sdelay $0x3  }
0x5c9: {  	[tilespmem:v54+s19+$0x0] =	vst.idx.msk $0xffff, v32  }
0x5ca: {  	v56 =	vor.u32 v18, v48;
	v32 =	vld.idx.msk [tilespmem:v55+s13+$0x0], $0xffff  }
0x5cb: {  	v57 =	vor.u32 v51, v35;
	_ =	sdelay $0x3  }
0x5cc: {  	[tilespmem:v56+s19+$0x0] =	vst.idx.msk $0xffff, v32  }
0x5cd: {  	v58 =	vor.u32 v19, v48;
	v32 =	vld.idx.msk [tilespmem:v57+s13+$0x0], $0xffff  }
0x5ce: {  	v59 =	vor.u32 v51, v36;
	_ =	sdelay $0x3  }
0x5cf: {  	[tilespmem:v58+s19+$0x0] =	vst.idx.msk $0xffff, v32  }
0x5d0: {  	v60 =	vor.u32 v20, v48;
	v32 =	vld.idx.msk [tilespmem:v59+s13+$0x0], $0xffff  }
0x5d1: {  	v61 =	vor.u32 v51, v37;
	_ =	sdelay $0x3  }
0x5d2: {  	[tilespmem:v60+s19+$0x0] =	vst.idx.msk $0xffff, v32  }
0x5d3: {  	v62 =	vor.u32 v21, v48;
	v32 =	vld.idx.msk [tilespmem:v61+s13+$0x0], $0xffff  }
0x5d4: {  	v63 =	vor.u32 v51, v38;
	_ =	sdelay $0x3  }
0x5d5: {  	[tilespmem:v62+s19+$0x0] =	vst.idx.msk $0xffff, v32  }
0x5d6: {  	v36 =	vor.u32 v22, v48;
	v32 =	vld.idx.msk [tilespmem:v63+s13+$0x0], $0xffff  }
0x5d7: {  	v37 =	vor.u32 v51, v39;
	_ =	sdelay $0x3  }
0x5d8: {  	[tilespmem:v36+s19+$0x0] =	vst.idx.msk $0xffff, v32  }
0x5d9: {  	v38 =	vor.u32 v23, v48;
	v32 =	vld.idx.msk [tilespmem:v37+s13+$0x0], $0xffff  }
0x5da: {  	v39 =	vor.u32 v51, v40;
	_ =	sdelay $0x3  }
0x5db: {  	[tilespmem:v38+s19+$0x0] =	vst.idx.msk $0xffff, v32  }
0x5dc: {  	v40 =	vor.u32 v24, v48;
	v32 =	vld.idx.msk [tilespmem:v39+s13+$0x0], $0xffff  }
0x5dd: {  	v49 =	vor.u32 v51, v41;
	_ =	sdelay $0x3  }
0x5de: {  	[tilespmem:v40+s19+$0x0] =	vst.idx.msk $0xffff, v32  }
0x5df: {  	v50 =	vor.u32 v25, v48;
	v32 =	vld.idx.msk [tilespmem:v49+s13+$0x0], $0xffff  }
0x5e0: {  	v52 =	vor.u32 v51, v42;
	_ =	sdelay $0x3  }
0x5e1: {  	[tilespmem:v50+s19+$0x0] =	vst.idx.msk $0xffff, v32  }
0x5e2: {  	v53 =	vor.u32 v26, v48;
	v32 =	vld.idx.msk [tilespmem:v52+s13+$0x0], $0xffff  }
0x5e3: {  	v54 =	vor.u32 v51, v43;
	_ =	sdelay $0x3  }
0x5e4: {  	[tilespmem:v53+s19+$0x0] =	vst.idx.msk $0xffff, v32  }
0x5e5: {  	v55 =	vor.u32 v27, v48;
	v32 =	vld.idx.msk [tilespmem:v54+s13+$0x0], $0xffff  }
0x5e6: {  	v56 =	vor.u32 v51, v44;
	_ =	sdelay $0x3  }
0x5e7: {  	[tilespmem:v55+s19+$0x0] =	vst.idx.msk $0xffff, v32  }
0x5e8: {  	v57 =	vor.u32 v28, v48;
	v32 =	vld.idx.msk [tilespmem:v56+s13+$0x0], $0xffff  }
0x5e9: {  	v58 =	vor.u32 v51, v45;
	_ =	sdelay $0x3  }
0x5ea: {  	[tilespmem:v57+s19+$0x0] =	vst.idx.msk $0xffff, v32  }
0x5eb: {  	v59 =	vor.u32 v29, v48;
	v32 =	vld.idx.msk [tilespmem:v58+s13+$0x0], $0xffff  }
0x5ec: {  	v60 =	vor.u32 v51, v46;
	_ =	sdelay $0x3  }
0x5ed: {  	[tilespmem:v59+s19+$0x0] =	vst.idx.msk $0xffff, v32  }
0x5ee: {  	v61 =	vor.u32 v30, v48;
	v32 =	vld.idx.msk [tilespmem:v60+s13+$0x0], $0xffff  }
0x5ef: {  	v62 =	vor.u32 v51, v47;
	_ =	sdelay $0x3  }
0x5f0: {  	[tilespmem:v61+s19+$0x0] =	vst.idx.msk $0xffff, v32  }
0x5f1: {  	v63 =	vor.u32 v31, v48;
	v32 =	vld.idx.msk [tilespmem:v62+s13+$0x0], $0xffff  }
0x5f2: {  	s25 =	sadd.s32 s5, s25  }
.Ltmp4:
0x5f3: {  	s31 =	sshll.u32 s25, $0x8;
	(pc) =	sbr.rel @p1 .LBB2_8-.Ltmp4, $4  }
0x5f4: {  	s25 =	sshll.u32 s25, $0xB;
	s26 =	sand.u32 $0x3F00, s31  }
0x5f5: {  	s25 =	sand.u32 $0xFFE0000, s25;
	s26 =	sadd.s32 s2, s26  }
0x5f6: {  	s25 =	sadd.s32 s25, s26;
	[tilespmem:v63+s19+$0x0] =	vst.idx.msk $0xffff, v32  }
0x5f7: {  	[hbm4b:s25+s16] =	stream.strided.scatter [tilespmem:s19], [sflag:$0x4], $0x4000, s17, s16, $0x38;
	[tilespmem:$0x1E600] =	vst v63  }
0x5f8: {  	v32 =	vld [tilespmem:s24+$0x300];
	_ =	sdelay $0x4  }
0x5f9: {  	v32 =	vshra.s32 v32, $0x1  }
0x5fa: {  	[tilespmem:$0x6500] =	vst v32  }
0x5fb: {  	v32 =	vld [tilespmem:s24+$0x310];
	_ =	sdelay $0x4  }
0x5fc: {  	v32 =	vshra.s32 v32, $0x1  }
0x5fd: {  	[tilespmem:$0x6510] =	vst v32  }
0x5fe: {  	v32 =	vld [tilespmem:s24+$0x320];
	_ =	sdelay $0x4  }
0x5ff: {  	v32 =	vshra.s32 v32, $0x1  }
0x600: {  	[tilespmem:$0x6520] =	vst v32  }
0x601: {  	v32 =	vld [tilespmem:s24+$0x330];
	_ =	sdelay $0x4  }
0x602: {  	v32 =	vshra.s32 v32, $0x1  }
0x603: {  	[tilespmem:$0x6530] =	vst v32  }
0x604: {  	v32 =	vld [tilespmem:s24+$0x340];
	_ =	sdelay $0x4  }
0x605: {  	v32 =	vshra.s32 v32, $0x1  }
0x606: {  	[tilespmem:$0x6540] =	vst v32  }
0x607: {  	v32 =	vld [tilespmem:s24+$0x350];
	_ =	sdelay $0x4  }
0x608: {  	v32 =	vshra.s32 v32, $0x1  }
0x609: {  	[tilespmem:$0x6550] =	vst v32  }
0x60a: {  	v32 =	vld [tilespmem:s24+$0x360];
	_ =	sdelay $0x4  }
0x60b: {  	v32 =	vshra.s32 v32, $0x1  }
0x60c: {  	[tilespmem:$0x6560] =	vst v32  }
0x60d: {  	v32 =	vld [tilespmem:s24+$0x370];
	_ =	sdelay $0x4  }
0x60e: {  	v32 =	vshra.s32 v32, $0x1  }
0x60f: {  	[tilespmem:$0x6570] =	vst v32  }
0x610: {  	v32 =	vld [tilespmem:s24+$0x380];
	_ =	sdelay $0x4  }
0x611: {  	v32 =	vshra.s32 v32, $0x1  }
0x612: {  	[tilespmem:$0x6580] =	vst v32  }
0x613: {  	v32 =	vld [tilespmem:s24+$0x390];
	_ =	sdelay $0x4  }
0x614: {  	v32 =	vshra.s32 v32, $0x1  }
0x615: {  	[tilespmem:$0x6590] =	vst v32  }
0x616: {  	v32 =	vld [tilespmem:s24+$0x3A0];
	_ =	sdelay $0x4  }
0x617: {  	v32 =	vshra.s32 v32, $0x1  }
0x618: {  	[tilespmem:$0x65A0] =	vst v32  }
0x619: {  	v32 =	vld [tilespmem:s24+$0x3B0];
	_ =	sdelay $0x4  }
0x61a: {  	v32 =	vshra.s32 v32, $0x1  }
0x61b: {  	[tilespmem:$0x65B0] =	vst v32  }
0x61c: {  	v32 =	vld [tilespmem:s24+$0x3C0];
	_ =	sdelay $0x4  }
0x61d: {  	v32 =	vshra.s32 v32, $0x1  }
0x61e: {  	[tilespmem:$0x65C0] =	vst v32  }
0x61f: {  	v32 =	vld [tilespmem:s24+$0x3D0];
	_ =	sdelay $0x4  }
0x620: {  	v32 =	vshra.s32 v32, $0x1  }
0x621: {  	[tilespmem:$0x65D0] =	vst v32  }
0x622: {  	v32 =	vld [tilespmem:s24+$0x3E0];
	_ =	sdelay $0x4  }
0x623: {  	v32 =	vshra.s32 v32, $0x1  }
0x624: {  	[tilespmem:$0x65E0] =	vst v32  }
0x625: {  	v32 =	vld [tilespmem:s24+$0x3F0];
	_ =	sdelay $0x2  }
.Ltmp5:
0x626: {  	_ = 	snop;
	(pc) =	sbr.rel .LBB2_2-.Ltmp5, $4  }
0x627: {  	_ = 	snop  }
0x628: {  	v32 =	vshra.s32 v32, $0x1  }
0x629: {  	s23 =	sadd.s32 $0x1, s23;
	[tilespmem:$0x65F0] =	vst v32  }
0x62a: {  	[tilespmem:s13], [sflag:$0x2] =	stream.indirect.gather [hbm4b:s4+s9], $0x80, s12, s9, $0xb8;
	[tilespmem:$0x1E600] =	vst v63  }
.LBB2_9:
0x62b: {  	_ =	sfence.sel $0x180000  }
0x62c: {  	[bflag:$0x0] =	sbarrier.arrive $0xFFFF  }
0x62d: {  	p0 =	sne.s32 s0, $0x0;
	_ =	strace $0x90000047  }
0x62e: {  	s0 =	sadd.s32 @!p0 $0x100000, s1;
	[bflag:$0x2] =	sbarrier.arrive $0xFFFF  }
0x62f: {  	[sflag:s0] =	ssyncadd.tile.s32 @!p0 $0x1;
	_ =	shalt  }
.Lfunc_end2:
_tile_overlayer_lowered:
.L_overlay_start_2:
0x630: {  	(tag) =	ssettag $0x2  }
0x631: {  	s0 =	rddreg [dreg:$0x0];
	s2 =	stileid.u32  }
0x632: {  	s1 =	rddreg [dreg:$0x1];
	p0 =	sne.s32 s2, $0x0  }
0x633: {  	s3 =	rddreg [dreg:$0x2];
	[bflag:$0x3] =	sbarrier.arrive $0xFFFF;
	s2 =	simm.s32 @!p0 $0x1C05  }
0x634: {  	[timem:s3], [sflag:s2] =	dma.local @!p0 [hbm:s0], s1  }
0x635: {  	s0 =	simm.s32 @!p0 $0x5  }
0x636: {  	_ =	swait.ge @!p0 [sflag:s0], s1  }
0x637: {  	s1 =	ssub.s32 @!p0 $0x0, s1;
	[sflag:s0] =	ssyncset.done @!p0 $0x0  }
0x638: {  	[sflag:s0] =	ssyncadd.s32 @!p0 s1  }
0x639: {  	[bflag:$0x3] =	sbarrier.arrive $0xFFFF  }
0x63a: {  	_ =	shalt  }

</sc_bundles>
